<compile_context>
chip_gen: v7x
topology: tpu7x:2x2x1
jax: 0.10.2.dev20260603
libtpu: 0.0.44.dev20260713+nightly
codegen_flags: <defaults>
</compile_context>

<pallas_src>
import jax
import jax.numpy as jnp
from jax import lax
from jax.experimental import pallas as pl
from jax.experimental.pallas import tpu as pltpu
from jax.experimental.pallas import tpu_sc as plsc

N = 10000
E = 320000
IN_DIM = 128
HIDDEN = 128
LATENT = 64

NC = 2
NS = 16
BLK = 128
NBLKS = E // BLK
BASE_BLKS = NBLKS // NS
EXTRA = NBLKS - BASE_BLKS * NS
MAXB = BASE_BLKS + 1
ROWS_A = 624
ROWS_LAST = N - ROWS_A * (NS - 1)

_MESH = plsc.VectorSubcoreMesh(
    core_axis_name="c", subcore_axis_name="s", num_cores=NC, num_subcores=NS)


def _make_segsum(DH, with_deg):
  NBUF = 4
  out_type = [jax.ShapeDtypeStruct((NC, N, DH), jnp.float32)]
  if with_deg:
    out_type.append(jax.ShapeDtypeStruct((NC, N, 16), jnp.float32))
  scratch = [
      pltpu.VMEM((MAXB, BLK), jnp.int32),
      pltpu.VMEM((MAXB, BLK), jnp.int32),
  ]
  scratch += [pltpu.VMEM((BLK, DH), jnp.float32) for _ in range(NBUF)]
  scratch += [
      pltpu.VMEM_SHARED((N, DH), jnp.float32),
  ]
  scratch += [pltpu.SemaphoreType.DMA for _ in range(2 * NBUF)]
  if with_deg:
    scratch += [
        pltpu.VMEM((BLK, 16), jnp.float32),
        pltpu.VMEM_SHARED((N, 16), jnp.float32),
    ]

  def body(*refs):
    if with_deg:
      (p_hbm, ei_hbm, z_hbm, ones_hbm, z1_hbm,
       part_hbm, deg_hbm,
       sidx, didx, *rest) = refs
      bufs = rest[:NBUF]
      acc = rest[NBUF]
      gsems = rest[NBUF + 1:2 * NBUF + 1]
      ssems = rest[2 * NBUF + 1:3 * NBUF + 1]
      ones_v, dacc = rest[3 * NBUF + 1:]
    else:
      (p_hbm, ei_hbm, z_hbm,
       part_hbm,
       sidx, didx, *rest) = refs
      bufs = rest[:NBUF]
      acc = rest[NBUF]
      gsems = rest[NBUF + 1:2 * NBUF + 1]
      ssems = rest[2 * NBUF + 1:3 * NBUF + 1]
    c = lax.axis_index("c")
    s = lax.axis_index("s")
    r0 = s * ROWS_A

    def tile_slices(fn):
      @pl.when(s < NS - 1)
      def _():
        fn(r0, ROWS_A)

      @pl.when(s == NS - 1)
      def _():
        fn(ROWS_A * (NS - 1), ROWS_LAST)

    tile_slices(lambda o, n: pltpu.sync_copy(z_hbm.at[pl.ds(o, n)],
                                             acc.at[pl.ds(o, n)]))
    if with_deg:
      tile_slices(lambda o, n: pltpu.sync_copy(z1_hbm.at[pl.ds(o, n)],
                                               dacc.at[pl.ds(o, n)]))
      pltpu.sync_copy(ones_hbm, ones_v)
    plsc.subcore_barrier()

    nblk = BASE_BLKS + jnp.where(s < EXTRA, 1, 0)
    blk0 = BASE_BLKS * s + jnp.minimum(s, EXTRA)

    @pl.when(s < EXTRA)
    def _():
      pltpu.sync_copy(ei_hbm.at[0, pl.ds(blk0, MAXB)], sidx)
      pltpu.sync_copy(ei_hbm.at[1, pl.ds(blk0, MAXB)], didx)

    @pl.when(s >= EXTRA)
    def _():
      pltpu.sync_copy(ei_hbm.at[0, pl.ds(blk0, BASE_BLKS)],
                      sidx.at[pl.ds(0, BASE_BLKS)])
      pltpu.sync_copy(ei_hbm.at[1, pl.ds(blk0, BASE_BLKS)],
                      didx.at[pl.ds(0, BASE_BLKS)])

    def gather_start(g, b):
      for cc in range(NC):
        @pl.when(c == cc)
        def _(cc=cc):
          pltpu.async_copy(p_hbm.at[cc].at[sidx.at[g]], bufs[b], gsems[b])

    def gather_wait(g, b):
      for cc in range(NC):
        @pl.when(c == cc)
        def _(cc=cc):
          pltpu.make_async_copy(p_hbm.at[cc].at[sidx.at[g]], bufs[b],
                                gsems[b]).wait()

    def slot_has_deg(b):
      return with_deg and (b % 2 == 0)

    def scatter_start(g, b):
      pltpu.async_copy(bufs[b], acc.at[didx.at[g]], ssems[b], add=True)
      if slot_has_deg(b):
        for cc in range(NC):
          @pl.when(c == cc)
          def _(cc=cc):
            pltpu.async_copy(ones_v, dacc.at[didx.at[g + cc]], ssems[b],
                             add=True)

    def scatter_wait(g, b):
      pltpu.make_async_copy(bufs[b], acc.at[didx.at[g]], ssems[b]).wait()
      if slot_has_deg(b):
        pltpu.make_async_copy(ones_v, dacc.at[didx.at[g]], ssems[b]).wait()

    P = NBUF // 2
    NT = BASE_BLKS // NBUF
    for k in range(P):
      gather_start(k, k)

    def round_(j, carry):
      for u in range(NBUF):
        g = j * NBUF + u
        bpre = (u + P) % NBUF
        @pl.when((g + P >= NBUF) & (g + P < nblk))
        def _(g=g, bpre=bpre):
          scatter_wait(g + P - NBUF, bpre)

        @pl.when(g + P < nblk)
        def _(g=g, bpre=bpre):
          gather_start(g + P, bpre)

        gather_wait(g, u)
        scatter_start(g, u)
      return carry

    lax.fori_loop(0, NT, round_, 0)

    gt = BASE_BLKS
    bt = BASE_BLKS % NBUF

    @pl.when(s < EXTRA)
    def _():
      scatter_wait(gt - NBUF + P, (gt + P) % NBUF)
      gather_wait(gt, bt)
      pltpu.async_copy(bufs[bt], acc.at[didx.at[gt]], ssems[bt], add=True)
      if with_deg:
        @pl.when(c == 0)
        def _():
          pltpu.async_copy(ones_v, dacc.at[didx.at[gt]], ssems[bt],
                           add=True)

    bw = (gt + P) % NBUF
    for k in range(NBUF):
      g_std = BASE_BLKS - NBUF + k
      if k == bw:
        @pl.when(s >= EXTRA)
        def _(g_std=g_std, k=k):
          scatter_wait(g_std, k)
      elif k == bt:
        @pl.when(s >= EXTRA)
        def _(g_std=g_std, k=k):
          scatter_wait(g_std, k)

        @pl.when(s < EXTRA)
        def _(k=k):
          pltpu.make_async_copy(bufs[k], acc.at[didx.at[gt]],
                                ssems[k]).wait()
          if slot_has_deg(k):
            @pl.when(c == 0)
            def _(k=k):
              pltpu.make_async_copy(ones_v, dacc.at[didx.at[gt]],
                                    ssems[k]).wait()
      else:
        scatter_wait(g_std, k)

    plsc.subcore_barrier()

    tile_slices(lambda o, n: pltpu.sync_copy(acc.at[pl.ds(o, n)],
                                             part_hbm.at[c, pl.ds(o, n)]))
    if with_deg:
      tile_slices(lambda o, n: pltpu.sync_copy(dacc.at[pl.ds(o, n)],
                                               deg_hbm.at[c, pl.ds(o, n)]))

  params = pltpu.CompilerParams(use_tc_tiling_on_sc=False)
  return pl.kernel(body, out_type=tuple(out_type), mesh=_MESH,
                   scratch_types=scratch, compiler_params=params)


_segsum_deg = _make_segsum(HIDDEN // 2, True)
_segsum_l2 = _make_segsum(LATENT // 2, False)


ROWS_TC = 5000


def _tc_pre(x, Wl1a, Wl1b, Wr1):
  def body(x_ref, wla_ref, wlb_ref, wr_ref, p1_ref, r1_ref):
    xb = x_ref[...]
    dn = (((1,), (1,)), ((), ()))
    p1_ref[0] = lax.dot_general(xb, wla_ref[...], dn,
                                preferred_element_type=jnp.float32)
    p1_ref[1] = lax.dot_general(xb, wlb_ref[...], dn,
                                preferred_element_type=jnp.float32)
    r1_ref[...] = lax.dot_general(xb, wr_ref[...], dn,
                                  preferred_element_type=jnp.float32)
  grid = (N // ROWS_TC,)
  H2 = HIDDEN // 2
  return pl.pallas_call(
      body,
      grid=grid,
      in_specs=[
          pl.BlockSpec((ROWS_TC, IN_DIM), lambda i: (i, 0)),
          pl.BlockSpec((H2, IN_DIM), lambda i: (0, 0)),
          pl.BlockSpec((H2, IN_DIM), lambda i: (0, 0)),
          pl.BlockSpec((HIDDEN, IN_DIM), lambda i: (0, 0)),
      ],
      out_specs=[
          pl.BlockSpec((NC, ROWS_TC, H2), lambda i: (0, i, 0)),
          pl.BlockSpec((ROWS_TC, HIDDEN), lambda i: (i, 0)),
      ],
      out_shape=[
          jax.ShapeDtypeStruct((NC, N, H2), jnp.float32),
          jax.ShapeDtypeStruct((N, HIDDEN), jnp.float32),
      ],
  )(x, Wl1a, Wl1b, Wr1)


def _tc_mid(s1p, deg, bl1, r1, Wl2a, Wl2b, Wr2):
  H2 = HIDDEN // 2
  L2 = LATENT // 2

  def body(s1p_ref, deg_ref, bl1_ref, r1_ref, wla_ref, wlb_ref, wr_ref,
           p2_ref, r2_ref):
    ssum = jnp.concatenate([s1p_ref[0], s1p_ref[1]], axis=1)
    d = jnp.maximum(deg_ref[0, :, 0:1] + deg_ref[1, :, 0:1], 1.0)
    h = jnp.maximum(ssum / d + bl1_ref[...] + r1_ref[...], 0.0)
    dn = (((1,), (1,)), ((), ()))
    p2_ref[0] = lax.dot_general(h, wla_ref[...], dn,
                                preferred_element_type=jnp.float32)
    p2_ref[1] = lax.dot_general(h, wlb_ref[...], dn,
                                preferred_element_type=jnp.float32)
    r2_ref[...] = lax.dot_general(h, wr_ref[...], dn,
                                  preferred_element_type=jnp.float32)
  grid = (N // ROWS_TC,)
  return pl.pallas_call(
      body,
      grid=grid,
      in_specs=[
          pl.BlockSpec((NC, ROWS_TC, H2), lambda i: (0, i, 0)),
          pl.BlockSpec((NC, ROWS_TC, 16), lambda i: (0, i, 0)),
          pl.BlockSpec((1, HIDDEN), lambda i: (0, 0)),
          pl.BlockSpec((ROWS_TC, HIDDEN), lambda i: (i, 0)),
          pl.BlockSpec((L2, HIDDEN), lambda i: (0, 0)),
          pl.BlockSpec((L2, HIDDEN), lambda i: (0, 0)),
          pl.BlockSpec((LATENT, HIDDEN), lambda i: (0, 0)),
      ],
      out_specs=[
          pl.BlockSpec((NC, ROWS_TC, L2), lambda i: (0, i, 0)),
          pl.BlockSpec((ROWS_TC, LATENT), lambda i: (i, 0)),
      ],
      out_shape=[
          jax.ShapeDtypeStruct((NC, N, L2), jnp.float32),
          jax.ShapeDtypeStruct((N, LATENT), jnp.float32),
      ],
  )(s1p, deg, bl1, r1, Wl2a, Wl2b, Wr2)


def _tc_post(s2p, deg, bl2, r2, Wd, bd):
  L2 = LATENT // 2

  def body(s2p_ref, deg_ref, bl2_ref, r2_ref, wd_ref, bd_ref,
           z_ref, xh_ref):
    ssum = jnp.concatenate([s2p_ref[0], s2p_ref[1]], axis=1)
    d = jnp.maximum(deg_ref[0, :, 0:1] + deg_ref[1, :, 0:1], 1.0)
    z = ssum / d + bl2_ref[...] + r2_ref[...]
    z_ref[...] = z
    xh_ref[...] = lax.dot_general(z, wd_ref[...], (((1,), (1,)), ((), ())),
                                  preferred_element_type=jnp.float32) + bd_ref[...]
  grid = (N // ROWS_TC,)
  return pl.pallas_call(
      body,
      grid=grid,
      in_specs=[
          pl.BlockSpec((NC, ROWS_TC, L2), lambda i: (0, i, 0)),
          pl.BlockSpec((NC, ROWS_TC, 16), lambda i: (0, i, 0)),
          pl.BlockSpec((1, LATENT), lambda i: (0, 0)),
          pl.BlockSpec((ROWS_TC, LATENT), lambda i: (i, 0)),
          pl.BlockSpec((IN_DIM, LATENT), lambda i: (0, 0)),
          pl.BlockSpec((1, IN_DIM), lambda i: (0, 0)),
      ],
      out_specs=[
          pl.BlockSpec((ROWS_TC, LATENT), lambda i: (i, 0)),
          pl.BlockSpec((ROWS_TC, IN_DIM), lambda i: (i, 0)),
      ],
      out_shape=[
          jax.ShapeDtypeStruct((N, LATENT), jnp.float32),
          jax.ShapeDtypeStruct((N, IN_DIM), jnp.float32),
      ],
  )(s2p, deg, bl2, r2, Wd, bd)


def kernel(x, edge_index, Wl1, bl1, Wr1, Wl2, bl2, Wr2, Wd, bd):
  ei = edge_index.astype(jnp.int32).reshape(2, NBLKS, BLK)

  H2 = HIDDEN // 2
  L2 = LATENT // 2
  ones16 = jnp.zeros((BLK, 16), jnp.float32).at[:, 0].set(1.0)
  zh = jnp.zeros((N, H2), jnp.float32)
  zl = jnp.zeros((N, L2), jnp.float32)
  z16 = jnp.zeros((N, 16), jnp.float32)

  p1, r1 = _tc_pre(x, Wl1[:H2], Wl1[H2:], Wr1)
  s1p, deg = _segsum_deg(p1, ei, zh, ones16, z16)
  p2, r2 = _tc_mid(s1p, deg, bl1.reshape(1, HIDDEN), r1,
                   Wl2[:L2], Wl2[L2:], Wr2)
  (s2p,) = _segsum_l2(p2, ei, zl)
  z, x_hat = _tc_post(s2p, deg, bl2.reshape(1, LATENT), r2, Wd,
                      bd.reshape(1, IN_DIM))
  return (z, x_hat)

# --- scband reference (transcript-rebuilt; emitter-appended) ---
"""Pipeline reference for scband-graph-ae-85315230367791 (READ-ONLY COPY).

The authoritative reference and input builder live on the scoring server;
editing this copy changes nothing except your own understanding.
"""

import jax, jax.numpy as jnp
import numpy as np

N = 10000
E = 320000
IN_DIM = 128
HIDDEN = 128
LATENT = 64


def setup_inputs(seed: int = 0) -> dict:
    key = jax.random.key(seed)
    ks = jax.random.split(key, 12)
    x = jax.random.normal(ks[0], (N, IN_DIM), dtype=jnp.float32)
    edge_index = jax.random.randint(ks[1], (2, E), 0, N, dtype=jnp.int64)
    # SAGEConv enc1: in_dim -> hidden (lin_l acts on aggregated neighbors, lin_r on root)
    Wl1 = jax.random.normal(ks[2], (HIDDEN, IN_DIM), dtype=jnp.float32) * (1.0 / np.sqrt(IN_DIM))
    bl1 = jnp.zeros((HIDDEN,), dtype=jnp.float32)
    Wr1 = jax.random.normal(ks[3], (HIDDEN, IN_DIM), dtype=jnp.float32) * (1.0 / np.sqrt(IN_DIM))
    # SAGEConv enc2: hidden -> latent
    Wl2 = jax.random.normal(ks[4], (LATENT, HIDDEN), dtype=jnp.float32) * (1.0 / np.sqrt(HIDDEN))
    bl2 = jnp.zeros((LATENT,), dtype=jnp.float32)
    Wr2 = jax.random.normal(ks[5], (LATENT, HIDDEN), dtype=jnp.float32) * (1.0 / np.sqrt(HIDDEN))
    # decoder linear: latent -> in_dim
    Wd = jax.random.normal(ks[6], (IN_DIM, LATENT), dtype=jnp.float32) * (1.0 / np.sqrt(LATENT))
    bd = jnp.zeros((IN_DIM,), dtype=jnp.float32)
    return {"x": x, "edge_index": edge_index, "Wl1": Wl1, "bl1": bl1, "Wr1": Wr1,
            "Wl2": Wl2, "bl2": bl2, "Wr2": Wr2, "Wd": Wd, "bd": bd}


def _sage_conv(x, edge_index, Wl, bl, Wr):
    # torch_geometric SAGEConv with mean aggregation:
    # out = lin_l(mean_{j in N(i)} x_j) + lin_r(x_i)
    src = edge_index[0]
    dst = edge_index[1]
    n = x.shape[0]
    msgs = jnp.take(x, src, axis=0)                     # gather  [E, d]
    summed = jax.ops.segment_sum(msgs, dst, num_segments=n)  # scatter-add
    deg = jax.ops.segment_sum(jnp.ones((edge_index.shape[1],), dtype=x.dtype), dst, num_segments=n)
    mean = summed / jnp.clip(deg, 1.0)[:, None]
    return mean @ Wl.T + bl + x @ Wr.T


def reference(x, edge_index, Wl1, bl1, Wr1, Wl2, bl2, Wr2, Wd, bd):
    h = jax.nn.relu(_sage_conv(x, edge_index, Wl1, bl1, Wr1))
    z = _sage_conv(h, edge_index, Wl2, bl2, Wr2)
    x_hat = z @ Wd.T + bd
    return (z, x_hat)

if __name__ == "__main__":
    import jax
    _d = setup_inputs()
    print(jax.jit(kernel)(*tuple(_d.values())))

</pallas_src>

<mosaic_0001>
#map = affine_map<(d0, d1) -> (0, 0, 0)>
#map1 = affine_map<(d0, d1) -> (0, 0)>
module attributes {stable_mosaic.version = 14 : i64} {
  func.func @body(%arg0: i32, %arg1: i32, %arg2: memref<2x10000x64xf32, #tpu.memory_space<hbm>>, %arg3: memref<2x2500x128xi32, #tpu.memory_space<hbm>>, %arg4: memref<10000x64xf32, #tpu.memory_space<hbm>>, %arg5: memref<128x16xf32, #tpu.memory_space<hbm>>, %arg6: memref<10000x16xf32, #tpu.memory_space<hbm>>, %arg7: memref<2x10000x64xf32, #tpu.memory_space<hbm>>, %arg8: memref<2x10000x16xf32, #tpu.memory_space<hbm>>, %arg9: memref<157x128xi32, #tpu.memory_space<vmem>>, %arg10: memref<157x128xi32, #tpu.memory_space<vmem>>, %arg11: memref<128x64xf32, #tpu.memory_space<vmem>>, %arg12: memref<128x64xf32, #tpu.memory_space<vmem>>, %arg13: memref<128x64xf32, #tpu.memory_space<vmem>>, %arg14: memref<128x64xf32, #tpu.memory_space<vmem>>, %arg15: memref<10000x64xf32, #tpu.memory_space<vmem_shared>>, %arg16: memref<!tpu.dma_semaphore, #tpu.memory_space<semaphore_mem>>, %arg17: memref<!tpu.dma_semaphore, #tpu.memory_space<semaphore_mem>>, %arg18: memref<!tpu.dma_semaphore, #tpu.memory_space<semaphore_mem>>, %arg19: memref<!tpu.dma_semaphore, #tpu.memory_space<semaphore_mem>>, %arg20: memref<!tpu.dma_semaphore, #tpu.memory_space<semaphore_mem>>, %arg21: memref<!tpu.dma_semaphore, #tpu.memory_space<semaphore_mem>>, %arg22: memref<!tpu.dma_semaphore, #tpu.memory_space<semaphore_mem>>, %arg23: memref<!tpu.dma_semaphore, #tpu.memory_space<semaphore_mem>>, %arg24: memref<128x16xf32, #tpu.memory_space<vmem>>, %arg25: memref<10000x16xf32, #tpu.memory_space<vmem_shared>>) attributes {dimension_semantics = [#tpu.dimension_semantics<core_parallel>, #tpu.dimension_semantics<subcore_parallel>], iteration_bounds = array<i64: 2, 16>, scalar_prefetch = 0 : i64, scratch_operands = 17 : i64, tpu.core_type = #tpu.core_type<sc_vector_subcore>, window_params = [{transform_indices = #map}, {transform_indices = #map}, {transform_indices = #map1}, {transform_indices = #map1}, {transform_indices = #map1}, {transform_indices = #map}, {transform_indices = #map}]} {
    %mul3A = arith.constant 624 : i32
    %mul3A_0 = arith.muli %arg1, %mul3A : i32
    %lt3A = arith.constant 15 : i32
    %lt3A_1 = arith.cmpi slt, %arg1, %lt3A : i32
    %convert_element_type3A = arith.extui %lt3A_1 : i1 to i32
    %cond3A = arith.constant 0 : i32
    %cond3A_2 = arith.cmpi ne, %convert_element_type3A, %cond3A : i32
    scf.if %cond3A_2 {
      "tpu.region"() ({
        %run_scoped3A = tpu.sem_alloc : memref<!tpu.dma_semaphore, #tpu.memory_space<semaphore_mem>>
        %dma_start3A = arith.constant 0 : i32
        %dma_start3A_113 = tpu.memref_slice %arg15[%mul3A_0, %dma_start3A] : memref<10000x64xf32, #tpu.memory_space<vmem_shared>> -> memref<624x64xf32, #tpu.memory_space<vmem_shared>>
        %dma_start3A_114 = arith.constant 0 : i32
        %dma_start3A_115 = tpu.memref_slice %arg4[%mul3A_0, %dma_start3A_114] : memref<10000x64xf32, #tpu.memory_space<hbm>> -> memref<624x64xf32, #tpu.memory_space<hbm>>
        tpu.enqueue_dma source(%dma_start3A_115 : memref<624x64xf32, #tpu.memory_space<hbm>>) target(%dma_start3A_113 : memref<624x64xf32, #tpu.memory_space<vmem_shared>>) target_semaphore(%run_scoped3A : memref<!tpu.dma_semaphore, #tpu.memory_space<semaphore_mem>>)
        %dma_wait3A_116 = arith.constant 0 : i32
        %dma_wait3A_117 = tpu.memref_slice %arg15[%mul3A_0, %dma_wait3A_116] : memref<10000x64xf32, #tpu.memory_space<vmem_shared>> -> memref<624x64xf32, #tpu.memory_space<vmem_shared>>
        %dma_wait3A_118 = arith.constant 0 : i32
        %dma_wait3A_119 = tpu.memref_slice %arg4[%mul3A_0, %dma_wait3A_118] : memref<10000x64xf32, #tpu.memory_space<hbm>> -> memref<624x64xf32, #tpu.memory_space<hbm>>
        tpu.wait_dma2 semaphore(%run_scoped3A : memref<!tpu.dma_semaphore, #tpu.memory_space<semaphore_mem>>) src(%dma_wait3A_119 : memref<624x64xf32, #tpu.memory_space<hbm>>) dst(%dma_wait3A_117 : memref<624x64xf32, #tpu.memory_space<vmem_shared>>)
        tpu.yield
      }) : () -> ()
    } else {
    }
    %eq3A = arith.constant 15 : i32
    %eq3A_3 = arith.cmpi eq, %arg1, %eq3A : i32
    %convert_element_type3A_4 = arith.extui %eq3A_3 : i1 to i32
    %cond3A_5 = arith.constant 0 : i32
    %cond3A_6 = arith.cmpi ne, %convert_element_type3A_4, %cond3A_5 : i32
    scf.if %cond3A_6 {
      "tpu.region"() ({
        %run_scoped3A = tpu.sem_alloc : memref<!tpu.dma_semaphore, #tpu.memory_space<semaphore_mem>>
        %dma_start3A = arith.constant 9360 : i32
        %dma_start3A_113 = arith.constant 0 : i32
        %dma_start3A_114 = tpu.memref_slice %arg15[%dma_start3A, %dma_start3A_113] : memref<10000x64xf32, #tpu.memory_space<vmem_shared>> -> memref<640x64xf32, #tpu.memory_space<vmem_shared>>
        %dma_start3A_115 = arith.constant 9360 : i32
        %dma_start3A_116 = arith.constant 0 : i32
        %dma_start3A_117 = tpu.memref_slice %arg4[%dma_start3A_115, %dma_start3A_116] : memref<10000x64xf32, #tpu.memory_space<hbm>> -> memref<640x64xf32, #tpu.memory_space<hbm>>
        tpu.enqueue_dma source(%dma_start3A_117 : memref<640x64xf32, #tpu.memory_space<hbm>>) target(%dma_start3A_114 : memref<640x64xf32, #tpu.memory_space<vmem_shared>>) target_semaphore(%run_scoped3A : memref<!tpu.dma_semaphore, #tpu.memory_space<semaphore_mem>>)
        %dma_wait3A_118 = arith.constant 9360 : i32
        %dma_wait3A_119 = arith.constant 0 : i32
        %dma_wait3A_120 = tpu.memref_slice %arg15[%dma_wait3A_118, %dma_wait3A_119] : memref<10000x64xf32, #tpu.memory_space<vmem_shared>> -> memref<640x64xf32, #tpu.memory_space<vmem_shared>>
        %dma_wait3A_121 = arith.constant 9360 : i32
        %dma_wait3A_122 = arith.constant 0 : i32
        %dma_wait3A_123 = tpu.memref_slice %arg4[%dma_wait3A_121, %dma_wait3A_122] : memref<10000x64xf32, #tpu.memory_space<hbm>> -> memref<640x64xf32, #tpu.memory_space<hbm>>
        tpu.wait_dma2 semaphore(%run_scoped3A : memref<!tpu.dma_semaphore, #tpu.memory_space<semaphore_mem>>) src(%dma_wait3A_123 : memref<640x64xf32, #tpu.memory_space<hbm>>) dst(%dma_wait3A_120 : memref<640x64xf32, #tpu.memory_space<vmem_shared>>)
        tpu.yield
      }) : () -> ()
    } else {
    }
    %lt3A_7 = arith.constant 15 : i32
    %lt3A_8 = arith.cmpi slt, %arg1, %lt3A_7 : i32
    %convert_element_type3A_9 = arith.extui %lt3A_8 : i1 to i32
    %cond3A_10 = arith.constant 0 : i32
    %cond3A_11 = arith.cmpi ne, %convert_element_type3A_9, %cond3A_10 : i32
    scf.if %cond3A_11 {
      "tpu.region"() ({
        %run_scoped3A = tpu.sem_alloc : memref<!tpu.dma_semaphore, #tpu.memory_space<semaphore_mem>>
        %dma_start3A = arith.constant 0 : i32
        %dma_start3A_113 = tpu.memref_slice %arg25[%mul3A_0, %dma_start3A] : memref<10000x16xf32, #tpu.memory_space<vmem_shared>> -> memref<624x16xf32, #tpu.memory_space<vmem_shared>>
        %dma_start3A_114 = arith.constant 0 : i32
        %dma_start3A_115 = tpu.memref_slice %arg6[%mul3A_0, %dma_start3A_114] : memref<10000x16xf32, #tpu.memory_space<hbm>> -> memref<624x16xf32, #tpu.memory_space<hbm>>
        tpu.enqueue_dma source(%dma_start3A_115 : memref<624x16xf32, #tpu.memory_space<hbm>>) target(%dma_start3A_113 : memref<624x16xf32, #tpu.memory_space<vmem_shared>>) target_semaphore(%run_scoped3A : memref<!tpu.dma_semaphore, #tpu.memory_space<semaphore_mem>>)
        %dma_wait3A_116 = arith.constant 0 : i32
        %dma_wait3A_117 = tpu.memref_slice %arg25[%mul3A_0, %dma_wait3A_116] : memref<10000x16xf32, #tpu.memory_space<vmem_shared>> -> memref<624x16xf32, #tpu.memory_space<vmem_shared>>
        %dma_wait3A_118 = arith.constant 0 : i32
        %dma_wait3A_119 = tpu.memref_slice %arg6[%mul3A_0, %dma_wait3A_118] : memref<10000x16xf32, #tpu.memory_space<hbm>> -> memref<624x16xf32, #tpu.memory_space<hbm>>
        tpu.wait_dma2 semaphore(%run_scoped3A : memref<!tpu.dma_semaphore, #tpu.memory_space<semaphore_mem>>) src(%dma_wait3A_119 : memref<624x16xf32, #tpu.memory_space<hbm>>) dst(%dma_wait3A_117 : memref<624x16xf32, #tpu.memory_space<vmem_shared>>)
        tpu.yield
      }) : () -> ()
    } else {
    }
    %eq3A_12 = arith.constant 15 : i32
    %eq3A_13 = arith.cmpi eq, %arg1, %eq3A_12 : i32
    %convert_element_type3A_14 = arith.extui %eq3A_13 : i1 to i32
    %cond3A_15 = arith.constant 0 : i32
    %cond3A_16 = arith.cmpi ne, %convert_element_type3A_14, %cond3A_15 : i32
    scf.if %cond3A_16 {
      "tpu.region"() ({
        %run_scoped3A = tpu.sem_alloc : memref<!tpu.dma_semaphore, #tpu.memory_space<semaphore_mem>>
        %dma_start3A = arith.constant 9360 : i32
        %dma_start3A_113 = arith.constant 0 : i32
        %dma_start3A_114 = tpu.memref_slice %arg25[%dma_start3A, %dma_start3A_113] : memref<10000x16xf32, #tpu.memory_space<vmem_shared>> -> memref<640x16xf32, #tpu.memory_space<vmem_shared>>
        %dma_start3A_115 = arith.constant 9360 : i32
        %dma_start3A_116 = arith.constant 0 : i32
        %dma_start3A_117 = tpu.memref_slice %arg6[%dma_start3A_115, %dma_start3A_116] : memref<10000x16xf32, #tpu.memory_space<hbm>> -> memref<640x16xf32, #tpu.memory_space<hbm>>
        tpu.enqueue_dma source(%dma_start3A_117 : memref<640x16xf32, #tpu.memory_space<hbm>>) target(%dma_start3A_114 : memref<640x16xf32, #tpu.memory_space<vmem_shared>>) target_semaphore(%run_scoped3A : memref<!tpu.dma_semaphore, #tpu.memory_space<semaphore_mem>>)
        %dma_wait3A_118 = arith.constant 9360 : i32
        %dma_wait3A_119 = arith.constant 0 : i32
        %dma_wait3A_120 = tpu.memref_slice %arg25[%dma_wait3A_118, %dma_wait3A_119] : memref<10000x16xf32, #tpu.memory_space<vmem_shared>> -> memref<640x16xf32, #tpu.memory_space<vmem_shared>>
        %dma_wait3A_121 = arith.constant 9360 : i32
        %dma_wait3A_122 = arith.constant 0 : i32
        %dma_wait3A_123 = tpu.memref_slice %arg6[%dma_wait3A_121, %dma_wait3A_122] : memref<10000x16xf32, #tpu.memory_space<hbm>> -> memref<640x16xf32, #tpu.memory_space<hbm>>
        tpu.wait_dma2 semaphore(%run_scoped3A : memref<!tpu.dma_semaphore, #tpu.memory_space<semaphore_mem>>) src(%dma_wait3A_123 : memref<640x16xf32, #tpu.memory_space<hbm>>) dst(%dma_wait3A_120 : memref<640x16xf32, #tpu.memory_space<vmem_shared>>)
        tpu.yield
      }) : () -> ()
    } else {
    }
    "tpu.region"() ({
      %run_scoped3A = tpu.sem_alloc : memref<!tpu.dma_semaphore, #tpu.memory_space<semaphore_mem>>
      tpu.enqueue_dma source(%arg5 : memref<128x16xf32, #tpu.memory_space<hbm>>) target(%arg24 : memref<128x16xf32, #tpu.memory_space<vmem>>) target_semaphore(%run_scoped3A : memref<!tpu.dma_semaphore, #tpu.memory_space<semaphore_mem>>)
      tpu.wait_dma2 semaphore(%run_scoped3A : memref<!tpu.dma_semaphore, #tpu.memory_space<semaphore_mem>>) src(%arg5 : memref<128x16xf32, #tpu.memory_space<hbm>>) dst(%arg24 : memref<128x16xf32, #tpu.memory_space<vmem>>)
      tpu.yield
    }) : () -> ()
    %barrier3A = arith.constant 0 : index
    tpu.barrier barrier_id(%barrier3A)
    %lt3A_17 = arith.constant 4 : i32
    %lt3A_18 = arith.cmpi slt, %arg1, %lt3A_17 : i32
    %jit3A = arith.constant 1 : i32
    %jit3A_19 = arith.constant 0 : i32
    %select_n3A = arith.select %lt3A_18, %jit3A, %jit3A_19 : i32
    %add3A = arith.constant 156 : i32
    %add3A_20 = arith.addi %add3A, %select_n3A : i32
    %mul3A_21 = arith.constant 156 : i32
    %mul3A_22 = arith.muli %mul3A_21, %arg1 : i32
    %min3A = arith.constant 4 : i32
    %min3A_23 = arith.minsi %arg1, %min3A : i32
    %add3A_24 = arith.addi %mul3A_22, %min3A_23 : i32
    %lt3A_25 = arith.constant 4 : i32
    %lt3A_26 = arith.cmpi slt, %arg1, %lt3A_25 : i32
    %convert_element_type3A_27 = arith.extui %lt3A_26 : i1 to i32
    %cond3A_28 = arith.constant 0 : i32
    %cond3A_29 = arith.cmpi ne, %convert_element_type3A_27, %cond3A_28 : i32
    scf.if %cond3A_29 {
      %run_scoped3A = arith.constant 0 : i32
      "tpu.region"() ({
        %run_scoped3A_114 = tpu.sem_alloc : memref<!tpu.dma_semaphore, #tpu.memory_space<semaphore_mem>>
        %dma_start3A = arith.constant 0 : i32
        %dma_start3A_115 = tpu.memref_slice %arg3[%run_scoped3A, %add3A_24, %dma_start3A] : memref<2x2500x128xi32, #tpu.memory_space<hbm>> -> memref<1x157x128xi32, #tpu.memory_space<hbm>>
        %dma_start3A_116 = tpu.memref_squeeze %dma_start3A_115 : memref<1x157x128xi32, #tpu.memory_space<hbm>> -> memref<157x128xi32, #tpu.memory_space<hbm>>
        %dma_start3A_117 = arith.constant 0 : i32
        %dma_start3A_118 = tpu.memref_slice %arg3[%run_scoped3A, %add3A_24, %dma_start3A_117] : memref<2x2500x128xi32, #tpu.memory_space<hbm>> -> memref<1x157x128xi32, #tpu.memory_space<hbm>>
        %dma_start3A_119 = tpu.memref_squeeze %dma_start3A_118 : memref<1x157x128xi32, #tpu.memory_space<hbm>> -> memref<157x128xi32, #tpu.memory_space<hbm>>
        tpu.enqueue_dma source(%dma_start3A_119 : memref<157x128xi32, #tpu.memory_space<hbm>>) target(%arg9 : memref<157x128xi32, #tpu.memory_space<vmem>>) target_semaphore(%run_scoped3A_114 : memref<!tpu.dma_semaphore, #tpu.memory_space<semaphore_mem>>)
        %dma_wait3A_120 = arith.constant 0 : i32
        %dma_wait3A_121 = tpu.memref_slice %arg3[%run_scoped3A, %add3A_24, %dma_wait3A_120] : memref<2x2500x128xi32, #tpu.memory_space<hbm>> -> memref<1x157x128xi32, #tpu.memory_space<hbm>>
        %dma_wait3A_122 = tpu.memref_squeeze %dma_wait3A_121 : memref<1x157x128xi32, #tpu.memory_space<hbm>> -> memref<157x128xi32, #tpu.memory_space<hbm>>
        %dma_wait3A_123 = arith.constant 0 : i32
        %dma_wait3A_124 = tpu.memref_slice %arg3[%run_scoped3A, %add3A_24, %dma_wait3A_123] : memref<2x2500x128xi32, #tpu.memory_space<hbm>> -> memref<1x157x128xi32, #tpu.memory_space<hbm>>
        %dma_wait3A_125 = tpu.memref_squeeze %dma_wait3A_124 : memref<1x157x128xi32, #tpu.memory_space<hbm>> -> memref<157x128xi32, #tpu.memory_space<hbm>>
        tpu.wait_dma2 semaphore(%run_scoped3A_114 : memref<!tpu.dma_semaphore, #tpu.memory_space<semaphore_mem>>) src(%dma_wait3A_125 : memref<157x128xi32, #tpu.memory_space<hbm>>) dst(%arg9 : memref<157x128xi32, #tpu.memory_space<vmem>>)
        tpu.yield
      }) : () -> ()
      %run_scoped3A_113 = arith.constant 1 : i32
      "tpu.region"() ({
        %run_scoped3A_114 = tpu.sem_alloc : memref<!tpu.dma_semaphore, #tpu.memory_space<semaphore_mem>>
        %dma_start3A = arith.constant 0 : i32
        %dma_start3A_115 = tpu.memref_slice %arg3[%run_scoped3A_113, %add3A_24, %dma_start3A] : memref<2x2500x128xi32, #tpu.memory_space<hbm>> -> memref<1x157x128xi32, #tpu.memory_space<hbm>>
        %dma_start3A_116 = tpu.memref_squeeze %dma_start3A_115 : memref<1x157x128xi32, #tpu.memory_space<hbm>> -> memref<157x128xi32, #tpu.memory_space<hbm>>
        %dma_start3A_117 = arith.constant 0 : i32
        %dma_start3A_118 = tpu.memref_slice %arg3[%run_scoped3A_113, %add3A_24, %dma_start3A_117] : memref<2x2500x128xi32, #tpu.memory_space<hbm>> -> memref<1x157x128xi32, #tpu.memory_space<hbm>>
        %dma_start3A_119 = tpu.memref_squeeze %dma_start3A_118 : memref<1x157x128xi32, #tpu.memory_space<hbm>> -> memref<157x128xi32, #tpu.memory_space<hbm>>
        tpu.enqueue_dma source(%dma_start3A_119 : memref<157x128xi32, #tpu.memory_space<hbm>>) target(%arg10 : memref<157x128xi32, #tpu.memory_space<vmem>>) target_semaphore(%run_scoped3A_114 : memref<!tpu.dma_semaphore, #tpu.memory_space<semaphore_mem>>)
        %dma_wait3A_120 = arith.constant 0 : i32
        %dma_wait3A_121 = tpu.memref_slice %arg3[%run_scoped3A_113, %add3A_24, %dma_wait3A_120] : memref<2x2500x128xi32, #tpu.memory_space<hbm>> -> memref<1x157x128xi32, #tpu.memory_space<hbm>>
        %dma_wait3A_122 = tpu.memref_squeeze %dma_wait3A_121 : memref<1x157x128xi32, #tpu.memory_space<hbm>> -> memref<157x128xi32, #tpu.memory_space<hbm>>
        %dma_wait3A_123 = arith.constant 0 : i32
        %dma_wait3A_124 = tpu.memref_slice %arg3[%run_scoped3A_113, %add3A_24, %dma_wait3A_123] : memref<2x2500x128xi32, #tpu.memory_space<hbm>> -> memref<1x157x128xi32, #tpu.memory_space<hbm>>
        %dma_wait3A_125 = tpu.memref_squeeze %dma_wait3A_124 : memref<1x157x128xi32, #tpu.memory_space<hbm>> -> memref<157x128xi32, #tpu.memory_space<hbm>>
        tpu.wait_dma2 semaphore(%run_scoped3A_114 : memref<!tpu.dma_semaphore, #tpu.memory_space<semaphore_mem>>) src(%dma_wait3A_125 : memref<157x128xi32, #tpu.memory_space<hbm>>) dst(%arg10 : memref<157x128xi32, #tpu.memory_space<vmem>>)
        tpu.yield
      }) : () -> ()
    } else {
    }
    %ge3A = arith.constant 4 : i32
    %ge3A_30 = arith.cmpi sge, %arg1, %ge3A : i32
    %convert_element_type3A_31 = arith.extui %ge3A_30 : i1 to i32
    %cond3A_32 = arith.constant 0 : i32
    %cond3A_33 = arith.cmpi ne, %convert_element_type3A_31, %cond3A_32 : i32
    scf.if %cond3A_33 {
      %run_scoped3A = arith.constant 0 : i32
      "tpu.region"() ({
        %run_scoped3A_114 = tpu.sem_alloc : memref<!tpu.dma_semaphore, #tpu.memory_space<semaphore_mem>>
        %dma_start3A = arith.constant 0 : i32
        %dma_start3A_115 = arith.constant 0 : i32
        %dma_start3A_116 = tpu.memref_slice %arg9[%dma_start3A, %dma_start3A_115] : memref<157x128xi32, #tpu.memory_space<vmem>> -> memref<156x128xi32, #tpu.memory_space<vmem>>
        %dma_start3A_117 = arith.constant 0 : i32
        %dma_start3A_118 = tpu.memref_slice %arg3[%run_scoped3A, %add3A_24, %dma_start3A_117] : memref<2x2500x128xi32, #tpu.memory_space<hbm>> -> memref<1x156x128xi32, #tpu.memory_space<hbm>>
        %dma_start3A_119 = tpu.memref_squeeze %dma_start3A_118 : memref<1x156x128xi32, #tpu.memory_space<hbm>> -> memref<156x128xi32, #tpu.memory_space<hbm>>
        %dma_start3A_120 = arith.constant 0 : i32
        %dma_start3A_121 = arith.constant 0 : i32
        %dma_start3A_122 = tpu.memref_slice %arg9[%dma_start3A_120, %dma_start3A_121] : memref<157x128xi32, #tpu.memory_space<vmem>> -> memref<156x128xi32, #tpu.memory_space<vmem>>
        %dma_start3A_123 = arith.constant 0 : i32
        %dma_start3A_124 = tpu.memref_slice %arg3[%run_scoped3A, %add3A_24, %dma_start3A_123] : memref<2x2500x128xi32, #tpu.memory_space<hbm>> -> memref<1x156x128xi32, #tpu.memory_space<hbm>>
        %dma_start3A_125 = tpu.memref_squeeze %dma_start3A_124 : memref<1x156x128xi32, #tpu.memory_space<hbm>> -> memref<156x128xi32, #tpu.memory_space<hbm>>
        tpu.enqueue_dma source(%dma_start3A_125 : memref<156x128xi32, #tpu.memory_space<hbm>>) target(%dma_start3A_122 : memref<156x128xi32, #tpu.memory_space<vmem>>) target_semaphore(%run_scoped3A_114 : memref<!tpu.dma_semaphore, #tpu.memory_space<semaphore_mem>>)
        %dma_wait3A_126 = arith.constant 0 : i32
        %dma_wait3A_127 = arith.constant 0 : i32
        %dma_wait3A_128 = tpu.memref_slice %arg9[%dma_wait3A_126, %dma_wait3A_127] : memref<157x128xi32, #tpu.memory_space<vmem>> -> memref<156x128xi32, #tpu.memory_space<vmem>>
        %dma_wait3A_129 = arith.constant 0 : i32
        %dma_wait3A_130 = tpu.memref_slice %arg3[%run_scoped3A, %add3A_24, %dma_wait3A_129] : memref<2x2500x128xi32, #tpu.memory_space<hbm>> -> memref<1x156x128xi32, #tpu.memory_space<hbm>>
        %dma_wait3A_131 = tpu.memref_squeeze %dma_wait3A_130 : memref<1x156x128xi32, #tpu.memory_space<hbm>> -> memref<156x128xi32, #tpu.memory_space<hbm>>
        %dma_wait3A_132 = arith.constant 0 : i32
        %dma_wait3A_133 = arith.constant 0 : i32
        %dma_wait3A_134 = tpu.memref_slice %arg9[%dma_wait3A_132, %dma_wait3A_133] : memref<157x128xi32, #tpu.memory_space<vmem>> -> memref<156x128xi32, #tpu.memory_space<vmem>>
        %dma_wait3A_135 = arith.constant 0 : i32
        %dma_wait3A_136 = tpu.memref_slice %arg3[%run_scoped3A, %add3A_24, %dma_wait3A_135] : memref<2x2500x128xi32, #tpu.memory_space<hbm>> -> memref<1x156x128xi32, #tpu.memory_space<hbm>>
        %dma_wait3A_137 = tpu.memref_squeeze %dma_wait3A_136 : memref<1x156x128xi32, #tpu.memory_space<hbm>> -> memref<156x128xi32, #tpu.memory_space<hbm>>
        tpu.wait_dma2 semaphore(%run_scoped3A_114 : memref<!tpu.dma_semaphore, #tpu.memory_space<semaphore_mem>>) src(%dma_wait3A_137 : memref<156x128xi32, #tpu.memory_space<hbm>>) dst(%dma_wait3A_134 : memref<156x128xi32, #tpu.memory_space<vmem>>)
        tpu.yield
      }) : () -> ()
      %run_scoped3A_113 = arith.constant 1 : i32
      "tpu.region"() ({
        %run_scoped3A_114 = tpu.sem_alloc : memref<!tpu.dma_semaphore, #tpu.memory_space<semaphore_mem>>
        %dma_start3A = arith.constant 0 : i32
        %dma_start3A_115 = arith.constant 0 : i32
        %dma_start3A_116 = tpu.memref_slice %arg10[%dma_start3A, %dma_start3A_115] : memref<157x128xi32, #tpu.memory_space<vmem>> -> memref<156x128xi32, #tpu.memory_space<vmem>>
        %dma_start3A_117 = arith.constant 0 : i32
        %dma_start3A_118 = tpu.memref_slice %arg3[%run_scoped3A_113, %add3A_24, %dma_start3A_117] : memref<2x2500x128xi32, #tpu.memory_space<hbm>> -> memref<1x156x128xi32, #tpu.memory_space<hbm>>
        %dma_start3A_119 = tpu.memref_squeeze %dma_start3A_118 : memref<1x156x128xi32, #tpu.memory_space<hbm>> -> memref<156x128xi32, #tpu.memory_space<hbm>>
        %dma_start3A_120 = arith.constant 0 : i32
        %dma_start3A_121 = arith.constant 0 : i32
        %dma_start3A_122 = tpu.memref_slice %arg10[%dma_start3A_120, %dma_start3A_121] : memref<157x128xi32, #tpu.memory_space<vmem>> -> memref<156x128xi32, #tpu.memory_space<vmem>>
        %dma_start3A_123 = arith.constant 0 : i32
        %dma_start3A_124 = tpu.memref_slice %arg3[%run_scoped3A_113, %add3A_24, %dma_start3A_123] : memref<2x2500x128xi32, #tpu.memory_space<hbm>> -> memref<1x156x128xi32, #tpu.memory_space<hbm>>
        %dma_start3A_125 = tpu.memref_squeeze %dma_start3A_124 : memref<1x156x128xi32, #tpu.memory_space<hbm>> -> memref<156x128xi32, #tpu.memory_space<hbm>>
        tpu.enqueue_dma source(%dma_start3A_125 : memref<156x128xi32, #tpu.memory_space<hbm>>) target(%dma_start3A_122 : memref<156x128xi32, #tpu.memory_space<vmem>>) target_semaphore(%run_scoped3A_114 : memref<!tpu.dma_semaphore, #tpu.memory_space<semaphore_mem>>)
        %dma_wait3A_126 = arith.constant 0 : i32
        %dma_wait3A_127 = arith.constant 0 : i32
        %dma_wait3A_128 = tpu.memref_slice %arg10[%dma_wait3A_126, %dma_wait3A_127] : memref<157x128xi32, #tpu.memory_space<vmem>> -> memref<156x128xi32, #tpu.memory_space<vmem>>
        %dma_wait3A_129 = arith.constant 0 : i32
        %dma_wait3A_130 = tpu.memref_slice %arg3[%run_scoped3A_113, %add3A_24, %dma_wait3A_129] : memref<2x2500x128xi32, #tpu.memory_space<hbm>> -> memref<1x156x128xi32, #tpu.memory_space<hbm>>
        %dma_wait3A_131 = tpu.memref_squeeze %dma_wait3A_130 : memref<1x156x128xi32, #tpu.memory_space<hbm>> -> memref<156x128xi32, #tpu.memory_space<hbm>>
        %dma_wait3A_132 = arith.constant 0 : i32
        %dma_wait3A_133 = arith.constant 0 : i32
        %dma_wait3A_134 = tpu.memref_slice %arg10[%dma_wait3A_132, %dma_wait3A_133] : memref<157x128xi32, #tpu.memory_space<vmem>> -> memref<156x128xi32, #tpu.memory_space<vmem>>
        %dma_wait3A_135 = arith.constant 0 : i32
        %dma_wait3A_136 = tpu.memref_slice %arg3[%run_scoped3A_113, %add3A_24, %dma_wait3A_135] : memref<2x2500x128xi32, #tpu.memory_space<hbm>> -> memref<1x156x128xi32, #tpu.memory_space<hbm>>
        %dma_wait3A_137 = tpu.memref_squeeze %dma_wait3A_136 : memref<1x156x128xi32, #tpu.memory_space<hbm>> -> memref<156x128xi32, #tpu.memory_space<hbm>>
        tpu.wait_dma2 semaphore(%run_scoped3A_114 : memref<!tpu.dma_semaphore, #tpu.memory_space<semaphore_mem>>) src(%dma_wait3A_137 : memref<156x128xi32, #tpu.memory_space<hbm>>) dst(%dma_wait3A_134 : memref<156x128xi32, #tpu.memory_space<vmem>>)
        tpu.yield
      }) : () -> ()
    } else {
    }
    %eq3A_34 = arith.constant 0 : i32
    %eq3A_35 = arith.cmpi eq, %arg0, %eq3A_34 : i32
    %convert_element_type3A_36 = arith.extui %eq3A_35 : i1 to i32
    %cond3A_37 = arith.constant 0 : i32
    %cond3A_38 = arith.cmpi ne, %convert_element_type3A_36, %cond3A_37 : i32
    scf.if %cond3A_38 {
      %dma_start3A = arith.constant 0 : i32
      %dma_start3A_113 = arith.constant 0 : i32
      %dma_start3A_114 = arith.constant 0 : i32
      %dma_start3A_115 = tpu.memref_slice %arg9[%dma_start3A_113, %dma_start3A_114] : memref<157x128xi32, #tpu.memory_space<vmem>> -> memref<1x128xi32, #tpu.memory_space<vmem>>
      %dma_start3A_116 = tpu.memref_squeeze %dma_start3A_115 : memref<1x128xi32, #tpu.memory_space<vmem>> -> memref<128xi32, #tpu.memory_space<vmem>>
      %dma_start3A_117 = arith.constant 0 : i32
      %dma_start3A_118 = arith.constant 0 : i32
      %dma_start3A_119 = tpu.memref_slice %arg2[%dma_start3A, %dma_start3A_117, %dma_start3A_118] : memref<2x10000x64xf32, #tpu.memory_space<hbm>> -> memref<1x10000x64xf32, #tpu.memory_space<hbm>>
      %dma_start3A_120 = tpu.memref_squeeze %dma_start3A_119 : memref<1x10000x64xf32, #tpu.memory_space<hbm>> -> memref<10000x64xf32, #tpu.memory_space<hbm>>
      %dma_start3A_121 = arith.constant 0 : i32
      %dma_start3A_122 = arith.constant 0 : i32
      %dma_start3A_123 = tpu.memref_slice %dma_start3A_120[%dma_start3A_121, %dma_start3A_122] : memref<10000x64xf32, #tpu.memory_space<hbm>> -> memref<10000x64xf32, #tpu.memory_space<hbm>>
      tpu.enqueue_indirect_dma source(%dma_start3A_123 : memref<10000x64xf32, #tpu.memory_space<hbm>>) target(%arg11 : memref<128x64xf32, #tpu.memory_space<vmem>>) offsets(%dma_start3A_116 : memref<128xi32, #tpu.memory_space<vmem>>) semaphore(%arg16 : memref<!tpu.dma_semaphore, #tpu.memory_space<semaphore_mem>>)
    } else {
    }
    %eq3A_39 = arith.constant 1 : i32
    %eq3A_40 = arith.cmpi eq, %arg0, %eq3A_39 : i32
    %convert_element_type3A_41 = arith.extui %eq3A_40 : i1 to i32
    %cond3A_42 = arith.constant 0 : i32
    %cond3A_43 = arith.cmpi ne, %convert_element_type3A_41, %cond3A_42 : i32
    scf.if %cond3A_43 {
      %dma_start3A = arith.constant 1 : i32
      %dma_start3A_113 = arith.constant 0 : i32
      %dma_start3A_114 = arith.constant 0 : i32
      %dma_start3A_115 = tpu.memref_slice %arg9[%dma_start3A_113, %dma_start3A_114] : memref<157x128xi32, #tpu.memory_space<vmem>> -> memref<1x128xi32, #tpu.memory_space<vmem>>
      %dma_start3A_116 = tpu.memref_squeeze %dma_start3A_115 : memref<1x128xi32, #tpu.memory_space<vmem>> -> memref<128xi32, #tpu.memory_space<vmem>>
      %dma_start3A_117 = arith.constant 0 : i32
      %dma_start3A_118 = arith.constant 0 : i32
      %dma_start3A_119 = tpu.memref_slice %arg2[%dma_start3A, %dma_start3A_117, %dma_start3A_118] : memref<2x10000x64xf32, #tpu.memory_space<hbm>> -> memref<1x10000x64xf32, #tpu.memory_space<hbm>>
      %dma_start3A_120 = tpu.memref_squeeze %dma_start3A_119 : memref<1x10000x64xf32, #tpu.memory_space<hbm>> -> memref<10000x64xf32, #tpu.memory_space<hbm>>
      %dma_start3A_121 = arith.constant 0 : i32
      %dma_start3A_122 = arith.constant 0 : i32
      %dma_start3A_123 = tpu.memref_slice %dma_start3A_120[%dma_start3A_121, %dma_start3A_122] : memref<10000x64xf32, #tpu.memory_space<hbm>> -> memref<10000x64xf32, #tpu.memory_space<hbm>>
      tpu.enqueue_indirect_dma source(%dma_start3A_123 : memref<10000x64xf32, #tpu.memory_space<hbm>>) target(%arg11 : memref<128x64xf32, #tpu.memory_space<vmem>>) offsets(%dma_start3A_116 : memref<128xi32, #tpu.memory_space<vmem>>) semaphore(%arg16 : memref<!tpu.dma_semaphore, #tpu.memory_space<semaphore_mem>>)
    } else {
    }
    %eq3A_44 = arith.constant 0 : i32
    %eq3A_45 = arith.cmpi eq, %arg0, %eq3A_44 : i32
    %convert_element_type3A_46 = arith.extui %eq3A_45 : i1 to i32
    %cond3A_47 = arith.constant 0 : i32
    %cond3A_48 = arith.cmpi ne, %convert_element_type3A_46, %cond3A_47 : i32
    scf.if %cond3A_48 {
      %dma_start3A = arith.constant 0 : i32
      %dma_start3A_113 = arith.constant 1 : i32
      %dma_start3A_114 = arith.constant 0 : i32
      %dma_start3A_115 = tpu.memref_slice %arg9[%dma_start3A_113, %dma_start3A_114] : memref<157x128xi32, #tpu.memory_space<vmem>> -> memref<1x128xi32, #tpu.memory_space<vmem>>
      %dma_start3A_116 = tpu.memref_squeeze %dma_start3A_115 : memref<1x128xi32, #tpu.memory_space<vmem>> -> memref<128xi32, #tpu.memory_space<vmem>>
      %dma_start3A_117 = arith.constant 0 : i32
      %dma_start3A_118 = arith.constant 0 : i32
      %dma_start3A_119 = tpu.memref_slice %arg2[%dma_start3A, %dma_start3A_117, %dma_start3A_118] : memref<2x10000x64xf32, #tpu.memory_space<hbm>> -> memref<1x10000x64xf32, #tpu.memory_space<hbm>>
      %dma_start3A_120 = tpu.memref_squeeze %dma_start3A_119 : memref<1x10000x64xf32, #tpu.memory_space<hbm>> -> memref<10000x64xf32, #tpu.memory_space<hbm>>
      %dma_start3A_121 = arith.constant 0 : i32
      %dma_start3A_122 = arith.constant 0 : i32
      %dma_start3A_123 = tpu.memref_slice %dma_start3A_120[%dma_start3A_121, %dma_start3A_122] : memref<10000x64xf32, #tpu.memory_space<hbm>> -> memref<10000x64xf32, #tpu.memory_space<hbm>>
      tpu.enqueue_indirect_dma source(%dma_start3A_123 : memref<10000x64xf32, #tpu.memory_space<hbm>>) target(%arg12 : memref<128x64xf32, #tpu.memory_space<vmem>>) offsets(%dma_start3A_116 : memref<128xi32, #tpu.memory_space<vmem>>) semaphore(%arg17 : memref<!tpu.dma_semaphore, #tpu.memory_space<semaphore_mem>>)
    } else {
    }
    %eq3A_49 = arith.constant 1 : i32
    %eq3A_50 = arith.cmpi eq, %arg0, %eq3A_49 : i32
    %convert_element_type3A_51 = arith.extui %eq3A_50 : i1 to i32
    %cond3A_52 = arith.constant 0 : i32
    %cond3A_53 = arith.cmpi ne, %convert_element_type3A_51, %cond3A_52 : i32
    scf.if %cond3A_53 {
      %dma_start3A = arith.constant 1 : i32
      %dma_start3A_113 = arith.constant 1 : i32
      %dma_start3A_114 = arith.constant 0 : i32
      %dma_start3A_115 = tpu.memref_slice %arg9[%dma_start3A_113, %dma_start3A_114] : memref<157x128xi32, #tpu.memory_space<vmem>> -> memref<1x128xi32, #tpu.memory_space<vmem>>
      %dma_start3A_116 = tpu.memref_squeeze %dma_start3A_115 : memref<1x128xi32, #tpu.memory_space<vmem>> -> memref<128xi32, #tpu.memory_space<vmem>>
      %dma_start3A_117 = arith.constant 0 : i32
      %dma_start3A_118 = arith.constant 0 : i32
      %dma_start3A_119 = tpu.memref_slice %arg2[%dma_start3A, %dma_start3A_117, %dma_start3A_118] : memref<2x10000x64xf32, #tpu.memory_space<hbm>> -> memref<1x10000x64xf32, #tpu.memory_space<hbm>>
      %dma_start3A_120 = tpu.memref_squeeze %dma_start3A_119 : memref<1x10000x64xf32, #tpu.memory_space<hbm>> -> memref<10000x64xf32, #tpu.memory_space<hbm>>
      %dma_start3A_121 = arith.constant 0 : i32
      %dma_start3A_122 = arith.constant 0 : i32
      %dma_start3A_123 = tpu.memref_slice %dma_start3A_120[%dma_start3A_121, %dma_start3A_122] : memref<10000x64xf32, #tpu.memory_space<hbm>> -> memref<10000x64xf32, #tpu.memory_space<hbm>>
      tpu.enqueue_indirect_dma source(%dma_start3A_123 : memref<10000x64xf32, #tpu.memory_space<hbm>>) target(%arg12 : memref<128x64xf32, #tpu.memory_space<vmem>>) offsets(%dma_start3A_116 : memref<128xi32, #tpu.memory_space<vmem>>) semaphore(%arg17 : memref<!tpu.dma_semaphore, #tpu.memory_space<semaphore_mem>>)
    } else {
    }
    %scan3A = arith.constant 0 : i32
    %scan3A_54 = arith.constant 0 : i32
    %scan3A_55 = arith.constant 39 : i32
    %scan3A_56 = arith.addi %scan3A_54, %scan3A_55 : i32
    %scan3A_57 = arith.constant 1 : i32
    scf.for %scan3A_113 = %scan3A_54 to %scan3A_56 step %scan3A_57  : i32 {
      %mul3A_114 = arith.constant 4 : i32
      %mul3A_115 = arith.muli %scan3A_113, %mul3A_114 : i32
      %add3A_116 = arith.constant 0 : i32
      %add3A_117 = arith.addi %mul3A_115, %add3A_116 : i32
      %add3A_118 = arith.constant 2 : i32
      %add3A_119 = arith.addi %add3A_117, %add3A_118 : i32
      %ge3A_120 = arith.constant 4 : i32
      %ge3A_121 = arith.cmpi sge, %add3A_119, %ge3A_120 : i32
      %add3A_122 = arith.constant 2 : i32
      %add3A_123 = arith.addi %add3A_117, %add3A_122 : i32
      %lt3A_124 = arith.cmpi slt, %add3A_123, %add3A_20 : i32
      %and3A = arith.andi %ge3A_121, %lt3A_124 : i1
      %convert_element_type3A_125 = arith.extui %and3A : i1 to i32
      %cond3A_126 = arith.constant 0 : i32
      %cond3A_127 = arith.cmpi ne, %convert_element_type3A_125, %cond3A_126 : i32
      scf.if %cond3A_127 {
        %add3A_280 = arith.constant 2 : i32
        %add3A_281 = arith.addi %add3A_117, %add3A_280 : i32
        %sub3A = arith.constant 4 : i32
        %sub3A_282 = arith.subi %add3A_281, %sub3A : i32
        %dma_wait3A_283 = arith.constant 0 : i32
        %dma_wait3A_284 = tpu.memref_slice %arg10[%sub3A_282, %dma_wait3A_283] : memref<157x128xi32, #tpu.memory_space<vmem>> -> memref<1x128xi32, #tpu.memory_space<vmem>>
        %dma_wait3A_285 = tpu.memref_squeeze %dma_wait3A_284 : memref<1x128xi32, #tpu.memory_space<vmem>> -> memref<128xi32, #tpu.memory_space<vmem>>
        %dma_wait3A_286 = arith.constant 0 : i32
        %dma_wait3A_287 = arith.constant 0 : i32
        %dma_wait3A_288 = tpu.memref_slice %arg15[%dma_wait3A_286, %dma_wait3A_287] : memref<10000x64xf32, #tpu.memory_space<vmem_shared>> -> memref<10000x64xf32, #tpu.memory_space<vmem_shared>>
        tpu.wait_indirect_dma semaphore(%arg22 : memref<!tpu.dma_semaphore, #tpu.memory_space<semaphore_mem>>) src(%arg13 : memref<128x64xf32, #tpu.memory_space<vmem>>) dst(%dma_wait3A_288 : memref<10000x64xf32, #tpu.memory_space<vmem_shared>>)
        %dma_wait3A_289 = arith.constant 0 : i32
        %dma_wait3A_290 = tpu.memref_slice %arg10[%sub3A_282, %dma_wait3A_289] : memref<157x128xi32, #tpu.memory_space<vmem>> -> memref<1x128xi32, #tpu.memory_space<vmem>>
        %dma_wait3A_291 = tpu.memref_squeeze %dma_wait3A_290 : memref<1x128xi32, #tpu.memory_space<vmem>> -> memref<128xi32, #tpu.memory_space<vmem>>
        %dma_wait3A_292 = arith.constant 0 : i32
        %dma_wait3A_293 = arith.constant 0 : i32
        %dma_wait3A_294 = tpu.memref_slice %arg25[%dma_wait3A_292, %dma_wait3A_293] : memref<10000x16xf32, #tpu.memory_space<vmem_shared>> -> memref<10000x16xf32, #tpu.memory_space<vmem_shared>>
        tpu.wait_indirect_dma semaphore(%arg22 : memref<!tpu.dma_semaphore, #tpu.memory_space<semaphore_mem>>) src(%arg24 : memref<128x16xf32, #tpu.memory_space<vmem>>) dst(%dma_wait3A_294 : memref<10000x16xf32, #tpu.memory_space<vmem_shared>>)
      } else {
      }
      %add3A_128 = arith.constant 2 : i32
      %add3A_129 = arith.addi %add3A_117, %add3A_128 : i32
      %lt3A_130 = arith.cmpi slt, %add3A_129, %add3A_20 : i32
      %convert_element_type3A_131 = arith.extui %lt3A_130 : i1 to i32
      %cond3A_132 = arith.constant 0 : i32
      %cond3A_133 = arith.cmpi ne, %convert_element_type3A_131, %cond3A_132 : i32
      scf.if %cond3A_133 {
        %add3A_280 = arith.constant 2 : i32
        %add3A_281 = arith.addi %add3A_117, %add3A_280 : i32
        %eq3A_282 = arith.constant 0 : i32
        %eq3A_283 = arith.cmpi eq, %arg0, %eq3A_282 : i32
        %convert_element_type3A_284 = arith.extui %eq3A_283 : i1 to i32
        %cond3A_285 = arith.constant 0 : i32
        %cond3A_286 = arith.cmpi ne, %convert_element_type3A_284, %cond3A_285 : i32
        scf.if %cond3A_286 {
          %dma_start3A_292 = arith.constant 0 : i32
          %dma_start3A_293 = arith.constant 0 : i32
          %dma_start3A_294 = tpu.memref_slice %arg9[%add3A_281, %dma_start3A_293] : memref<157x128xi32, #tpu.memory_space<vmem>> -> memref<1x128xi32, #tpu.memory_space<vmem>>
          %dma_start3A_295 = tpu.memref_squeeze %dma_start3A_294 : memref<1x128xi32, #tpu.memory_space<vmem>> -> memref<128xi32, #tpu.memory_space<vmem>>
          %dma_start3A_296 = arith.constant 0 : i32
          %dma_start3A_297 = arith.constant 0 : i32
          %dma_start3A_298 = tpu.memref_slice %arg2[%dma_start3A_292, %dma_start3A_296, %dma_start3A_297] : memref<2x10000x64xf32, #tpu.memory_space<hbm>> -> memref<1x10000x64xf32, #tpu.memory_space<hbm>>
          %dma_start3A_299 = tpu.memref_squeeze %dma_start3A_298 : memref<1x10000x64xf32, #tpu.memory_space<hbm>> -> memref<10000x64xf32, #tpu.memory_space<hbm>>
          %dma_start3A_300 = arith.constant 0 : i32
          %dma_start3A_301 = arith.constant 0 : i32
          %dma_start3A_302 = tpu.memref_slice %dma_start3A_299[%dma_start3A_300, %dma_start3A_301] : memref<10000x64xf32, #tpu.memory_space<hbm>> -> memref<10000x64xf32, #tpu.memory_space<hbm>>
          tpu.enqueue_indirect_dma source(%dma_start3A_302 : memref<10000x64xf32, #tpu.memory_space<hbm>>) target(%arg13 : memref<128x64xf32, #tpu.memory_space<vmem>>) offsets(%dma_start3A_295 : memref<128xi32, #tpu.memory_space<vmem>>) semaphore(%arg18 : memref<!tpu.dma_semaphore, #tpu.memory_space<semaphore_mem>>)
        } else {
        }
        %eq3A_287 = arith.constant 1 : i32
        %eq3A_288 = arith.cmpi eq, %arg0, %eq3A_287 : i32
        %convert_element_type3A_289 = arith.extui %eq3A_288 : i1 to i32
        %cond3A_290 = arith.constant 0 : i32
        %cond3A_291 = arith.cmpi ne, %convert_element_type3A_289, %cond3A_290 : i32
        scf.if %cond3A_291 {
          %dma_start3A_292 = arith.constant 1 : i32
          %dma_start3A_293 = arith.constant 0 : i32
          %dma_start3A_294 = tpu.memref_slice %arg9[%add3A_281, %dma_start3A_293] : memref<157x128xi32, #tpu.memory_space<vmem>> -> memref<1x128xi32, #tpu.memory_space<vmem>>
          %dma_start3A_295 = tpu.memref_squeeze %dma_start3A_294 : memref<1x128xi32, #tpu.memory_space<vmem>> -> memref<128xi32, #tpu.memory_space<vmem>>
          %dma_start3A_296 = arith.constant 0 : i32
          %dma_start3A_297 = arith.constant 0 : i32
          %dma_start3A_298 = tpu.memref_slice %arg2[%dma_start3A_292, %dma_start3A_296, %dma_start3A_297] : memref<2x10000x64xf32, #tpu.memory_space<hbm>> -> memref<1x10000x64xf32, #tpu.memory_space<hbm>>
          %dma_start3A_299 = tpu.memref_squeeze %dma_start3A_298 : memref<1x10000x64xf32, #tpu.memory_space<hbm>> -> memref<10000x64xf32, #tpu.memory_space<hbm>>
          %dma_start3A_300 = arith.constant 0 : i32
          %dma_start3A_301 = arith.constant 0 : i32
          %dma_start3A_302 = tpu.memref_slice %dma_start3A_299[%dma_start3A_300, %dma_start3A_301] : memref<10000x64xf32, #tpu.memory_space<hbm>> -> memref<10000x64xf32, #tpu.memory_space<hbm>>
          tpu.enqueue_indirect_dma source(%dma_start3A_302 : memref<10000x64xf32, #tpu.memory_space<hbm>>) target(%arg13 : memref<128x64xf32, #tpu.memory_space<vmem>>) offsets(%dma_start3A_295 : memref<128xi32, #tpu.memory_space<vmem>>) semaphore(%arg18 : memref<!tpu.dma_semaphore, #tpu.memory_space<semaphore_mem>>)
        } else {
        }
      } else {
      }
      %eq3A_134 = arith.constant 0 : i32
      %eq3A_135 = arith.cmpi eq, %arg0, %eq3A_134 : i32
      %convert_element_type3A_136 = arith.extui %eq3A_135 : i1 to i32
      %cond3A_137 = arith.constant 0 : i32
      %cond3A_138 = arith.cmpi ne, %convert_element_type3A_136, %cond3A_137 : i32
      scf.if %cond3A_138 {
        %dma_wait3A_280 = arith.constant 0 : i32
        %dma_wait3A_281 = arith.constant 0 : i32
        %dma_wait3A_282 = tpu.memref_slice %arg9[%add3A_117, %dma_wait3A_281] : memref<157x128xi32, #tpu.memory_space<vmem>> -> memref<1x128xi32, #tpu.memory_space<vmem>>
        %dma_wait3A_283 = tpu.memref_squeeze %dma_wait3A_282 : memref<1x128xi32, #tpu.memory_space<vmem>> -> memref<128xi32, #tpu.memory_space<vmem>>
        %dma_wait3A_284 = arith.constant 0 : i32
        %dma_wait3A_285 = arith.constant 0 : i32
        %dma_wait3A_286 = tpu.memref_slice %arg2[%dma_wait3A_280, %dma_wait3A_284, %dma_wait3A_285] : memref<2x10000x64xf32, #tpu.memory_space<hbm>> -> memref<1x10000x64xf32, #tpu.memory_space<hbm>>
        %dma_wait3A_287 = tpu.memref_squeeze %dma_wait3A_286 : memref<1x10000x64xf32, #tpu.memory_space<hbm>> -> memref<10000x64xf32, #tpu.memory_space<hbm>>
        %dma_wait3A_288 = arith.constant 0 : i32
        %dma_wait3A_289 = arith.constant 0 : i32
        %dma_wait3A_290 = tpu.memref_slice %dma_wait3A_287[%dma_wait3A_288, %dma_wait3A_289] : memref<10000x64xf32, #tpu.memory_space<hbm>> -> memref<10000x64xf32, #tpu.memory_space<hbm>>
        tpu.wait_indirect_dma semaphore(%arg16 : memref<!tpu.dma_semaphore, #tpu.memory_space<semaphore_mem>>) src(%dma_wait3A_290 : memref<10000x64xf32, #tpu.memory_space<hbm>>) dst(%arg11 : memref<128x64xf32, #tpu.memory_space<vmem>>)
      } else {
      }
      %eq3A_139 = arith.constant 1 : i32
      %eq3A_140 = arith.cmpi eq, %arg0, %eq3A_139 : i32
      %convert_element_type3A_141 = arith.extui %eq3A_140 : i1 to i32
      %cond3A_142 = arith.constant 0 : i32
      %cond3A_143 = arith.cmpi ne, %convert_element_type3A_141, %cond3A_142 : i32
      scf.if %cond3A_143 {
        %dma_wait3A_280 = arith.constant 1 : i32
        %dma_wait3A_281 = arith.constant 0 : i32
        %dma_wait3A_282 = tpu.memref_slice %arg9[%add3A_117, %dma_wait3A_281] : memref<157x128xi32, #tpu.memory_space<vmem>> -> memref<1x128xi32, #tpu.memory_space<vmem>>
        %dma_wait3A_283 = tpu.memref_squeeze %dma_wait3A_282 : memref<1x128xi32, #tpu.memory_space<vmem>> -> memref<128xi32, #tpu.memory_space<vmem>>
        %dma_wait3A_284 = arith.constant 0 : i32
        %dma_wait3A_285 = arith.constant 0 : i32
        %dma_wait3A_286 = tpu.memref_slice %arg2[%dma_wait3A_280, %dma_wait3A_284, %dma_wait3A_285] : memref<2x10000x64xf32, #tpu.memory_space<hbm>> -> memref<1x10000x64xf32, #tpu.memory_space<hbm>>
        %dma_wait3A_287 = tpu.memref_squeeze %dma_wait3A_286 : memref<1x10000x64xf32, #tpu.memory_space<hbm>> -> memref<10000x64xf32, #tpu.memory_space<hbm>>
        %dma_wait3A_288 = arith.constant 0 : i32
        %dma_wait3A_289 = arith.constant 0 : i32
        %dma_wait3A_290 = tpu.memref_slice %dma_wait3A_287[%dma_wait3A_288, %dma_wait3A_289] : memref<10000x64xf32, #tpu.memory_space<hbm>> -> memref<10000x64xf32, #tpu.memory_space<hbm>>
        tpu.wait_indirect_dma semaphore(%arg16 : memref<!tpu.dma_semaphore, #tpu.memory_space<semaphore_mem>>) src(%dma_wait3A_290 : memref<10000x64xf32, #tpu.memory_space<hbm>>) dst(%arg11 : memref<128x64xf32, #tpu.memory_space<vmem>>)
      } else {
      }
      %dma_start3A = arith.constant 0 : i32
      %dma_start3A_144 = tpu.memref_slice %arg10[%add3A_117, %dma_start3A] : memref<157x128xi32, #tpu.memory_space<vmem>> -> memref<1x128xi32, #tpu.memory_space<vmem>>
      %dma_start3A_145 = tpu.memref_squeeze %dma_start3A_144 : memref<1x128xi32, #tpu.memory_space<vmem>> -> memref<128xi32, #tpu.memory_space<vmem>>
      %dma_start3A_146 = arith.constant 0 : i32
      %dma_start3A_147 = arith.constant 0 : i32
      %dma_start3A_148 = tpu.memref_slice %arg15[%dma_start3A_146, %dma_start3A_147] : memref<10000x64xf32, #tpu.memory_space<vmem_shared>> -> memref<10000x64xf32, #tpu.memory_space<vmem_shared>>
      tpu.enqueue_indirect_dma source(%arg11 : memref<128x64xf32, #tpu.memory_space<vmem>>) target(%dma_start3A_148 : memref<10000x64xf32, #tpu.memory_space<vmem_shared>>) offsets(%dma_start3A_145 : memref<128xi32, #tpu.memory_space<vmem>>) semaphore(%arg20 : memref<!tpu.dma_semaphore, #tpu.memory_space<semaphore_mem>>) {add = true}
      %eq3A_149 = arith.constant 0 : i32
      %eq3A_150 = arith.cmpi eq, %arg0, %eq3A_149 : i32
      %convert_element_type3A_151 = arith.extui %eq3A_150 : i1 to i32
      %cond3A_152 = arith.constant 0 : i32
      %cond3A_153 = arith.cmpi ne, %convert_element_type3A_151, %cond3A_152 : i32
      scf.if %cond3A_153 {
        %add3A_280 = arith.constant 0 : i32
        %add3A_281 = arith.addi %add3A_117, %add3A_280 : i32
        %dma_start3A_282 = arith.constant 0 : i32
        %dma_start3A_283 = tpu.memref_slice %arg10[%add3A_281, %dma_start3A_282] : memref<157x128xi32, #tpu.memory_space<vmem>> -> memref<1x128xi32, #tpu.memory_space<vmem>>
        %dma_start3A_284 = tpu.memref_squeeze %dma_start3A_283 : memref<1x128xi32, #tpu.memory_space<vmem>> -> memref<128xi32, #tpu.memory_space<vmem>>
        %dma_start3A_285 = arith.constant 0 : i32
        %dma_start3A_286 = arith.constant 0 : i32
        %dma_start3A_287 = tpu.memref_slice %arg25[%dma_start3A_285, %dma_start3A_286] : memref<10000x16xf32, #tpu.memory_space<vmem_shared>> -> memref<10000x16xf32, #tpu.memory_space<vmem_shared>>
        tpu.enqueue_indirect_dma source(%arg24 : memref<128x16xf32, #tpu.memory_space<vmem>>) target(%dma_start3A_287 : memref<10000x16xf32, #tpu.memory_space<vmem_shared>>) offsets(%dma_start3A_284 : memref<128xi32, #tpu.memory_space<vmem>>) semaphore(%arg20 : memref<!tpu.dma_semaphore, #tpu.memory_space<semaphore_mem>>) {add = true}
      } else {
      }
      %eq3A_154 = arith.constant 1 : i32
      %eq3A_155 = arith.cmpi eq, %arg0, %eq3A_154 : i32
      %convert_element_type3A_156 = arith.extui %eq3A_155 : i1 to i32
      %cond3A_157 = arith.constant 0 : i32
      %cond3A_158 = arith.cmpi ne, %convert_element_type3A_156, %cond3A_157 : i32
      scf.if %cond3A_158 {
        %add3A_280 = arith.constant 1 : i32
        %add3A_281 = arith.addi %add3A_117, %add3A_280 : i32
        %dma_start3A_282 = arith.constant 0 : i32
        %dma_start3A_283 = tpu.memref_slice %arg10[%add3A_281, %dma_start3A_282] : memref<157x128xi32, #tpu.memory_space<vmem>> -> memref<1x128xi32, #tpu.memory_space<vmem>>
        %dma_start3A_284 = tpu.memref_squeeze %dma_start3A_283 : memref<1x128xi32, #tpu.memory_space<vmem>> -> memref<128xi32, #tpu.memory_space<vmem>>
        %dma_start3A_285 = arith.constant 0 : i32
        %dma_start3A_286 = arith.constant 0 : i32
        %dma_start3A_287 = tpu.memref_slice %arg25[%dma_start3A_285, %dma_start3A_286] : memref<10000x16xf32, #tpu.memory_space<vmem_shared>> -> memref<10000x16xf32, #tpu.memory_space<vmem_shared>>
        tpu.enqueue_indirect_dma source(%arg24 : memref<128x16xf32, #tpu.memory_space<vmem>>) target(%dma_start3A_287 : memref<10000x16xf32, #tpu.memory_space<vmem_shared>>) offsets(%dma_start3A_284 : memref<128xi32, #tpu.memory_space<vmem>>) semaphore(%arg20 : memref<!tpu.dma_semaphore, #tpu.memory_space<semaphore_mem>>) {add = true}
      } else {
      }
      %mul3A_159 = arith.constant 4 : i32
      %mul3A_160 = arith.muli %scan3A_113, %mul3A_159 : i32
      %add3A_161 = arith.constant 1 : i32
      %add3A_162 = arith.addi %mul3A_160, %add3A_161 : i32
      %add3A_163 = arith.constant 2 : i32
      %add3A_164 = arith.addi %add3A_162, %add3A_163 : i32
      %ge3A_165 = arith.constant 4 : i32
      %ge3A_166 = arith.cmpi sge, %add3A_164, %ge3A_165 : i32
      %add3A_167 = arith.constant 2 : i32
      %add3A_168 = arith.addi %add3A_162, %add3A_167 : i32
      %lt3A_169 = arith.cmpi slt, %add3A_168, %add3A_20 : i32
      %and3A_170 = arith.andi %ge3A_166, %lt3A_169 : i1
      %convert_element_type3A_171 = arith.extui %and3A_170 : i1 to i32
      %cond3A_172 = arith.constant 0 : i32
      %cond3A_173 = arith.cmpi ne, %convert_element_type3A_171, %cond3A_172 : i32
      scf.if %cond3A_173 {
        %add3A_280 = arith.constant 2 : i32
        %add3A_281 = arith.addi %add3A_162, %add3A_280 : i32
        %sub3A = arith.constant 4 : i32
        %sub3A_282 = arith.subi %add3A_281, %sub3A : i32
        %dma_wait3A_283 = arith.constant 0 : i32
        %dma_wait3A_284 = tpu.memref_slice %arg10[%sub3A_282, %dma_wait3A_283] : memref<157x128xi32, #tpu.memory_space<vmem>> -> memref<1x128xi32, #tpu.memory_space<vmem>>
        %dma_wait3A_285 = tpu.memref_squeeze %dma_wait3A_284 : memref<1x128xi32, #tpu.memory_space<vmem>> -> memref<128xi32, #tpu.memory_space<vmem>>
        %dma_wait3A_286 = arith.constant 0 : i32
        %dma_wait3A_287 = arith.constant 0 : i32
        %dma_wait3A_288 = tpu.memref_slice %arg15[%dma_wait3A_286, %dma_wait3A_287] : memref<10000x64xf32, #tpu.memory_space<vmem_shared>> -> memref<10000x64xf32, #tpu.memory_space<vmem_shared>>
        tpu.wait_indirect_dma semaphore(%arg23 : memref<!tpu.dma_semaphore, #tpu.memory_space<semaphore_mem>>) src(%arg14 : memref<128x64xf32, #tpu.memory_space<vmem>>) dst(%dma_wait3A_288 : memref<10000x64xf32, #tpu.memory_space<vmem_shared>>)
      } else {
      }
      %add3A_174 = arith.constant 2 : i32
      %add3A_175 = arith.addi %add3A_162, %add3A_174 : i32
      %lt3A_176 = arith.cmpi slt, %add3A_175, %add3A_20 : i32
      %convert_element_type3A_177 = arith.extui %lt3A_176 : i1 to i32
      %cond3A_178 = arith.constant 0 : i32
      %cond3A_179 = arith.cmpi ne, %convert_element_type3A_177, %cond3A_178 : i32
      scf.if %cond3A_179 {
        %add3A_280 = arith.constant 2 : i32
        %add3A_281 = arith.addi %add3A_162, %add3A_280 : i32
        %eq3A_282 = arith.constant 0 : i32
        %eq3A_283 = arith.cmpi eq, %arg0, %eq3A_282 : i32
        %convert_element_type3A_284 = arith.extui %eq3A_283 : i1 to i32
        %cond3A_285 = arith.constant 0 : i32
        %cond3A_286 = arith.cmpi ne, %convert_element_type3A_284, %cond3A_285 : i32
        scf.if %cond3A_286 {
          %dma_start3A_292 = arith.constant 0 : i32
          %dma_start3A_293 = arith.constant 0 : i32
          %dma_start3A_294 = tpu.memref_slice %arg9[%add3A_281, %dma_start3A_293] : memref<157x128xi32, #tpu.memory_space<vmem>> -> memref<1x128xi32, #tpu.memory_space<vmem>>
          %dma_start3A_295 = tpu.memref_squeeze %dma_start3A_294 : memref<1x128xi32, #tpu.memory_space<vmem>> -> memref<128xi32, #tpu.memory_space<vmem>>
          %dma_start3A_296 = arith.constant 0 : i32
          %dma_start3A_297 = arith.constant 0 : i32
          %dma_start3A_298 = tpu.memref_slice %arg2[%dma_start3A_292, %dma_start3A_296, %dma_start3A_297] : memref<2x10000x64xf32, #tpu.memory_space<hbm>> -> memref<1x10000x64xf32, #tpu.memory_space<hbm>>
          %dma_start3A_299 = tpu.memref_squeeze %dma_start3A_298 : memref<1x10000x64xf32, #tpu.memory_space<hbm>> -> memref<10000x64xf32, #tpu.memory_space<hbm>>
          %dma_start3A_300 = arith.constant 0 : i32
          %dma_start3A_301 = arith.constant 0 : i32
          %dma_start3A_302 = tpu.memref_slice %dma_start3A_299[%dma_start3A_300, %dma_start3A_301] : memref<10000x64xf32, #tpu.memory_space<hbm>> -> memref<10000x64xf32, #tpu.memory_space<hbm>>
          tpu.enqueue_indirect_dma source(%dma_start3A_302 : memref<10000x64xf32, #tpu.memory_space<hbm>>) target(%arg14 : memref<128x64xf32, #tpu.memory_space<vmem>>) offsets(%dma_start3A_295 : memref<128xi32, #tpu.memory_space<vmem>>) semaphore(%arg19 : memref<!tpu.dma_semaphore, #tpu.memory_space<semaphore_mem>>)
        } else {
        }
        %eq3A_287 = arith.constant 1 : i32
        %eq3A_288 = arith.cmpi eq, %arg0, %eq3A_287 : i32
        %convert_element_type3A_289 = arith.extui %eq3A_288 : i1 to i32
        %cond3A_290 = arith.constant 0 : i32
        %cond3A_291 = arith.cmpi ne, %convert_element_type3A_289, %cond3A_290 : i32
        scf.if %cond3A_291 {
          %dma_start3A_292 = arith.constant 1 : i32
          %dma_start3A_293 = arith.constant 0 : i32
          %dma_start3A_294 = tpu.memref_slice %arg9[%add3A_281, %dma_start3A_293] : memref<157x128xi32, #tpu.memory_space<vmem>> -> memref<1x128xi32, #tpu.memory_space<vmem>>
          %dma_start3A_295 = tpu.memref_squeeze %dma_start3A_294 : memref<1x128xi32, #tpu.memory_space<vmem>> -> memref<128xi32, #tpu.memory_space<vmem>>
          %dma_start3A_296 = arith.constant 0 : i32
          %dma_start3A_297 = arith.constant 0 : i32
          %dma_start3A_298 = tpu.memref_slice %arg2[%dma_start3A_292, %dma_start3A_296, %dma_start3A_297] : memref<2x10000x64xf32, #tpu.memory_space<hbm>> -> memref<1x10000x64xf32, #tpu.memory_space<hbm>>
          %dma_start3A_299 = tpu.memref_squeeze %dma_start3A_298 : memref<1x10000x64xf32, #tpu.memory_space<hbm>> -> memref<10000x64xf32, #tpu.memory_space<hbm>>
          %dma_start3A_300 = arith.constant 0 : i32
          %dma_start3A_301 = arith.constant 0 : i32
          %dma_start3A_302 = tpu.memref_slice %dma_start3A_299[%dma_start3A_300, %dma_start3A_301] : memref<10000x64xf32, #tpu.memory_space<hbm>> -> memref<10000x64xf32, #tpu.memory_space<hbm>>
          tpu.enqueue_indirect_dma source(%dma_start3A_302 : memref<10000x64xf32, #tpu.memory_space<hbm>>) target(%arg14 : memref<128x64xf32, #tpu.memory_space<vmem>>) offsets(%dma_start3A_295 : memref<128xi32, #tpu.memory_space<vmem>>) semaphore(%arg19 : memref<!tpu.dma_semaphore, #tpu.memory_space<semaphore_mem>>)
        } else {
        }
      } else {
      }
      %eq3A_180 = arith.constant 0 : i32
      %eq3A_181 = arith.cmpi eq, %arg0, %eq3A_180 : i32
      %convert_element_type3A_182 = arith.extui %eq3A_181 : i1 to i32
      %cond3A_183 = arith.constant 0 : i32
      %cond3A_184 = arith.cmpi ne, %convert_element_type3A_182, %cond3A_183 : i32
      scf.if %cond3A_184 {
        %dma_wait3A_280 = arith.constant 0 : i32
        %dma_wait3A_281 = arith.constant 0 : i32
        %dma_wait3A_282 = tpu.memref_slice %arg9[%add3A_162, %dma_wait3A_281] : memref<157x128xi32, #tpu.memory_space<vmem>> -> memref<1x128xi32, #tpu.memory_space<vmem>>
        %dma_wait3A_283 = tpu.memref_squeeze %dma_wait3A_282 : memref<1x128xi32, #tpu.memory_space<vmem>> -> memref<128xi32, #tpu.memory_space<vmem>>
        %dma_wait3A_284 = arith.constant 0 : i32
        %dma_wait3A_285 = arith.constant 0 : i32
        %dma_wait3A_286 = tpu.memref_slice %arg2[%dma_wait3A_280, %dma_wait3A_284, %dma_wait3A_285] : memref<2x10000x64xf32, #tpu.memory_space<hbm>> -> memref<1x10000x64xf32, #tpu.memory_space<hbm>>
        %dma_wait3A_287 = tpu.memref_squeeze %dma_wait3A_286 : memref<1x10000x64xf32, #tpu.memory_space<hbm>> -> memref<10000x64xf32, #tpu.memory_space<hbm>>
        %dma_wait3A_288 = arith.constant 0 : i32
        %dma_wait3A_289 = arith.constant 0 : i32
        %dma_wait3A_290 = tpu.memref_slice %dma_wait3A_287[%dma_wait3A_288, %dma_wait3A_289] : memref<10000x64xf32, #tpu.memory_space<hbm>> -> memref<10000x64xf32, #tpu.memory_space<hbm>>
        tpu.wait_indirect_dma semaphore(%arg17 : memref<!tpu.dma_semaphore, #tpu.memory_space<semaphore_mem>>) src(%dma_wait3A_290 : memref<10000x64xf32, #tpu.memory_space<hbm>>) dst(%arg12 : memref<128x64xf32, #tpu.memory_space<vmem>>)
      } else {
      }
      %eq3A_185 = arith.constant 1 : i32
      %eq3A_186 = arith.cmpi eq, %arg0, %eq3A_185 : i32
      %convert_element_type3A_187 = arith.extui %eq3A_186 : i1 to i32
      %cond3A_188 = arith.constant 0 : i32
      %cond3A_189 = arith.cmpi ne, %convert_element_type3A_187, %cond3A_188 : i32
      scf.if %cond3A_189 {
        %dma_wait3A_280 = arith.constant 1 : i32
        %dma_wait3A_281 = arith.constant 0 : i32
        %dma_wait3A_282 = tpu.memref_slice %arg9[%add3A_162, %dma_wait3A_281] : memref<157x128xi32, #tpu.memory_space<vmem>> -> memref<1x128xi32, #tpu.memory_space<vmem>>
        %dma_wait3A_283 = tpu.memref_squeeze %dma_wait3A_282 : memref<1x128xi32, #tpu.memory_space<vmem>> -> memref<128xi32, #tpu.memory_space<vmem>>
        %dma_wait3A_284 = arith.constant 0 : i32
        %dma_wait3A_285 = arith.constant 0 : i32
        %dma_wait3A_286 = tpu.memref_slice %arg2[%dma_wait3A_280, %dma_wait3A_284, %dma_wait3A_285] : memref<2x10000x64xf32, #tpu.memory_space<hbm>> -> memref<1x10000x64xf32, #tpu.memory_space<hbm>>
        %dma_wait3A_287 = tpu.memref_squeeze %dma_wait3A_286 : memref<1x10000x64xf32, #tpu.memory_space<hbm>> -> memref<10000x64xf32, #tpu.memory_space<hbm>>
        %dma_wait3A_288 = arith.constant 0 : i32
        %dma_wait3A_289 = arith.constant 0 : i32
        %dma_wait3A_290 = tpu.memref_slice %dma_wait3A_287[%dma_wait3A_288, %dma_wait3A_289] : memref<10000x64xf32, #tpu.memory_space<hbm>> -> memref<10000x64xf32, #tpu.memory_space<hbm>>
        tpu.wait_indirect_dma semaphore(%arg17 : memref<!tpu.dma_semaphore, #tpu.memory_space<semaphore_mem>>) src(%dma_wait3A_290 : memref<10000x64xf32, #tpu.memory_space<hbm>>) dst(%arg12 : memref<128x64xf32, #tpu.memory_space<vmem>>)
      } else {
      }
      %dma_start3A_190 = arith.constant 0 : i32
      %dma_start3A_191 = tpu.memref_slice %arg10[%add3A_162, %dma_start3A_190] : memref<157x128xi32, #tpu.memory_space<vmem>> -> memref<1x128xi32, #tpu.memory_space<vmem>>
      %dma_start3A_192 = tpu.memref_squeeze %dma_start3A_191 : memref<1x128xi32, #tpu.memory_space<vmem>> -> memref<128xi32, #tpu.memory_space<vmem>>
      %dma_start3A_193 = arith.constant 0 : i32
      %dma_start3A_194 = arith.constant 0 : i32
      %dma_start3A_195 = tpu.memref_slice %arg15[%dma_start3A_193, %dma_start3A_194] : memref<10000x64xf32, #tpu.memory_space<vmem_shared>> -> memref<10000x64xf32, #tpu.memory_space<vmem_shared>>
      tpu.enqueue_indirect_dma source(%arg12 : memref<128x64xf32, #tpu.memory_space<vmem>>) target(%dma_start3A_195 : memref<10000x64xf32, #tpu.memory_space<vmem_shared>>) offsets(%dma_start3A_192 : memref<128xi32, #tpu.memory_space<vmem>>) semaphore(%arg21 : memref<!tpu.dma_semaphore, #tpu.memory_space<semaphore_mem>>) {add = true}
      %mul3A_196 = arith.constant 4 : i32
      %mul3A_197 = arith.muli %scan3A_113, %mul3A_196 : i32
      %add3A_198 = arith.constant 2 : i32
      %add3A_199 = arith.addi %mul3A_197, %add3A_198 : i32
      %add3A_200 = arith.constant 2 : i32
      %add3A_201 = arith.addi %add3A_199, %add3A_200 : i32
      %ge3A_202 = arith.constant 4 : i32
      %ge3A_203 = arith.cmpi sge, %add3A_201, %ge3A_202 : i32
      %add3A_204 = arith.constant 2 : i32
      %add3A_205 = arith.addi %add3A_199, %add3A_204 : i32
      %lt3A_206 = arith.cmpi slt, %add3A_205, %add3A_20 : i32
      %and3A_207 = arith.andi %ge3A_203, %lt3A_206 : i1
      %convert_element_type3A_208 = arith.extui %and3A_207 : i1 to i32
      %cond3A_209 = arith.constant 0 : i32
      %cond3A_210 = arith.cmpi ne, %convert_element_type3A_208, %cond3A_209 : i32
      scf.if %cond3A_210 {
        %add3A_280 = arith.constant 2 : i32
        %add3A_281 = arith.addi %add3A_199, %add3A_280 : i32
        %sub3A = arith.constant 4 : i32
        %sub3A_282 = arith.subi %add3A_281, %sub3A : i32
        %dma_wait3A_283 = arith.constant 0 : i32
        %dma_wait3A_284 = tpu.memref_slice %arg10[%sub3A_282, %dma_wait3A_283] : memref<157x128xi32, #tpu.memory_space<vmem>> -> memref<1x128xi32, #tpu.memory_space<vmem>>
        %dma_wait3A_285 = tpu.memref_squeeze %dma_wait3A_284 : memref<1x128xi32, #tpu.memory_space<vmem>> -> memref<128xi32, #tpu.memory_space<vmem>>
        %dma_wait3A_286 = arith.constant 0 : i32
        %dma_wait3A_287 = arith.constant 0 : i32
        %dma_wait3A_288 = tpu.memref_slice %arg15[%dma_wait3A_286, %dma_wait3A_287] : memref<10000x64xf32, #tpu.memory_space<vmem_shared>> -> memref<10000x64xf32, #tpu.memory_space<vmem_shared>>
        tpu.wait_indirect_dma semaphore(%arg20 : memref<!tpu.dma_semaphore, #tpu.memory_space<semaphore_mem>>) src(%arg11 : memref<128x64xf32, #tpu.memory_space<vmem>>) dst(%dma_wait3A_288 : memref<10000x64xf32, #tpu.memory_space<vmem_shared>>)
        %dma_wait3A_289 = arith.constant 0 : i32
        %dma_wait3A_290 = tpu.memref_slice %arg10[%sub3A_282, %dma_wait3A_289] : memref<157x128xi32, #tpu.memory_space<vmem>> -> memref<1x128xi32, #tpu.memory_space<vmem>>
        %dma_wait3A_291 = tpu.memref_squeeze %dma_wait3A_290 : memref<1x128xi32, #tpu.memory_space<vmem>> -> memref<128xi32, #tpu.memory_space<vmem>>
        %dma_wait3A_292 = arith.constant 0 : i32
        %dma_wait3A_293 = arith.constant 0 : i32
        %dma_wait3A_294 = tpu.memref_slice %arg25[%dma_wait3A_292, %dma_wait3A_293] : memref<10000x16xf32, #tpu.memory_space<vmem_shared>> -> memref<10000x16xf32, #tpu.memory_space<vmem_shared>>
        tpu.wait_indirect_dma semaphore(%arg20 : memref<!tpu.dma_semaphore, #tpu.memory_space<semaphore_mem>>) src(%arg24 : memref<128x16xf32, #tpu.memory_space<vmem>>) dst(%dma_wait3A_294 : memref<10000x16xf32, #tpu.memory_space<vmem_shared>>)
      } else {
      }
      %add3A_211 = arith.constant 2 : i32
      %add3A_212 = arith.addi %add3A_199, %add3A_211 : i32
      %lt3A_213 = arith.cmpi slt, %add3A_212, %add3A_20 : i32
      %convert_element_type3A_214 = arith.extui %lt3A_213 : i1 to i32
      %cond3A_215 = arith.constant 0 : i32
      %cond3A_216 = arith.cmpi ne, %convert_element_type3A_214, %cond3A_215 : i32
      scf.if %cond3A_216 {
        %add3A_280 = arith.constant 2 : i32
        %add3A_281 = arith.addi %add3A_199, %add3A_280 : i32
        %eq3A_282 = arith.constant 0 : i32
        %eq3A_283 = arith.cmpi eq, %arg0, %eq3A_282 : i32
        %convert_element_type3A_284 = arith.extui %eq3A_283 : i1 to i32
        %cond3A_285 = arith.constant 0 : i32
        %cond3A_286 = arith.cmpi ne, %convert_element_type3A_284, %cond3A_285 : i32
        scf.if %cond3A_286 {
          %dma_start3A_292 = arith.constant 0 : i32
          %dma_start3A_293 = arith.constant 0 : i32
          %dma_start3A_294 = tpu.memref_slice %arg9[%add3A_281, %dma_start3A_293] : memref<157x128xi32, #tpu.memory_space<vmem>> -> memref<1x128xi32, #tpu.memory_space<vmem>>
          %dma_start3A_295 = tpu.memref_squeeze %dma_start3A_294 : memref<1x128xi32, #tpu.memory_space<vmem>> -> memref<128xi32, #tpu.memory_space<vmem>>
          %dma_start3A_296 = arith.constant 0 : i32
          %dma_start3A_297 = arith.constant 0 : i32
          %dma_start3A_298 = tpu.memref_slice %arg2[%dma_start3A_292, %dma_start3A_296, %dma_start3A_297] : memref<2x10000x64xf32, #tpu.memory_space<hbm>> -> memref<1x10000x64xf32, #tpu.memory_space<hbm>>
          %dma_start3A_299 = tpu.memref_squeeze %dma_start3A_298 : memref<1x10000x64xf32, #tpu.memory_space<hbm>> -> memref<10000x64xf32, #tpu.memory_space<hbm>>
          %dma_start3A_300 = arith.constant 0 : i32
          %dma_start3A_301 = arith.constant 0 : i32
          %dma_start3A_302 = tpu.memref_slice %dma_start3A_299[%dma_start3A_300, %dma_start3A_301] : memref<10000x64xf32, #tpu.memory_space<hbm>> -> memref<10000x64xf32, #tpu.memory_space<hbm>>
          tpu.enqueue_indirect_dma source(%dma_start3A_302 : memref<10000x64xf32, #tpu.memory_space<hbm>>) target(%arg11 : memref<128x64xf32, #tpu.memory_space<vmem>>) offsets(%dma_start3A_295 : memref<128xi32, #tpu.memory_space<vmem>>) semaphore(%arg16 : memref<!tpu.dma_semaphore, #tpu.memory_space<semaphore_mem>>)
        } else {
        }
        %eq3A_287 = arith.constant 1 : i32
        %eq3A_288 = arith.cmpi eq, %arg0, %eq3A_287 : i32
        %convert_element_type3A_289 = arith.extui %eq3A_288 : i1 to i32
        %cond3A_290 = arith.constant 0 : i32
        %cond3A_291 = arith.cmpi ne, %convert_element_type3A_289, %cond3A_290 : i32
        scf.if %cond3A_291 {
          %dma_start3A_292 = arith.constant 1 : i32
          %dma_start3A_293 = arith.constant 0 : i32
          %dma_start3A_294 = tpu.memref_slice %arg9[%add3A_281, %dma_start3A_293] : memref<157x128xi32, #tpu.memory_space<vmem>> -> memref<1x128xi32, #tpu.memory_space<vmem>>
          %dma_start3A_295 = tpu.memref_squeeze %dma_start3A_294 : memref<1x128xi32, #tpu.memory_space<vmem>> -> memref<128xi32, #tpu.memory_space<vmem>>
          %dma_start3A_296 = arith.constant 0 : i32
          %dma_start3A_297 = arith.constant 0 : i32
          %dma_start3A_298 = tpu.memref_slice %arg2[%dma_start3A_292, %dma_start3A_296, %dma_start3A_297] : memref<2x10000x64xf32, #tpu.memory_space<hbm>> -> memref<1x10000x64xf32, #tpu.memory_space<hbm>>
          %dma_start3A_299 = tpu.memref_squeeze %dma_start3A_298 : memref<1x10000x64xf32, #tpu.memory_space<hbm>> -> memref<10000x64xf32, #tpu.memory_space<hbm>>
          %dma_start3A_300 = arith.constant 0 : i32
          %dma_start3A_301 = arith.constant 0 : i32
          %dma_start3A_302 = tpu.memref_slice %dma_start3A_299[%dma_start3A_300, %dma_start3A_301] : memref<10000x64xf32, #tpu.memory_space<hbm>> -> memref<10000x64xf32, #tpu.memory_space<hbm>>
          tpu.enqueue_indirect_dma source(%dma_start3A_302 : memref<10000x64xf32, #tpu.memory_space<hbm>>) target(%arg11 : memref<128x64xf32, #tpu.memory_space<vmem>>) offsets(%dma_start3A_295 : memref<128xi32, #tpu.memory_space<vmem>>) semaphore(%arg16 : memref<!tpu.dma_semaphore, #tpu.memory_space<semaphore_mem>>)
        } else {
        }
      } else {
      }
      %eq3A_217 = arith.constant 0 : i32
      %eq3A_218 = arith.cmpi eq, %arg0, %eq3A_217 : i32
      %convert_element_type3A_219 = arith.extui %eq3A_218 : i1 to i32
      %cond3A_220 = arith.constant 0 : i32
      %cond3A_221 = arith.cmpi ne, %convert_element_type3A_219, %cond3A_220 : i32
      scf.if %cond3A_221 {
        %dma_wait3A_280 = arith.constant 0 : i32
        %dma_wait3A_281 = arith.constant 0 : i32
        %dma_wait3A_282 = tpu.memref_slice %arg9[%add3A_199, %dma_wait3A_281] : memref<157x128xi32, #tpu.memory_space<vmem>> -> memref<1x128xi32, #tpu.memory_space<vmem>>
        %dma_wait3A_283 = tpu.memref_squeeze %dma_wait3A_282 : memref<1x128xi32, #tpu.memory_space<vmem>> -> memref<128xi32, #tpu.memory_space<vmem>>
        %dma_wait3A_284 = arith.constant 0 : i32
        %dma_wait3A_285 = arith.constant 0 : i32
        %dma_wait3A_286 = tpu.memref_slice %arg2[%dma_wait3A_280, %dma_wait3A_284, %dma_wait3A_285] : memref<2x10000x64xf32, #tpu.memory_space<hbm>> -> memref<1x10000x64xf32, #tpu.memory_space<hbm>>
        %dma_wait3A_287 = tpu.memref_squeeze %dma_wait3A_286 : memref<1x10000x64xf32, #tpu.memory_space<hbm>> -> memref<10000x64xf32, #tpu.memory_space<hbm>>
        %dma_wait3A_288 = arith.constant 0 : i32
        %dma_wait3A_289 = arith.constant 0 : i32
        %dma_wait3A_290 = tpu.memref_slice %dma_wait3A_287[%dma_wait3A_288, %dma_wait3A_289] : memref<10000x64xf32, #tpu.memory_space<hbm>> -> memref<10000x64xf32, #tpu.memory_space<hbm>>
        tpu.wait_indirect_dma semaphore(%arg18 : memref<!tpu.dma_semaphore, #tpu.memory_space<semaphore_mem>>) src(%dma_wait3A_290 : memref<10000x64xf32, #tpu.memory_space<hbm>>) dst(%arg13 : memref<128x64xf32, #tpu.memory_space<vmem>>)
      } else {
      }
      %eq3A_222 = arith.constant 1 : i32
      %eq3A_223 = arith.cmpi eq, %arg0, %eq3A_222 : i32
      %convert_element_type3A_224 = arith.extui %eq3A_223 : i1 to i32
      %cond3A_225 = arith.constant 0 : i32
      %cond3A_226 = arith.cmpi ne, %convert_element_type3A_224, %cond3A_225 : i32
      scf.if %cond3A_226 {
        %dma_wait3A_280 = arith.constant 1 : i32
        %dma_wait3A_281 = arith.constant 0 : i32
        %dma_wait3A_282 = tpu.memref_slice %arg9[%add3A_199, %dma_wait3A_281] : memref<157x128xi32, #tpu.memory_space<vmem>> -> memref<1x128xi32, #tpu.memory_space<vmem>>
        %dma_wait3A_283 = tpu.memref_squeeze %dma_wait3A_282 : memref<1x128xi32, #tpu.memory_space<vmem>> -> memref<128xi32, #tpu.memory_space<vmem>>
        %dma_wait3A_284 = arith.constant 0 : i32
        %dma_wait3A_285 = arith.constant 0 : i32
        %dma_wait3A_286 = tpu.memref_slice %arg2[%dma_wait3A_280, %dma_wait3A_284, %dma_wait3A_285] : memref<2x10000x64xf32, #tpu.memory_space<hbm>> -> memref<1x10000x64xf32, #tpu.memory_space<hbm>>
        %dma_wait3A_287 = tpu.memref_squeeze %dma_wait3A_286 : memref<1x10000x64xf32, #tpu.memory_space<hbm>> -> memref<10000x64xf32, #tpu.memory_space<hbm>>
        %dma_wait3A_288 = arith.constant 0 : i32
        %dma_wait3A_289 = arith.constant 0 : i32
        %dma_wait3A_290 = tpu.memref_slice %dma_wait3A_287[%dma_wait3A_288, %dma_wait3A_289] : memref<10000x64xf32, #tpu.memory_space<hbm>> -> memref<10000x64xf32, #tpu.memory_space<hbm>>
        tpu.wait_indirect_dma semaphore(%arg18 : memref<!tpu.dma_semaphore, #tpu.memory_space<semaphore_mem>>) src(%dma_wait3A_290 : memref<10000x64xf32, #tpu.memory_space<hbm>>) dst(%arg13 : memref<128x64xf32, #tpu.memory_space<vmem>>)
      } else {
      }
      %dma_start3A_227 = arith.constant 0 : i32
      %dma_start3A_228 = tpu.memref_slice %arg10[%add3A_199, %dma_start3A_227] : memref<157x128xi32, #tpu.memory_space<vmem>> -> memref<1x128xi32, #tpu.memory_space<vmem>>
      %dma_start3A_229 = tpu.memref_squeeze %dma_start3A_228 : memref<1x128xi32, #tpu.memory_space<vmem>> -> memref<128xi32, #tpu.memory_space<vmem>>
      %dma_start3A_230 = arith.constant 0 : i32
      %dma_start3A_231 = arith.constant 0 : i32
      %dma_start3A_232 = tpu.memref_slice %arg15[%dma_start3A_230, %dma_start3A_231] : memref<10000x64xf32, #tpu.memory_space<vmem_shared>> -> memref<10000x64xf32, #tpu.memory_space<vmem_shared>>
      tpu.enqueue_indirect_dma source(%arg13 : memref<128x64xf32, #tpu.memory_space<vmem>>) target(%dma_start3A_232 : memref<10000x64xf32, #tpu.memory_space<vmem_shared>>) offsets(%dma_start3A_229 : memref<128xi32, #tpu.memory_space<vmem>>) semaphore(%arg22 : memref<!tpu.dma_semaphore, #tpu.memory_space<semaphore_mem>>) {add = true}
      %eq3A_233 = arith.constant 0 : i32
      %eq3A_234 = arith.cmpi eq, %arg0, %eq3A_233 : i32
      %convert_element_type3A_235 = arith.extui %eq3A_234 : i1 to i32
      %cond3A_236 = arith.constant 0 : i32
      %cond3A_237 = arith.cmpi ne, %convert_element_type3A_235, %cond3A_236 : i32
      scf.if %cond3A_237 {
        %add3A_280 = arith.constant 0 : i32
        %add3A_281 = arith.addi %add3A_199, %add3A_280 : i32
        %dma_start3A_282 = arith.constant 0 : i32
        %dma_start3A_283 = tpu.memref_slice %arg10[%add3A_281, %dma_start3A_282] : memref<157x128xi32, #tpu.memory_space<vmem>> -> memref<1x128xi32, #tpu.memory_space<vmem>>
        %dma_start3A_284 = tpu.memref_squeeze %dma_start3A_283 : memref<1x128xi32, #tpu.memory_space<vmem>> -> memref<128xi32, #tpu.memory_space<vmem>>
        %dma_start3A_285 = arith.constant 0 : i32
        %dma_start3A_286 = arith.constant 0 : i32
        %dma_start3A_287 = tpu.memref_slice %arg25[%dma_start3A_285, %dma_start3A_286] : memref<10000x16xf32, #tpu.memory_space<vmem_shared>> -> memref<10000x16xf32, #tpu.memory_space<vmem_shared>>
        tpu.enqueue_indirect_dma source(%arg24 : memref<128x16xf32, #tpu.memory_space<vmem>>) target(%dma_start3A_287 : memref<10000x16xf32, #tpu.memory_space<vmem_shared>>) offsets(%dma_start3A_284 : memref<128xi32, #tpu.memory_space<vmem>>) semaphore(%arg22 : memref<!tpu.dma_semaphore, #tpu.memory_space<semaphore_mem>>) {add = true}
      } else {
      }
      %eq3A_238 = arith.constant 1 : i32
      %eq3A_239 = arith.cmpi eq, %arg0, %eq3A_238 : i32
      %convert_element_type3A_240 = arith.extui %eq3A_239 : i1 to i32
      %cond3A_241 = arith.constant 0 : i32
      %cond3A_242 = arith.cmpi ne, %convert_element_type3A_240, %cond3A_241 : i32
      scf.if %cond3A_242 {
        %add3A_280 = arith.constant 1 : i32
        %add3A_281 = arith.addi %add3A_199, %add3A_280 : i32
        %dma_start3A_282 = arith.constant 0 : i32
        %dma_start3A_283 = tpu.memref_slice %arg10[%add3A_281, %dma_start3A_282] : memref<157x128xi32, #tpu.memory_space<vmem>> -> memref<1x128xi32, #tpu.memory_space<vmem>>
        %dma_start3A_284 = tpu.memref_squeeze %dma_start3A_283 : memref<1x128xi32, #tpu.memory_space<vmem>> -> memref<128xi32, #tpu.memory_space<vmem>>
        %dma_start3A_285 = arith.constant 0 : i32
        %dma_start3A_286 = arith.constant 0 : i32
        %dma_start3A_287 = tpu.memref_slice %arg25[%dma_start3A_285, %dma_start3A_286] : memref<10000x16xf32, #tpu.memory_space<vmem_shared>> -> memref<10000x16xf32, #tpu.memory_space<vmem_shared>>
        tpu.enqueue_indirect_dma source(%arg24 : memref<128x16xf32, #tpu.memory_space<vmem>>) target(%dma_start3A_287 : memref<10000x16xf32, #tpu.memory_space<vmem_shared>>) offsets(%dma_start3A_284 : memref<128xi32, #tpu.memory_space<vmem>>) semaphore(%arg22 : memref<!tpu.dma_semaphore, #tpu.memory_space<semaphore_mem>>) {add = true}
      } else {
      }
      %mul3A_243 = arith.constant 4 : i32
      %mul3A_244 = arith.muli %scan3A_113, %mul3A_243 : i32
      %add3A_245 = arith.constant 3 : i32
      %add3A_246 = arith.addi %mul3A_244, %add3A_245 : i32
      %add3A_247 = arith.constant 2 : i32
      %add3A_248 = arith.addi %add3A_246, %add3A_247 : i32
      %ge3A_249 = arith.constant 4 : i32
      %ge3A_250 = arith.cmpi sge, %add3A_248, %ge3A_249 : i32
      %add3A_251 = arith.constant 2 : i32
      %add3A_252 = arith.addi %add3A_246, %add3A_251 : i32
      %lt3A_253 = arith.cmpi slt, %add3A_252, %add3A_20 : i32
      %and3A_254 = arith.andi %ge3A_250, %lt3A_253 : i1
      %convert_element_type3A_255 = arith.extui %and3A_254 : i1 to i32
      %cond3A_256 = arith.constant 0 : i32
      %cond3A_257 = arith.cmpi ne, %convert_element_type3A_255, %cond3A_256 : i32
      scf.if %cond3A_257 {
        %add3A_280 = arith.constant 2 : i32
        %add3A_281 = arith.addi %add3A_246, %add3A_280 : i32
        %sub3A = arith.constant 4 : i32
        %sub3A_282 = arith.subi %add3A_281, %sub3A : i32
        %dma_wait3A_283 = arith.constant 0 : i32
        %dma_wait3A_284 = tpu.memref_slice %arg10[%sub3A_282, %dma_wait3A_283] : memref<157x128xi32, #tpu.memory_space<vmem>> -> memref<1x128xi32, #tpu.memory_space<vmem>>
        %dma_wait3A_285 = tpu.memref_squeeze %dma_wait3A_284 : memref<1x128xi32, #tpu.memory_space<vmem>> -> memref<128xi32, #tpu.memory_space<vmem>>
        %dma_wait3A_286 = arith.constant 0 : i32
        %dma_wait3A_287 = arith.constant 0 : i32
        %dma_wait3A_288 = tpu.memref_slice %arg15[%dma_wait3A_286, %dma_wait3A_287] : memref<10000x64xf32, #tpu.memory_space<vmem_shared>> -> memref<10000x64xf32, #tpu.memory_space<vmem_shared>>
        tpu.wait_indirect_dma semaphore(%arg21 : memref<!tpu.dma_semaphore, #tpu.memory_space<semaphore_mem>>) src(%arg12 : memref<128x64xf32, #tpu.memory_space<vmem>>) dst(%dma_wait3A_288 : memref<10000x64xf32, #tpu.memory_space<vmem_shared>>)
      } else {
      }
      %add3A_258 = arith.constant 2 : i32
      %add3A_259 = arith.addi %add3A_246, %add3A_258 : i32
      %lt3A_260 = arith.cmpi slt, %add3A_259, %add3A_20 : i32
      %convert_element_type3A_261 = arith.extui %lt3A_260 : i1 to i32
      %cond3A_262 = arith.constant 0 : i32
      %cond3A_263 = arith.cmpi ne, %convert_element_type3A_261, %cond3A_262 : i32
      scf.if %cond3A_263 {
        %add3A_280 = arith.constant 2 : i32
        %add3A_281 = arith.addi %add3A_246, %add3A_280 : i32
        %eq3A_282 = arith.constant 0 : i32
        %eq3A_283 = arith.cmpi eq, %arg0, %eq3A_282 : i32
        %convert_element_type3A_284 = arith.extui %eq3A_283 : i1 to i32
        %cond3A_285 = arith.constant 0 : i32
        %cond3A_286 = arith.cmpi ne, %convert_element_type3A_284, %cond3A_285 : i32
        scf.if %cond3A_286 {
          %dma_start3A_292 = arith.constant 0 : i32
          %dma_start3A_293 = arith.constant 0 : i32
          %dma_start3A_294 = tpu.memref_slice %arg9[%add3A_281, %dma_start3A_293] : memref<157x128xi32, #tpu.memory_space<vmem>> -> memref<1x128xi32, #tpu.memory_space<vmem>>
          %dma_start3A_295 = tpu.memref_squeeze %dma_start3A_294 : memref<1x128xi32, #tpu.memory_space<vmem>> -> memref<128xi32, #tpu.memory_space<vmem>>
          %dma_start3A_296 = arith.constant 0 : i32
          %dma_start3A_297 = arith.constant 0 : i32
          %dma_start3A_298 = tpu.memref_slice %arg2[%dma_start3A_292, %dma_start3A_296, %dma_start3A_297] : memref<2x10000x64xf32, #tpu.memory_space<hbm>> -> memref<1x10000x64xf32, #tpu.memory_space<hbm>>
          %dma_start3A_299 = tpu.memref_squeeze %dma_start3A_298 : memref<1x10000x64xf32, #tpu.memory_space<hbm>> -> memref<10000x64xf32, #tpu.memory_space<hbm>>
          %dma_start3A_300 = arith.constant 0 : i32
          %dma_start3A_301 = arith.constant 0 : i32
          %dma_start3A_302 = tpu.memref_slice %dma_start3A_299[%dma_start3A_300, %dma_start3A_301] : memref<10000x64xf32, #tpu.memory_space<hbm>> -> memref<10000x64xf32, #tpu.memory_space<hbm>>
          tpu.enqueue_indirect_dma source(%dma_start3A_302 : memref<10000x64xf32, #tpu.memory_space<hbm>>) target(%arg12 : memref<128x64xf32, #tpu.memory_space<vmem>>) offsets(%dma_start3A_295 : memref<128xi32, #tpu.memory_space<vmem>>) semaphore(%arg17 : memref<!tpu.dma_semaphore, #tpu.memory_space<semaphore_mem>>)
        } else {
        }
        %eq3A_287 = arith.constant 1 : i32
        %eq3A_288 = arith.cmpi eq, %arg0, %eq3A_287 : i32
        %convert_element_type3A_289 = arith.extui %eq3A_288 : i1 to i32
        %cond3A_290 = arith.constant 0 : i32
        %cond3A_291 = arith.cmpi ne, %convert_element_type3A_289, %cond3A_290 : i32
        scf.if %cond3A_291 {
          %dma_start3A_292 = arith.constant 1 : i32
          %dma_start3A_293 = arith.constant 0 : i32
          %dma_start3A_294 = tpu.memref_slice %arg9[%add3A_281, %dma_start3A_293] : memref<157x128xi32, #tpu.memory_space<vmem>> -> memref<1x128xi32, #tpu.memory_space<vmem>>
          %dma_start3A_295 = tpu.memref_squeeze %dma_start3A_294 : memref<1x128xi32, #tpu.memory_space<vmem>> -> memref<128xi32, #tpu.memory_space<vmem>>
          %dma_start3A_296 = arith.constant 0 : i32
          %dma_start3A_297 = arith.constant 0 : i32
          %dma_start3A_298 = tpu.memref_slice %arg2[%dma_start3A_292, %dma_start3A_296, %dma_start3A_297] : memref<2x10000x64xf32, #tpu.memory_space<hbm>> -> memref<1x10000x64xf32, #tpu.memory_space<hbm>>
          %dma_start3A_299 = tpu.memref_squeeze %dma_start3A_298 : memref<1x10000x64xf32, #tpu.memory_space<hbm>> -> memref<10000x64xf32, #tpu.memory_space<hbm>>
          %dma_start3A_300 = arith.constant 0 : i32
          %dma_start3A_301 = arith.constant 0 : i32
          %dma_start3A_302 = tpu.memref_slice %dma_start3A_299[%dma_start3A_300, %dma_start3A_301] : memref<10000x64xf32, #tpu.memory_space<hbm>> -> memref<10000x64xf32, #tpu.memory_space<hbm>>
          tpu.enqueue_indirect_dma source(%dma_start3A_302 : memref<10000x64xf32, #tpu.memory_space<hbm>>) target(%arg12 : memref<128x64xf32, #tpu.memory_space<vmem>>) offsets(%dma_start3A_295 : memref<128xi32, #tpu.memory_space<vmem>>) semaphore(%arg17 : memref<!tpu.dma_semaphore, #tpu.memory_space<semaphore_mem>>)
        } else {
        }
      } else {
      }
      %eq3A_264 = arith.constant 0 : i32
      %eq3A_265 = arith.cmpi eq, %arg0, %eq3A_264 : i32
      %convert_element_type3A_266 = arith.extui %eq3A_265 : i1 to i32
      %cond3A_267 = arith.constant 0 : i32
      %cond3A_268 = arith.cmpi ne, %convert_element_type3A_266, %cond3A_267 : i32
      scf.if %cond3A_268 {
        %dma_wait3A_280 = arith.constant 0 : i32
        %dma_wait3A_281 = arith.constant 0 : i32
        %dma_wait3A_282 = tpu.memref_slice %arg9[%add3A_246, %dma_wait3A_281] : memref<157x128xi32, #tpu.memory_space<vmem>> -> memref<1x128xi32, #tpu.memory_space<vmem>>
        %dma_wait3A_283 = tpu.memref_squeeze %dma_wait3A_282 : memref<1x128xi32, #tpu.memory_space<vmem>> -> memref<128xi32, #tpu.memory_space<vmem>>
        %dma_wait3A_284 = arith.constant 0 : i32
        %dma_wait3A_285 = arith.constant 0 : i32
        %dma_wait3A_286 = tpu.memref_slice %arg2[%dma_wait3A_280, %dma_wait3A_284, %dma_wait3A_285] : memref<2x10000x64xf32, #tpu.memory_space<hbm>> -> memref<1x10000x64xf32, #tpu.memory_space<hbm>>
        %dma_wait3A_287 = tpu.memref_squeeze %dma_wait3A_286 : memref<1x10000x64xf32, #tpu.memory_space<hbm>> -> memref<10000x64xf32, #tpu.memory_space<hbm>>
        %dma_wait3A_288 = arith.constant 0 : i32
        %dma_wait3A_289 = arith.constant 0 : i32
        %dma_wait3A_290 = tpu.memref_slice %dma_wait3A_287[%dma_wait3A_288, %dma_wait3A_289] : memref<10000x64xf32, #tpu.memory_space<hbm>> -> memref<10000x64xf32, #tpu.memory_space<hbm>>
        tpu.wait_indirect_dma semaphore(%arg19 : memref<!tpu.dma_semaphore, #tpu.memory_space<semaphore_mem>>) src(%dma_wait3A_290 : memref<10000x64xf32, #tpu.memory_space<hbm>>) dst(%arg14 : memref<128x64xf32, #tpu.memory_space<vmem>>)
      } else {
      }
      %eq3A_269 = arith.constant 1 : i32
      %eq3A_270 = arith.cmpi eq, %arg0, %eq3A_269 : i32
      %convert_element_type3A_271 = arith.extui %eq3A_270 : i1 to i32
      %cond3A_272 = arith.constant 0 : i32
      %cond3A_273 = arith.cmpi ne, %convert_element_type3A_271, %cond3A_272 : i32
      scf.if %cond3A_273 {
        %dma_wait3A_280 = arith.constant 1 : i32
        %dma_wait3A_281 = arith.constant 0 : i32
        %dma_wait3A_282 = tpu.memref_slice %arg9[%add3A_246, %dma_wait3A_281] : memref<157x128xi32, #tpu.memory_space<vmem>> -> memref<1x128xi32, #tpu.memory_space<vmem>>
        %dma_wait3A_283 = tpu.memref_squeeze %dma_wait3A_282 : memref<1x128xi32, #tpu.memory_space<vmem>> -> memref<128xi32, #tpu.memory_space<vmem>>
        %dma_wait3A_284 = arith.constant 0 : i32
        %dma_wait3A_285 = arith.constant 0 : i32
        %dma_wait3A_286 = tpu.memref_slice %arg2[%dma_wait3A_280, %dma_wait3A_284, %dma_wait3A_285] : memref<2x10000x64xf32, #tpu.memory_space<hbm>> -> memref<1x10000x64xf32, #tpu.memory_space<hbm>>
        %dma_wait3A_287 = tpu.memref_squeeze %dma_wait3A_286 : memref<1x10000x64xf32, #tpu.memory_space<hbm>> -> memref<10000x64xf32, #tpu.memory_space<hbm>>
        %dma_wait3A_288 = arith.constant 0 : i32
        %dma_wait3A_289 = arith.constant 0 : i32
        %dma_wait3A_290 = tpu.memref_slice %dma_wait3A_287[%dma_wait3A_288, %dma_wait3A_289] : memref<10000x64xf32, #tpu.memory_space<hbm>> -> memref<10000x64xf32, #tpu.memory_space<hbm>>
        tpu.wait_indirect_dma semaphore(%arg19 : memref<!tpu.dma_semaphore, #tpu.memory_space<semaphore_mem>>) src(%dma_wait3A_290 : memref<10000x64xf32, #tpu.memory_space<hbm>>) dst(%arg14 : memref<128x64xf32, #tpu.memory_space<vmem>>)
      } else {
      }
      %dma_start3A_274 = arith.constant 0 : i32
      %dma_start3A_275 = tpu.memref_slice %arg10[%add3A_246, %dma_start3A_274] : memref<157x128xi32, #tpu.memory_space<vmem>> -> memref<1x128xi32, #tpu.memory_space<vmem>>
      %dma_start3A_276 = tpu.memref_squeeze %dma_start3A_275 : memref<1x128xi32, #tpu.memory_space<vmem>> -> memref<128xi32, #tpu.memory_space<vmem>>
      %dma_start3A_277 = arith.constant 0 : i32
      %dma_start3A_278 = arith.constant 0 : i32
      %dma_start3A_279 = tpu.memref_slice %arg15[%dma_start3A_277, %dma_start3A_278] : memref<10000x64xf32, #tpu.memory_space<vmem_shared>> -> memref<10000x64xf32, #tpu.memory_space<vmem_shared>>
      tpu.enqueue_indirect_dma source(%arg14 : memref<128x64xf32, #tpu.memory_space<vmem>>) target(%dma_start3A_279 : memref<10000x64xf32, #tpu.memory_space<vmem_shared>>) offsets(%dma_start3A_276 : memref<128xi32, #tpu.memory_space<vmem>>) semaphore(%arg23 : memref<!tpu.dma_semaphore, #tpu.memory_space<semaphore_mem>>) {add = true}
    }
    %scan3A_58 = arith.constant 39 : i32
    %lt3A_59 = arith.constant 4 : i32
    %lt3A_60 = arith.cmpi slt, %arg1, %lt3A_59 : i32
    %convert_element_type3A_61 = arith.extui %lt3A_60 : i1 to i32
    %cond3A_62 = arith.constant 0 : i32
    %cond3A_63 = arith.cmpi ne, %convert_element_type3A_61, %cond3A_62 : i32
    scf.if %cond3A_63 {
      %dma_wait3A_113 = arith.constant 154 : i32
      %dma_wait3A_114 = arith.constant 0 : i32
      %dma_wait3A_115 = tpu.memref_slice %arg10[%dma_wait3A_113, %dma_wait3A_114] : memref<157x128xi32, #tpu.memory_space<vmem>> -> memref<1x128xi32, #tpu.memory_space<vmem>>
      %dma_wait3A_116 = tpu.memref_squeeze %dma_wait3A_115 : memref<1x128xi32, #tpu.memory_space<vmem>> -> memref<128xi32, #tpu.memory_space<vmem>>
      %dma_wait3A_117 = arith.constant 0 : i32
      %dma_wait3A_118 = arith.constant 0 : i32
      %dma_wait3A_119 = tpu.memref_slice %arg15[%dma_wait3A_117, %dma_wait3A_118] : memref<10000x64xf32, #tpu.memory_space<vmem_shared>> -> memref<10000x64xf32, #tpu.memory_space<vmem_shared>>
      tpu.wait_indirect_dma semaphore(%arg22 : memref<!tpu.dma_semaphore, #tpu.memory_space<semaphore_mem>>) src(%arg13 : memref<128x64xf32, #tpu.memory_space<vmem>>) dst(%dma_wait3A_119 : memref<10000x64xf32, #tpu.memory_space<vmem_shared>>)
      %dma_wait3A_120 = arith.constant 154 : i32
      %dma_wait3A_121 = arith.constant 0 : i32
      %dma_wait3A_122 = tpu.memref_slice %arg10[%dma_wait3A_120, %dma_wait3A_121] : memref<157x128xi32, #tpu.memory_space<vmem>> -> memref<1x128xi32, #tpu.memory_space<vmem>>
      %dma_wait3A_123 = tpu.memref_squeeze %dma_wait3A_122 : memref<1x128xi32, #tpu.memory_space<vmem>> -> memref<128xi32, #tpu.memory_space<vmem>>
      %dma_wait3A_124 = arith.constant 0 : i32
      %dma_wait3A_125 = arith.constant 0 : i32
      %dma_wait3A_126 = tpu.memref_slice %arg25[%dma_wait3A_124, %dma_wait3A_125] : memref<10000x16xf32, #tpu.memory_space<vmem_shared>> -> memref<10000x16xf32, #tpu.memory_space<vmem_shared>>
      tpu.wait_indirect_dma semaphore(%arg22 : memref<!tpu.dma_semaphore, #tpu.memory_space<semaphore_mem>>) src(%arg24 : memref<128x16xf32, #tpu.memory_space<vmem>>) dst(%dma_wait3A_126 : memref<10000x16xf32, #tpu.memory_space<vmem_shared>>)
      %eq3A_127 = arith.constant 0 : i32
      %eq3A_128 = arith.cmpi eq, %arg0, %eq3A_127 : i32
      %convert_element_type3A_129 = arith.extui %eq3A_128 : i1 to i32
      %cond3A_130 = arith.constant 0 : i32
      %cond3A_131 = arith.cmpi ne, %convert_element_type3A_129, %cond3A_130 : i32
      scf.if %cond3A_131 {
        %dma_wait3A_148 = arith.constant 0 : i32
        %dma_wait3A_149 = arith.constant 156 : i32
        %dma_wait3A_150 = arith.constant 0 : i32
        %dma_wait3A_151 = tpu.memref_slice %arg9[%dma_wait3A_149, %dma_wait3A_150] : memref<157x128xi32, #tpu.memory_space<vmem>> -> memref<1x128xi32, #tpu.memory_space<vmem>>
        %dma_wait3A_152 = tpu.memref_squeeze %dma_wait3A_151 : memref<1x128xi32, #tpu.memory_space<vmem>> -> memref<128xi32, #tpu.memory_space<vmem>>
        %dma_wait3A_153 = arith.constant 0 : i32
        %dma_wait3A_154 = arith.constant 0 : i32
        %dma_wait3A_155 = tpu.memref_slice %arg2[%dma_wait3A_148, %dma_wait3A_153, %dma_wait3A_154] : memref<2x10000x64xf32, #tpu.memory_space<hbm>> -> memref<1x10000x64xf32, #tpu.memory_space<hbm>>
        %dma_wait3A_156 = tpu.memref_squeeze %dma_wait3A_155 : memref<1x10000x64xf32, #tpu.memory_space<hbm>> -> memref<10000x64xf32, #tpu.memory_space<hbm>>
        %dma_wait3A_157 = arith.constant 0 : i32
        %dma_wait3A_158 = arith.constant 0 : i32
        %dma_wait3A_159 = tpu.memref_slice %dma_wait3A_156[%dma_wait3A_157, %dma_wait3A_158] : memref<10000x64xf32, #tpu.memory_space<hbm>> -> memref<10000x64xf32, #tpu.memory_space<hbm>>
        tpu.wait_indirect_dma semaphore(%arg16 : memref<!tpu.dma_semaphore, #tpu.memory_space<semaphore_mem>>) src(%dma_wait3A_159 : memref<10000x64xf32, #tpu.memory_space<hbm>>) dst(%arg11 : memref<128x64xf32, #tpu.memory_space<vmem>>)
      } else {
      }
      %eq3A_132 = arith.constant 1 : i32
      %eq3A_133 = arith.cmpi eq, %arg0, %eq3A_132 : i32
      %convert_element_type3A_134 = arith.extui %eq3A_133 : i1 to i32
      %cond3A_135 = arith.constant 0 : i32
      %cond3A_136 = arith.cmpi ne, %convert_element_type3A_134, %cond3A_135 : i32
      scf.if %cond3A_136 {
        %dma_wait3A_148 = arith.constant 1 : i32
        %dma_wait3A_149 = arith.constant 156 : i32
        %dma_wait3A_150 = arith.constant 0 : i32
        %dma_wait3A_151 = tpu.memref_slice %arg9[%dma_wait3A_149, %dma_wait3A_150] : memref<157x128xi32, #tpu.memory_space<vmem>> -> memref<1x128xi32, #tpu.memory_space<vmem>>
        %dma_wait3A_152 = tpu.memref_squeeze %dma_wait3A_151 : memref<1x128xi32, #tpu.memory_space<vmem>> -> memref<128xi32, #tpu.memory_space<vmem>>
        %dma_wait3A_153 = arith.constant 0 : i32
        %dma_wait3A_154 = arith.constant 0 : i32
        %dma_wait3A_155 = tpu.memref_slice %arg2[%dma_wait3A_148, %dma_wait3A_153, %dma_wait3A_154] : memref<2x10000x64xf32, #tpu.memory_space<hbm>> -> memref<1x10000x64xf32, #tpu.memory_space<hbm>>
        %dma_wait3A_156 = tpu.memref_squeeze %dma_wait3A_155 : memref<1x10000x64xf32, #tpu.memory_space<hbm>> -> memref<10000x64xf32, #tpu.memory_space<hbm>>
        %dma_wait3A_157 = arith.constant 0 : i32
        %dma_wait3A_158 = arith.constant 0 : i32
        %dma_wait3A_159 = tpu.memref_slice %dma_wait3A_156[%dma_wait3A_157, %dma_wait3A_158] : memref<10000x64xf32, #tpu.memory_space<hbm>> -> memref<10000x64xf32, #tpu.memory_space<hbm>>
        tpu.wait_indirect_dma semaphore(%arg16 : memref<!tpu.dma_semaphore, #tpu.memory_space<semaphore_mem>>) src(%dma_wait3A_159 : memref<10000x64xf32, #tpu.memory_space<hbm>>) dst(%arg11 : memref<128x64xf32, #tpu.memory_space<vmem>>)
      } else {
      }
      %dma_start3A = arith.constant 156 : i32
      %dma_start3A_137 = arith.constant 0 : i32
      %dma_start3A_138 = tpu.memref_slice %arg10[%dma_start3A, %dma_start3A_137] : memref<157x128xi32, #tpu.memory_space<vmem>> -> memref<1x128xi32, #tpu.memory_space<vmem>>
      %dma_start3A_139 = tpu.memref_squeeze %dma_start3A_138 : memref<1x128xi32, #tpu.memory_space<vmem>> -> memref<128xi32, #tpu.memory_space<vmem>>
      %dma_start3A_140 = arith.constant 0 : i32
      %dma_start3A_141 = arith.constant 0 : i32
      %dma_start3A_142 = tpu.memref_slice %arg15[%dma_start3A_140, %dma_start3A_141] : memref<10000x64xf32, #tpu.memory_space<vmem_shared>> -> memref<10000x64xf32, #tpu.memory_space<vmem_shared>>
      tpu.enqueue_indirect_dma source(%arg11 : memref<128x64xf32, #tpu.memory_space<vmem>>) target(%dma_start3A_142 : memref<10000x64xf32, #tpu.memory_space<vmem_shared>>) offsets(%dma_start3A_139 : memref<128xi32, #tpu.memory_space<vmem>>) semaphore(%arg20 : memref<!tpu.dma_semaphore, #tpu.memory_space<semaphore_mem>>) {add = true}
      %eq3A_143 = arith.constant 0 : i32
      %eq3A_144 = arith.cmpi eq, %arg0, %eq3A_143 : i32
      %convert_element_type3A_145 = arith.extui %eq3A_144 : i1 to i32
      %cond3A_146 = arith.constant 0 : i32
      %cond3A_147 = arith.cmpi ne, %convert_element_type3A_145, %cond3A_146 : i32
      scf.if %cond3A_147 {
        %dma_start3A_148 = arith.constant 156 : i32
        %dma_start3A_149 = arith.constant 0 : i32
        %dma_start3A_150 = tpu.memref_slice %arg10[%dma_start3A_148, %dma_start3A_149] : memref<157x128xi32, #tpu.memory_space<vmem>> -> memref<1x128xi32, #tpu.memory_space<vmem>>
        %dma_start3A_151 = tpu.memref_squeeze %dma_start3A_150 : memref<1x128xi32, #tpu.memory_space<vmem>> -> memref<128xi32, #tpu.memory_space<vmem>>
        %dma_start3A_152 = arith.constant 0 : i32
        %dma_start3A_153 = arith.constant 0 : i32
        %dma_start3A_154 = tpu.memref_slice %arg25[%dma_start3A_152, %dma_start3A_153] : memref<10000x16xf32, #tpu.memory_space<vmem_shared>> -> memref<10000x16xf32, #tpu.memory_space<vmem_shared>>
        tpu.enqueue_indirect_dma source(%arg24 : memref<128x16xf32, #tpu.memory_space<vmem>>) target(%dma_start3A_154 : memref<10000x16xf32, #tpu.memory_space<vmem_shared>>) offsets(%dma_start3A_151 : memref<128xi32, #tpu.memory_space<vmem>>) semaphore(%arg20 : memref<!tpu.dma_semaphore, #tpu.memory_space<semaphore_mem>>) {add = true}
      } else {
      }
    } else {
    }
    %ge3A_64 = arith.constant 4 : i32
    %ge3A_65 = arith.cmpi sge, %arg1, %ge3A_64 : i32
    %convert_element_type3A_66 = arith.extui %ge3A_65 : i1 to i32
    %cond3A_67 = arith.constant 0 : i32
    %cond3A_68 = arith.cmpi ne, %convert_element_type3A_66, %cond3A_67 : i32
    scf.if %cond3A_68 {
      %dma_wait3A_113 = arith.constant 152 : i32
      %dma_wait3A_114 = arith.constant 0 : i32
      %dma_wait3A_115 = tpu.memref_slice %arg10[%dma_wait3A_113, %dma_wait3A_114] : memref<157x128xi32, #tpu.memory_space<vmem>> -> memref<1x128xi32, #tpu.memory_space<vmem>>
      %dma_wait3A_116 = tpu.memref_squeeze %dma_wait3A_115 : memref<1x128xi32, #tpu.memory_space<vmem>> -> memref<128xi32, #tpu.memory_space<vmem>>
      %dma_wait3A_117 = arith.constant 0 : i32
      %dma_wait3A_118 = arith.constant 0 : i32
      %dma_wait3A_119 = tpu.memref_slice %arg15[%dma_wait3A_117, %dma_wait3A_118] : memref<10000x64xf32, #tpu.memory_space<vmem_shared>> -> memref<10000x64xf32, #tpu.memory_space<vmem_shared>>
      tpu.wait_indirect_dma semaphore(%arg20 : memref<!tpu.dma_semaphore, #tpu.memory_space<semaphore_mem>>) src(%arg11 : memref<128x64xf32, #tpu.memory_space<vmem>>) dst(%dma_wait3A_119 : memref<10000x64xf32, #tpu.memory_space<vmem_shared>>)
      %dma_wait3A_120 = arith.constant 152 : i32
      %dma_wait3A_121 = arith.constant 0 : i32
      %dma_wait3A_122 = tpu.memref_slice %arg10[%dma_wait3A_120, %dma_wait3A_121] : memref<157x128xi32, #tpu.memory_space<vmem>> -> memref<1x128xi32, #tpu.memory_space<vmem>>
      %dma_wait3A_123 = tpu.memref_squeeze %dma_wait3A_122 : memref<1x128xi32, #tpu.memory_space<vmem>> -> memref<128xi32, #tpu.memory_space<vmem>>
      %dma_wait3A_124 = arith.constant 0 : i32
      %dma_wait3A_125 = arith.constant 0 : i32
      %dma_wait3A_126 = tpu.memref_slice %arg25[%dma_wait3A_124, %dma_wait3A_125] : memref<10000x16xf32, #tpu.memory_space<vmem_shared>> -> memref<10000x16xf32, #tpu.memory_space<vmem_shared>>
      tpu.wait_indirect_dma semaphore(%arg20 : memref<!tpu.dma_semaphore, #tpu.memory_space<semaphore_mem>>) src(%arg24 : memref<128x16xf32, #tpu.memory_space<vmem>>) dst(%dma_wait3A_126 : memref<10000x16xf32, #tpu.memory_space<vmem_shared>>)
    } else {
    }
    %lt3A_69 = arith.constant 4 : i32
    %lt3A_70 = arith.cmpi slt, %arg1, %lt3A_69 : i32
    %convert_element_type3A_71 = arith.extui %lt3A_70 : i1 to i32
    %cond3A_72 = arith.constant 0 : i32
    %cond3A_73 = arith.cmpi ne, %convert_element_type3A_71, %cond3A_72 : i32
    scf.if %cond3A_73 {
      %dma_wait3A_113 = arith.constant 156 : i32
      %dma_wait3A_114 = arith.constant 0 : i32
      %dma_wait3A_115 = tpu.memref_slice %arg10[%dma_wait3A_113, %dma_wait3A_114] : memref<157x128xi32, #tpu.memory_space<vmem>> -> memref<1x128xi32, #tpu.memory_space<vmem>>
      %dma_wait3A_116 = tpu.memref_squeeze %dma_wait3A_115 : memref<1x128xi32, #tpu.memory_space<vmem>> -> memref<128xi32, #tpu.memory_space<vmem>>
      %dma_wait3A_117 = arith.constant 0 : i32
      %dma_wait3A_118 = arith.constant 0 : i32
      %dma_wait3A_119 = tpu.memref_slice %arg15[%dma_wait3A_117, %dma_wait3A_118] : memref<10000x64xf32, #tpu.memory_space<vmem_shared>> -> memref<10000x64xf32, #tpu.memory_space<vmem_shared>>
      tpu.wait_indirect_dma semaphore(%arg20 : memref<!tpu.dma_semaphore, #tpu.memory_space<semaphore_mem>>) src(%arg11 : memref<128x64xf32, #tpu.memory_space<vmem>>) dst(%dma_wait3A_119 : memref<10000x64xf32, #tpu.memory_space<vmem_shared>>)
      %eq3A_120 = arith.constant 0 : i32
      %eq3A_121 = arith.cmpi eq, %arg0, %eq3A_120 : i32
      %convert_element_type3A_122 = arith.extui %eq3A_121 : i1 to i32
      %cond3A_123 = arith.constant 0 : i32
      %cond3A_124 = arith.cmpi ne, %convert_element_type3A_122, %cond3A_123 : i32
      scf.if %cond3A_124 {
        %dma_wait3A_125 = arith.constant 156 : i32
        %dma_wait3A_126 = arith.constant 0 : i32
        %dma_wait3A_127 = tpu.memref_slice %arg10[%dma_wait3A_125, %dma_wait3A_126] : memref<157x128xi32, #tpu.memory_space<vmem>> -> memref<1x128xi32, #tpu.memory_space<vmem>>
        %dma_wait3A_128 = tpu.memref_squeeze %dma_wait3A_127 : memref<1x128xi32, #tpu.memory_space<vmem>> -> memref<128xi32, #tpu.memory_space<vmem>>
        %dma_wait3A_129 = arith.constant 0 : i32
        %dma_wait3A_130 = arith.constant 0 : i32
        %dma_wait3A_131 = tpu.memref_slice %arg25[%dma_wait3A_129, %dma_wait3A_130] : memref<10000x16xf32, #tpu.memory_space<vmem_shared>> -> memref<10000x16xf32, #tpu.memory_space<vmem_shared>>
        tpu.wait_indirect_dma semaphore(%arg20 : memref<!tpu.dma_semaphore, #tpu.memory_space<semaphore_mem>>) src(%arg24 : memref<128x16xf32, #tpu.memory_space<vmem>>) dst(%dma_wait3A_131 : memref<10000x16xf32, #tpu.memory_space<vmem_shared>>)
      } else {
      }
    } else {
    }
    %dma_wait3A = arith.constant 153 : i32
    %dma_wait3A_74 = arith.constant 0 : i32
    %dma_wait3A_75 = tpu.memref_slice %arg10[%dma_wait3A, %dma_wait3A_74] : memref<157x128xi32, #tpu.memory_space<vmem>> -> memref<1x128xi32, #tpu.memory_space<vmem>>
    %dma_wait3A_76 = tpu.memref_squeeze %dma_wait3A_75 : memref<1x128xi32, #tpu.memory_space<vmem>> -> memref<128xi32, #tpu.memory_space<vmem>>
    %dma_wait3A_77 = arith.constant 0 : i32
    %dma_wait3A_78 = arith.constant 0 : i32
    %dma_wait3A_79 = tpu.memref_slice %arg15[%dma_wait3A_77, %dma_wait3A_78] : memref<10000x64xf32, #tpu.memory_space<vmem_shared>> -> memref<10000x64xf32, #tpu.memory_space<vmem_shared>>
    tpu.wait_indirect_dma semaphore(%arg21 : memref<!tpu.dma_semaphore, #tpu.memory_space<semaphore_mem>>) src(%arg12 : memref<128x64xf32, #tpu.memory_space<vmem>>) dst(%dma_wait3A_79 : memref<10000x64xf32, #tpu.memory_space<vmem_shared>>)
    %ge3A_80 = arith.constant 4 : i32
    %ge3A_81 = arith.cmpi sge, %arg1, %ge3A_80 : i32
    %convert_element_type3A_82 = arith.extui %ge3A_81 : i1 to i32
    %cond3A_83 = arith.constant 0 : i32
    %cond3A_84 = arith.cmpi ne, %convert_element_type3A_82, %cond3A_83 : i32
    scf.if %cond3A_84 {
      %dma_wait3A_113 = arith.constant 154 : i32
      %dma_wait3A_114 = arith.constant 0 : i32
      %dma_wait3A_115 = tpu.memref_slice %arg10[%dma_wait3A_113, %dma_wait3A_114] : memref<157x128xi32, #tpu.memory_space<vmem>> -> memref<1x128xi32, #tpu.memory_space<vmem>>
      %dma_wait3A_116 = tpu.memref_squeeze %dma_wait3A_115 : memref<1x128xi32, #tpu.memory_space<vmem>> -> memref<128xi32, #tpu.memory_space<vmem>>
      %dma_wait3A_117 = arith.constant 0 : i32
      %dma_wait3A_118 = arith.constant 0 : i32
      %dma_wait3A_119 = tpu.memref_slice %arg15[%dma_wait3A_117, %dma_wait3A_118] : memref<10000x64xf32, #tpu.memory_space<vmem_shared>> -> memref<10000x64xf32, #tpu.memory_space<vmem_shared>>
      tpu.wait_indirect_dma semaphore(%arg22 : memref<!tpu.dma_semaphore, #tpu.memory_space<semaphore_mem>>) src(%arg13 : memref<128x64xf32, #tpu.memory_space<vmem>>) dst(%dma_wait3A_119 : memref<10000x64xf32, #tpu.memory_space<vmem_shared>>)
      %dma_wait3A_120 = arith.constant 154 : i32
      %dma_wait3A_121 = arith.constant 0 : i32
      %dma_wait3A_122 = tpu.memref_slice %arg10[%dma_wait3A_120, %dma_wait3A_121] : memref<157x128xi32, #tpu.memory_space<vmem>> -> memref<1x128xi32, #tpu.memory_space<vmem>>
      %dma_wait3A_123 = tpu.memref_squeeze %dma_wait3A_122 : memref<1x128xi32, #tpu.memory_space<vmem>> -> memref<128xi32, #tpu.memory_space<vmem>>
      %dma_wait3A_124 = arith.constant 0 : i32
      %dma_wait3A_125 = arith.constant 0 : i32
      %dma_wait3A_126 = tpu.memref_slice %arg25[%dma_wait3A_124, %dma_wait3A_125] : memref<10000x16xf32, #tpu.memory_space<vmem_shared>> -> memref<10000x16xf32, #tpu.memory_space<vmem_shared>>
      tpu.wait_indirect_dma semaphore(%arg22 : memref<!tpu.dma_semaphore, #tpu.memory_space<semaphore_mem>>) src(%arg24 : memref<128x16xf32, #tpu.memory_space<vmem>>) dst(%dma_wait3A_126 : memref<10000x16xf32, #tpu.memory_space<vmem_shared>>)
    } else {
    }
    %dma_wait3A_85 = arith.constant 155 : i32
    %dma_wait3A_86 = arith.constant 0 : i32
    %dma_wait3A_87 = tpu.memref_slice %arg10[%dma_wait3A_85, %dma_wait3A_86] : memref<157x128xi32, #tpu.memory_space<vmem>> -> memref<1x128xi32, #tpu.memory_space<vmem>>
    %dma_wait3A_88 = tpu.memref_squeeze %dma_wait3A_87 : memref<1x128xi32, #tpu.memory_space<vmem>> -> memref<128xi32, #tpu.memory_space<vmem>>
    %dma_wait3A_89 = arith.constant 0 : i32
    %dma_wait3A_90 = arith.constant 0 : i32
    %dma_wait3A_91 = tpu.memref_slice %arg15[%dma_wait3A_89, %dma_wait3A_90] : memref<10000x64xf32, #tpu.memory_space<vmem_shared>> -> memref<10000x64xf32, #tpu.memory_space<vmem_shared>>
    tpu.wait_indirect_dma semaphore(%arg23 : memref<!tpu.dma_semaphore, #tpu.memory_space<semaphore_mem>>) src(%arg14 : memref<128x64xf32, #tpu.memory_space<vmem>>) dst(%dma_wait3A_91 : memref<10000x64xf32, #tpu.memory_space<vmem_shared>>)
    %barrier3A_92 = arith.constant 0 : index
    tpu.barrier barrier_id(%barrier3A_92)
    %lt3A_93 = arith.constant 15 : i32
    %lt3A_94 = arith.cmpi slt, %arg1, %lt3A_93 : i32
    %convert_element_type3A_95 = arith.extui %lt3A_94 : i1 to i32
    %cond3A_96 = arith.constant 0 : i32
    %cond3A_97 = arith.cmpi ne, %convert_element_type3A_95, %cond3A_96 : i32
    scf.if %cond3A_97 {
      "tpu.region"() ({
        %run_scoped3A = tpu.sem_alloc : memref<!tpu.dma_semaphore, #tpu.memory_space<semaphore_mem>>
        %dma_start3A = arith.constant 0 : i32
        %dma_start3A_113 = tpu.memref_slice %arg7[%arg0, %mul3A_0, %dma_start3A] : memref<2x10000x64xf32, #tpu.memory_space<hbm>> -> memref<1x624x64xf32, #tpu.memory_space<hbm>>
        %dma_start3A_114 = tpu.memref_squeeze %dma_start3A_113 : memref<1x624x64xf32, #tpu.memory_space<hbm>> -> memref<624x64xf32, #tpu.memory_space<hbm>>
        %dma_start3A_115 = arith.constant 0 : i32
        %dma_start3A_116 = tpu.memref_slice %arg15[%mul3A_0, %dma_start3A_115] : memref<10000x64xf32, #tpu.memory_space<vmem_shared>> -> memref<624x64xf32, #tpu.memory_space<vmem_shared>>
        tpu.enqueue_dma source(%dma_start3A_116 : memref<624x64xf32, #tpu.memory_space<vmem_shared>>) target(%dma_start3A_114 : memref<624x64xf32, #tpu.memory_space<hbm>>) target_semaphore(%run_scoped3A : memref<!tpu.dma_semaphore, #tpu.memory_space<semaphore_mem>>)
        %dma_wait3A_117 = arith.constant 0 : i32
        %dma_wait3A_118 = tpu.memref_slice %arg7[%arg0, %mul3A_0, %dma_wait3A_117] : memref<2x10000x64xf32, #tpu.memory_space<hbm>> -> memref<1x624x64xf32, #tpu.memory_space<hbm>>
        %dma_wait3A_119 = tpu.memref_squeeze %dma_wait3A_118 : memref<1x624x64xf32, #tpu.memory_space<hbm>> -> memref<624x64xf32, #tpu.memory_space<hbm>>
        %dma_wait3A_120 = arith.constant 0 : i32
        %dma_wait3A_121 = tpu.memref_slice %arg15[%mul3A_0, %dma_wait3A_120] : memref<10000x64xf32, #tpu.memory_space<vmem_shared>> -> memref<624x64xf32, #tpu.memory_space<vmem_shared>>
        tpu.wait_dma2 semaphore(%run_scoped3A : memref<!tpu.dma_semaphore, #tpu.memory_space<semaphore_mem>>) src(%dma_wait3A_121 : memref<624x64xf32, #tpu.memory_space<vmem_shared>>) dst(%dma_wait3A_119 : memref<624x64xf32, #tpu.memory_space<hbm>>)
        tpu.yield
      }) : () -> ()
    } else {
    }
    %eq3A_98 = arith.constant 15 : i32
    %eq3A_99 = arith.cmpi eq, %arg1, %eq3A_98 : i32
    %convert_element_type3A_100 = arith.extui %eq3A_99 : i1 to i32
    %cond3A_101 = arith.constant 0 : i32
    %cond3A_102 = arith.cmpi ne, %convert_element_type3A_100, %cond3A_101 : i32
    scf.if %cond3A_102 {
      "tpu.region"() ({
        %run_scoped3A = tpu.sem_alloc : memref<!tpu.dma_semaphore, #tpu.memory_space<semaphore_mem>>
        %dma_start3A = arith.constant 9360 : i32
        %dma_start3A_113 = arith.constant 0 : i32
        %dma_start3A_114 = tpu.memref_slice %arg7[%arg0, %dma_start3A, %dma_start3A_113] : memref<2x10000x64xf32, #tpu.memory_space<hbm>> -> memref<1x640x64xf32, #tpu.memory_space<hbm>>
        %dma_start3A_115 = tpu.memref_squeeze %dma_start3A_114 : memref<1x640x64xf32, #tpu.memory_space<hbm>> -> memref<640x64xf32, #tpu.memory_space<hbm>>
        %dma_start3A_116 = arith.constant 9360 : i32
        %dma_start3A_117 = arith.constant 0 : i32
        %dma_start3A_118 = tpu.memref_slice %arg15[%dma_start3A_116, %dma_start3A_117] : memref<10000x64xf32, #tpu.memory_space<vmem_shared>> -> memref<640x64xf32, #tpu.memory_space<vmem_shared>>
        tpu.enqueue_dma source(%dma_start3A_118 : memref<640x64xf32, #tpu.memory_space<vmem_shared>>) target(%dma_start3A_115 : memref<640x64xf32, #tpu.memory_space<hbm>>) target_semaphore(%run_scoped3A : memref<!tpu.dma_semaphore, #tpu.memory_space<semaphore_mem>>)
        %dma_wait3A_119 = arith.constant 9360 : i32
        %dma_wait3A_120 = arith.constant 0 : i32
        %dma_wait3A_121 = tpu.memref_slice %arg7[%arg0, %dma_wait3A_119, %dma_wait3A_120] : memref<2x10000x64xf32, #tpu.memory_space<hbm>> -> memref<1x640x64xf32, #tpu.memory_space<hbm>>
        %dma_wait3A_122 = tpu.memref_squeeze %dma_wait3A_121 : memref<1x640x64xf32, #tpu.memory_space<hbm>> -> memref<640x64xf32, #tpu.memory_space<hbm>>
        %dma_wait3A_123 = arith.constant 9360 : i32
        %dma_wait3A_124 = arith.constant 0 : i32
        %dma_wait3A_125 = tpu.memref_slice %arg15[%dma_wait3A_123, %dma_wait3A_124] : memref<10000x64xf32, #tpu.memory_space<vmem_shared>> -> memref<640x64xf32, #tpu.memory_space<vmem_shared>>
        tpu.wait_dma2 semaphore(%run_scoped3A : memref<!tpu.dma_semaphore, #tpu.memory_space<semaphore_mem>>) src(%dma_wait3A_125 : memref<640x64xf32, #tpu.memory_space<vmem_shared>>) dst(%dma_wait3A_122 : memref<640x64xf32, #tpu.memory_space<hbm>>)
        tpu.yield
      }) : () -> ()
    } else {
    }
    %lt3A_103 = arith.constant 15 : i32
    %lt3A_104 = arith.cmpi slt, %arg1, %lt3A_103 : i32
    %convert_element_type3A_105 = arith.extui %lt3A_104 : i1 to i32
    %cond3A_106 = arith.constant 0 : i32
    %cond3A_107 = arith.cmpi ne, %convert_element_type3A_105, %cond3A_106 : i32
    scf.if %cond3A_107 {
      "tpu.region"() ({
        %run_scoped3A = tpu.sem_alloc : memref<!tpu.dma_semaphore, #tpu.memory_space<semaphore_mem>>
        %dma_start3A = arith.constant 0 : i32
        %dma_start3A_113 = tpu.memref_slice %arg8[%arg0, %mul3A_0, %dma_start3A] : memref<2x10000x16xf32, #tpu.memory_space<hbm>> -> memref<1x624x16xf32, #tpu.memory_space<hbm>>
        %dma_start3A_114 = tpu.memref_squeeze %dma_start3A_113 : memref<1x624x16xf32, #tpu.memory_space<hbm>> -> memref<624x16xf32, #tpu.memory_space<hbm>>
        %dma_start3A_115 = arith.constant 0 : i32
        %dma_start3A_116 = tpu.memref_slice %arg25[%mul3A_0, %dma_start3A_115] : memref<10000x16xf32, #tpu.memory_space<vmem_shared>> -> memref<624x16xf32, #tpu.memory_space<vmem_shared>>
        tpu.enqueue_dma source(%dma_start3A_116 : memref<624x16xf32, #tpu.memory_space<vmem_shared>>) target(%dma_start3A_114 : memref<624x16xf32, #tpu.memory_space<hbm>>) target_semaphore(%run_scoped3A : memref<!tpu.dma_semaphore, #tpu.memory_space<semaphore_mem>>)
        %dma_wait3A_117 = arith.constant 0 : i32
        %dma_wait3A_118 = tpu.memref_slice %arg8[%arg0, %mul3A_0, %dma_wait3A_117] : memref<2x10000x16xf32, #tpu.memory_space<hbm>> -> memref<1x624x16xf32, #tpu.memory_space<hbm>>
        %dma_wait3A_119 = tpu.memref_squeeze %dma_wait3A_118 : memref<1x624x16xf32, #tpu.memory_space<hbm>> -> memref<624x16xf32, #tpu.memory_space<hbm>>
        %dma_wait3A_120 = arith.constant 0 : i32
        %dma_wait3A_121 = tpu.memref_slice %arg25[%mul3A_0, %dma_wait3A_120] : memref<10000x16xf32, #tpu.memory_space<vmem_shared>> -> memref<624x16xf32, #tpu.memory_space<vmem_shared>>
        tpu.wait_dma2 semaphore(%run_scoped3A : memref<!tpu.dma_semaphore, #tpu.memory_space<semaphore_mem>>) src(%dma_wait3A_121 : memref<624x16xf32, #tpu.memory_space<vmem_shared>>) dst(%dma_wait3A_119 : memref<624x16xf32, #tpu.memory_space<hbm>>)
        tpu.yield
      }) : () -> ()
    } else {
    }
    %eq3A_108 = arith.constant 15 : i32
    %eq3A_109 = arith.cmpi eq, %arg1, %eq3A_108 : i32
    %convert_element_type3A_110 = arith.extui %eq3A_109 : i1 to i32
    %cond3A_111 = arith.constant 0 : i32
    %cond3A_112 = arith.cmpi ne, %convert_element_type3A_110, %cond3A_111 : i32
    scf.if %cond3A_112 {
      "tpu.region"() ({
        %run_scoped3A = tpu.sem_alloc : memref<!tpu.dma_semaphore, #tpu.memory_space<semaphore_mem>>
        %dma_start3A = arith.constant 9360 : i32
        %dma_start3A_113 = arith.constant 0 : i32
        %dma_start3A_114 = tpu.memref_slice %arg8[%arg0, %dma_start3A, %dma_start3A_113] : memref<2x10000x16xf32, #tpu.memory_space<hbm>> -> memref<1x640x16xf32, #tpu.memory_space<hbm>>
        %dma_start3A_115 = tpu.memref_squeeze %dma_start3A_114 : memref<1x640x16xf32, #tpu.memory_space<hbm>> -> memref<640x16xf32, #tpu.memory_space<hbm>>
        %dma_start3A_116 = arith.constant 9360 : i32
        %dma_start3A_117 = arith.constant 0 : i32
        %dma_start3A_118 = tpu.memref_slice %arg25[%dma_start3A_116, %dma_start3A_117] : memref<10000x16xf32, #tpu.memory_space<vmem_shared>> -> memref<640x16xf32, #tpu.memory_space<vmem_shared>>
        tpu.enqueue_dma source(%dma_start3A_118 : memref<640x16xf32, #tpu.memory_space<vmem_shared>>) target(%dma_start3A_115 : memref<640x16xf32, #tpu.memory_space<hbm>>) target_semaphore(%run_scoped3A : memref<!tpu.dma_semaphore, #tpu.memory_space<semaphore_mem>>)
        %dma_wait3A_119 = arith.constant 9360 : i32
        %dma_wait3A_120 = arith.constant 0 : i32
        %dma_wait3A_121 = tpu.memref_slice %arg8[%arg0, %dma_wait3A_119, %dma_wait3A_120] : memref<2x10000x16xf32, #tpu.memory_space<hbm>> -> memref<1x640x16xf32, #tpu.memory_space<hbm>>
        %dma_wait3A_122 = tpu.memref_squeeze %dma_wait3A_121 : memref<1x640x16xf32, #tpu.memory_space<hbm>> -> memref<640x16xf32, #tpu.memory_space<hbm>>
        %dma_wait3A_123 = arith.constant 9360 : i32
        %dma_wait3A_124 = arith.constant 0 : i32
        %dma_wait3A_125 = tpu.memref_slice %arg25[%dma_wait3A_123, %dma_wait3A_124] : memref<10000x16xf32, #tpu.memory_space<vmem_shared>> -> memref<640x16xf32, #tpu.memory_space<vmem_shared>>
        tpu.wait_dma2 semaphore(%run_scoped3A : memref<!tpu.dma_semaphore, #tpu.memory_space<semaphore_mem>>) src(%dma_wait3A_125 : memref<640x16xf32, #tpu.memory_space<vmem_shared>>) dst(%dma_wait3A_122 : memref<640x16xf32, #tpu.memory_space<hbm>>)
        tpu.yield
      }) : () -> ()
    } else {
    }
    return
  }
}

#map = affine_map<(d0, d1) -> (0, 0, 0)>
#map1 = affine_map<(d0, d1) -> (0, 0)>
module attributes {stable_mosaic.version = 14 : i64} {
  func.func @body(%arg0: i32, %arg1: i32, %arg2: memref<2x10000x32xf32, #tpu.memory_space<hbm>>, %arg3: memref<2x2500x128xi32, #tpu.memory_space<hbm>>, %arg4: memref<10000x32xf32, #tpu.memory_space<hbm>>, %arg5: memref<2x10000x32xf32, #tpu.memory_space<hbm>>, %arg6: memref<157x128xi32, #tpu.memory_space<vmem>>, %arg7: memref<157x128xi32, #tpu.memory_space<vmem>>, %arg8: memref<128x32xf32, #tpu.memory_space<vmem>>, %arg9: memref<128x32xf32, #tpu.memory_space<vmem>>, %arg10: memref<128x32xf32, #tpu.memory_space<vmem>>, %arg11: memref<128x32xf32, #tpu.memory_space<vmem>>, %arg12: memref<10000x32xf32, #tpu.memory_space<vmem_shared>>, %arg13: memref<!tpu.dma_semaphore, #tpu.memory_space<semaphore_mem>>, %arg14: memref<!tpu.dma_semaphore, #tpu.memory_space<semaphore_mem>>, %arg15: memref<!tpu.dma_semaphore, #tpu.memory_space<semaphore_mem>>, %arg16: memref<!tpu.dma_semaphore, #tpu.memory_space<semaphore_mem>>, %arg17: memref<!tpu.dma_semaphore, #tpu.memory_space<semaphore_mem>>, %arg18: memref<!tpu.dma_semaphore, #tpu.memory_space<semaphore_mem>>, %arg19: memref<!tpu.dma_semaphore, #tpu.memory_space<semaphore_mem>>, %arg20: memref<!tpu.dma_semaphore, #tpu.memory_space<semaphore_mem>>) attributes {dimension_semantics = [#tpu.dimension_semantics<core_parallel>, #tpu.dimension_semantics<subcore_parallel>], iteration_bounds = array<i64: 2, 16>, scalar_prefetch = 0 : i64, scratch_operands = 15 : i64, tpu.core_type = #tpu.core_type<sc_vector_subcore>, window_params = [{transform_indices = #map}, {transform_indices = #map}, {transform_indices = #map1}, {transform_indices = #map}]} {
    %mul3A = arith.constant 624 : i32
    %mul3A_0 = arith.muli %arg1, %mul3A : i32
    %lt3A = arith.constant 15 : i32
    %lt3A_1 = arith.cmpi slt, %arg1, %lt3A : i32
    %convert_element_type3A = arith.extui %lt3A_1 : i1 to i32
    %cond3A = arith.constant 0 : i32
    %cond3A_2 = arith.cmpi ne, %convert_element_type3A, %cond3A : i32
    scf.if %cond3A_2 {
      "tpu.region"() ({
        %run_scoped3A = tpu.sem_alloc : memref<!tpu.dma_semaphore, #tpu.memory_space<semaphore_mem>>
        %dma_start3A = arith.constant 0 : i32
        %dma_start3A_93 = tpu.memref_slice %arg12[%mul3A_0, %dma_start3A] : memref<10000x32xf32, #tpu.memory_space<vmem_shared>> -> memref<624x32xf32, #tpu.memory_space<vmem_shared>>
        %dma_start3A_94 = arith.constant 0 : i32
        %dma_start3A_95 = tpu.memref_slice %arg4[%mul3A_0, %dma_start3A_94] : memref<10000x32xf32, #tpu.memory_space<hbm>> -> memref<624x32xf32, #tpu.memory_space<hbm>>
        tpu.enqueue_dma source(%dma_start3A_95 : memref<624x32xf32, #tpu.memory_space<hbm>>) target(%dma_start3A_93 : memref<624x32xf32, #tpu.memory_space<vmem_shared>>) target_semaphore(%run_scoped3A : memref<!tpu.dma_semaphore, #tpu.memory_space<semaphore_mem>>)
        %dma_wait3A_96 = arith.constant 0 : i32
        %dma_wait3A_97 = tpu.memref_slice %arg12[%mul3A_0, %dma_wait3A_96] : memref<10000x32xf32, #tpu.memory_space<vmem_shared>> -> memref<624x32xf32, #tpu.memory_space<vmem_shared>>
        %dma_wait3A_98 = arith.constant 0 : i32
        %dma_wait3A_99 = tpu.memref_slice %arg4[%mul3A_0, %dma_wait3A_98] : memref<10000x32xf32, #tpu.memory_space<hbm>> -> memref<624x32xf32, #tpu.memory_space<hbm>>
        tpu.wait_dma2 semaphore(%run_scoped3A : memref<!tpu.dma_semaphore, #tpu.memory_space<semaphore_mem>>) src(%dma_wait3A_99 : memref<624x32xf32, #tpu.memory_space<hbm>>) dst(%dma_wait3A_97 : memref<624x32xf32, #tpu.memory_space<vmem_shared>>)
        tpu.yield
      }) : () -> ()
    } else {
    }
    %eq3A = arith.constant 15 : i32
    %eq3A_3 = arith.cmpi eq, %arg1, %eq3A : i32
    %convert_element_type3A_4 = arith.extui %eq3A_3 : i1 to i32
    %cond3A_5 = arith.constant 0 : i32
    %cond3A_6 = arith.cmpi ne, %convert_element_type3A_4, %cond3A_5 : i32
    scf.if %cond3A_6 {
      "tpu.region"() ({
        %run_scoped3A = tpu.sem_alloc : memref<!tpu.dma_semaphore, #tpu.memory_space<semaphore_mem>>
        %dma_start3A = arith.constant 9360 : i32
        %dma_start3A_93 = arith.constant 0 : i32
        %dma_start3A_94 = tpu.memref_slice %arg12[%dma_start3A, %dma_start3A_93] : memref<10000x32xf32, #tpu.memory_space<vmem_shared>> -> memref<640x32xf32, #tpu.memory_space<vmem_shared>>
        %dma_start3A_95 = arith.constant 9360 : i32
        %dma_start3A_96 = arith.constant 0 : i32
        %dma_start3A_97 = tpu.memref_slice %arg4[%dma_start3A_95, %dma_start3A_96] : memref<10000x32xf32, #tpu.memory_space<hbm>> -> memref<640x32xf32, #tpu.memory_space<hbm>>
        tpu.enqueue_dma source(%dma_start3A_97 : memref<640x32xf32, #tpu.memory_space<hbm>>) target(%dma_start3A_94 : memref<640x32xf32, #tpu.memory_space<vmem_shared>>) target_semaphore(%run_scoped3A : memref<!tpu.dma_semaphore, #tpu.memory_space<semaphore_mem>>)
        %dma_wait3A_98 = arith.constant 9360 : i32
        %dma_wait3A_99 = arith.constant 0 : i32
        %dma_wait3A_100 = tpu.memref_slice %arg12[%dma_wait3A_98, %dma_wait3A_99] : memref<10000x32xf32, #tpu.memory_space<vmem_shared>> -> memref<640x32xf32, #tpu.memory_space<vmem_shared>>
        %dma_wait3A_101 = arith.constant 9360 : i32
        %dma_wait3A_102 = arith.constant 0 : i32
        %dma_wait3A_103 = tpu.memref_slice %arg4[%dma_wait3A_101, %dma_wait3A_102] : memref<10000x32xf32, #tpu.memory_space<hbm>> -> memref<640x32xf32, #tpu.memory_space<hbm>>
        tpu.wait_dma2 semaphore(%run_scoped3A : memref<!tpu.dma_semaphore, #tpu.memory_space<semaphore_mem>>) src(%dma_wait3A_103 : memref<640x32xf32, #tpu.memory_space<hbm>>) dst(%dma_wait3A_100 : memref<640x32xf32, #tpu.memory_space<vmem_shared>>)
        tpu.yield
      }) : () -> ()
    } else {
    }
    %barrier3A = arith.constant 0 : index
    tpu.barrier barrier_id(%barrier3A)
    %lt3A_7 = arith.constant 4 : i32
    %lt3A_8 = arith.cmpi slt, %arg1, %lt3A_7 : i32
    %jit3A = arith.constant 1 : i32
    %jit3A_9 = arith.constant 0 : i32
    %select_n3A = arith.select %lt3A_8, %jit3A, %jit3A_9 : i32
    %add3A = arith.constant 156 : i32
    %add3A_10 = arith.addi %add3A, %select_n3A : i32
    %mul3A_11 = arith.constant 156 : i32
    %mul3A_12 = arith.muli %mul3A_11, %arg1 : i32
    %min3A = arith.constant 4 : i32
    %min3A_13 = arith.minsi %arg1, %min3A : i32
    %add3A_14 = arith.addi %mul3A_12, %min3A_13 : i32
    %lt3A_15 = arith.constant 4 : i32
    %lt3A_16 = arith.cmpi slt, %arg1, %lt3A_15 : i32
    %convert_element_type3A_17 = arith.extui %lt3A_16 : i1 to i32
    %cond3A_18 = arith.constant 0 : i32
    %cond3A_19 = arith.cmpi ne, %convert_element_type3A_17, %cond3A_18 : i32
    scf.if %cond3A_19 {
      %run_scoped3A = arith.constant 0 : i32
      "tpu.region"() ({
        %run_scoped3A_94 = tpu.sem_alloc : memref<!tpu.dma_semaphore, #tpu.memory_space<semaphore_mem>>
        %dma_start3A = arith.constant 0 : i32
        %dma_start3A_95 = tpu.memref_slice %arg3[%run_scoped3A, %add3A_14, %dma_start3A] : memref<2x2500x128xi32, #tpu.memory_space<hbm>> -> memref<1x157x128xi32, #tpu.memory_space<hbm>>
        %dma_start3A_96 = tpu.memref_squeeze %dma_start3A_95 : memref<1x157x128xi32, #tpu.memory_space<hbm>> -> memref<157x128xi32, #tpu.memory_space<hbm>>
        %dma_start3A_97 = arith.constant 0 : i32
        %dma_start3A_98 = tpu.memref_slice %arg3[%run_scoped3A, %add3A_14, %dma_start3A_97] : memref<2x2500x128xi32, #tpu.memory_space<hbm>> -> memref<1x157x128xi32, #tpu.memory_space<hbm>>
        %dma_start3A_99 = tpu.memref_squeeze %dma_start3A_98 : memref<1x157x128xi32, #tpu.memory_space<hbm>> -> memref<157x128xi32, #tpu.memory_space<hbm>>
        tpu.enqueue_dma source(%dma_start3A_99 : memref<157x128xi32, #tpu.memory_space<hbm>>) target(%arg6 : memref<157x128xi32, #tpu.memory_space<vmem>>) target_semaphore(%run_scoped3A_94 : memref<!tpu.dma_semaphore, #tpu.memory_space<semaphore_mem>>)
        %dma_wait3A_100 = arith.constant 0 : i32
        %dma_wait3A_101 = tpu.memref_slice %arg3[%run_scoped3A, %add3A_14, %dma_wait3A_100] : memref<2x2500x128xi32, #tpu.memory_space<hbm>> -> memref<1x157x128xi32, #tpu.memory_space<hbm>>
        %dma_wait3A_102 = tpu.memref_squeeze %dma_wait3A_101 : memref<1x157x128xi32, #tpu.memory_space<hbm>> -> memref<157x128xi32, #tpu.memory_space<hbm>>
        %dma_wait3A_103 = arith.constant 0 : i32
        %dma_wait3A_104 = tpu.memref_slice %arg3[%run_scoped3A, %add3A_14, %dma_wait3A_103] : memref<2x2500x128xi32, #tpu.memory_space<hbm>> -> memref<1x157x128xi32, #tpu.memory_space<hbm>>
        %dma_wait3A_105 = tpu.memref_squeeze %dma_wait3A_104 : memref<1x157x128xi32, #tpu.memory_space<hbm>> -> memref<157x128xi32, #tpu.memory_space<hbm>>
        tpu.wait_dma2 semaphore(%run_scoped3A_94 : memref<!tpu.dma_semaphore, #tpu.memory_space<semaphore_mem>>) src(%dma_wait3A_105 : memref<157x128xi32, #tpu.memory_space<hbm>>) dst(%arg6 : memref<157x128xi32, #tpu.memory_space<vmem>>)
        tpu.yield
      }) : () -> ()
      %run_scoped3A_93 = arith.constant 1 : i32
      "tpu.region"() ({
        %run_scoped3A_94 = tpu.sem_alloc : memref<!tpu.dma_semaphore, #tpu.memory_space<semaphore_mem>>
        %dma_start3A = arith.constant 0 : i32
        %dma_start3A_95 = tpu.memref_slice %arg3[%run_scoped3A_93, %add3A_14, %dma_start3A] : memref<2x2500x128xi32, #tpu.memory_space<hbm>> -> memref<1x157x128xi32, #tpu.memory_space<hbm>>
        %dma_start3A_96 = tpu.memref_squeeze %dma_start3A_95 : memref<1x157x128xi32, #tpu.memory_space<hbm>> -> memref<157x128xi32, #tpu.memory_space<hbm>>
        %dma_start3A_97 = arith.constant 0 : i32
        %dma_start3A_98 = tpu.memref_slice %arg3[%run_scoped3A_93, %add3A_14, %dma_start3A_97] : memref<2x2500x128xi32, #tpu.memory_space<hbm>> -> memref<1x157x128xi32, #tpu.memory_space<hbm>>
        %dma_start3A_99 = tpu.memref_squeeze %dma_start3A_98 : memref<1x157x128xi32, #tpu.memory_space<hbm>> -> memref<157x128xi32, #tpu.memory_space<hbm>>
        tpu.enqueue_dma source(%dma_start3A_99 : memref<157x128xi32, #tpu.memory_space<hbm>>) target(%arg7 : memref<157x128xi32, #tpu.memory_space<vmem>>) target_semaphore(%run_scoped3A_94 : memref<!tpu.dma_semaphore, #tpu.memory_space<semaphore_mem>>)
        %dma_wait3A_100 = arith.constant 0 : i32
        %dma_wait3A_101 = tpu.memref_slice %arg3[%run_scoped3A_93, %add3A_14, %dma_wait3A_100] : memref<2x2500x128xi32, #tpu.memory_space<hbm>> -> memref<1x157x128xi32, #tpu.memory_space<hbm>>
        %dma_wait3A_102 = tpu.memref_squeeze %dma_wait3A_101 : memref<1x157x128xi32, #tpu.memory_space<hbm>> -> memref<157x128xi32, #tpu.memory_space<hbm>>
        %dma_wait3A_103 = arith.constant 0 : i32
        %dma_wait3A_104 = tpu.memref_slice %arg3[%run_scoped3A_93, %add3A_14, %dma_wait3A_103] : memref<2x2500x128xi32, #tpu.memory_space<hbm>> -> memref<1x157x128xi32, #tpu.memory_space<hbm>>
        %dma_wait3A_105 = tpu.memref_squeeze %dma_wait3A_104 : memref<1x157x128xi32, #tpu.memory_space<hbm>> -> memref<157x128xi32, #tpu.memory_space<hbm>>
        tpu.wait_dma2 semaphore(%run_scoped3A_94 : memref<!tpu.dma_semaphore, #tpu.memory_space<semaphore_mem>>) src(%dma_wait3A_105 : memref<157x128xi32, #tpu.memory_space<hbm>>) dst(%arg7 : memref<157x128xi32, #tpu.memory_space<vmem>>)
        tpu.yield
      }) : () -> ()
    } else {
    }
    %ge3A = arith.constant 4 : i32
    %ge3A_20 = arith.cmpi sge, %arg1, %ge3A : i32
    %convert_element_type3A_21 = arith.extui %ge3A_20 : i1 to i32
    %cond3A_22 = arith.constant 0 : i32
    %cond3A_23 = arith.cmpi ne, %convert_element_type3A_21, %cond3A_22 : i32
    scf.if %cond3A_23 {
      %run_scoped3A = arith.constant 0 : i32
      "tpu.region"() ({
        %run_scoped3A_94 = tpu.sem_alloc : memref<!tpu.dma_semaphore, #tpu.memory_space<semaphore_mem>>
        %dma_start3A = arith.constant 0 : i32
        %dma_start3A_95 = arith.constant 0 : i32
        %dma_start3A_96 = tpu.memref_slice %arg6[%dma_start3A, %dma_start3A_95] : memref<157x128xi32, #tpu.memory_space<vmem>> -> memref<156x128xi32, #tpu.memory_space<vmem>>
        %dma_start3A_97 = arith.constant 0 : i32
        %dma_start3A_98 = tpu.memref_slice %arg3[%run_scoped3A, %add3A_14, %dma_start3A_97] : memref<2x2500x128xi32, #tpu.memory_space<hbm>> -> memref<1x156x128xi32, #tpu.memory_space<hbm>>
        %dma_start3A_99 = tpu.memref_squeeze %dma_start3A_98 : memref<1x156x128xi32, #tpu.memory_space<hbm>> -> memref<156x128xi32, #tpu.memory_space<hbm>>
        %dma_start3A_100 = arith.constant 0 : i32
        %dma_start3A_101 = arith.constant 0 : i32
        %dma_start3A_102 = tpu.memref_slice %arg6[%dma_start3A_100, %dma_start3A_101] : memref<157x128xi32, #tpu.memory_space<vmem>> -> memref<156x128xi32, #tpu.memory_space<vmem>>
        %dma_start3A_103 = arith.constant 0 : i32
        %dma_start3A_104 = tpu.memref_slice %arg3[%run_scoped3A, %add3A_14, %dma_start3A_103] : memref<2x2500x128xi32, #tpu.memory_space<hbm>> -> memref<1x156x128xi32, #tpu.memory_space<hbm>>
        %dma_start3A_105 = tpu.memref_squeeze %dma_start3A_104 : memref<1x156x128xi32, #tpu.memory_space<hbm>> -> memref<156x128xi32, #tpu.memory_space<hbm>>
        tpu.enqueue_dma source(%dma_start3A_105 : memref<156x128xi32, #tpu.memory_space<hbm>>) target(%dma_start3A_102 : memref<156x128xi32, #tpu.memory_space<vmem>>) target_semaphore(%run_scoped3A_94 : memref<!tpu.dma_semaphore, #tpu.memory_space<semaphore_mem>>)
        %dma_wait3A_106 = arith.constant 0 : i32
        %dma_wait3A_107 = arith.constant 0 : i32
        %dma_wait3A_108 = tpu.memref_slice %arg6[%dma_wait3A_106, %dma_wait3A_107] : memref<157x128xi32, #tpu.memory_space<vmem>> -> memref<156x128xi32, #tpu.memory_space<vmem>>
        %dma_wait3A_109 = arith.constant 0 : i32
        %dma_wait3A_110 = tpu.memref_slice %arg3[%run_scoped3A, %add3A_14, %dma_wait3A_109] : memref<2x2500x128xi32, #tpu.memory_space<hbm>> -> memref<1x156x128xi32, #tpu.memory_space<hbm>>
        %dma_wait3A_111 = tpu.memref_squeeze %dma_wait3A_110 : memref<1x156x128xi32, #tpu.memory_space<hbm>> -> memref<156x128xi32, #tpu.memory_space<hbm>>
        %dma_wait3A_112 = arith.constant 0 : i32
        %dma_wait3A_113 = arith.constant 0 : i32
        %dma_wait3A_114 = tpu.memref_slice %arg6[%dma_wait3A_112, %dma_wait3A_113] : memref<157x128xi32, #tpu.memory_space<vmem>> -> memref<156x128xi32, #tpu.memory_space<vmem>>
        %dma_wait3A_115 = arith.constant 0 : i32
        %dma_wait3A_116 = tpu.memref_slice %arg3[%run_scoped3A, %add3A_14, %dma_wait3A_115] : memref<2x2500x128xi32, #tpu.memory_space<hbm>> -> memref<1x156x128xi32, #tpu.memory_space<hbm>>
        %dma_wait3A_117 = tpu.memref_squeeze %dma_wait3A_116 : memref<1x156x128xi32, #tpu.memory_space<hbm>> -> memref<156x128xi32, #tpu.memory_space<hbm>>
        tpu.wait_dma2 semaphore(%run_scoped3A_94 : memref<!tpu.dma_semaphore, #tpu.memory_space<semaphore_mem>>) src(%dma_wait3A_117 : memref<156x128xi32, #tpu.memory_space<hbm>>) dst(%dma_wait3A_114 : memref<156x128xi32, #tpu.memory_space<vmem>>)
        tpu.yield
      }) : () -> ()
      %run_scoped3A_93 = arith.constant 1 : i32
      "tpu.region"() ({
        %run_scoped3A_94 = tpu.sem_alloc : memref<!tpu.dma_semaphore, #tpu.memory_space<semaphore_mem>>
        %dma_start3A = arith.constant 0 : i32
        %dma_start3A_95 = arith.constant 0 : i32
        %dma_start3A_96 = tpu.memref_slice %arg7[%dma_start3A, %dma_start3A_95] : memref<157x128xi32, #tpu.memory_space<vmem>> -> memref<156x128xi32, #tpu.memory_space<vmem>>
        %dma_start3A_97 = arith.constant 0 : i32
        %dma_start3A_98 = tpu.memref_slice %arg3[%run_scoped3A_93, %add3A_14, %dma_start3A_97] : memref<2x2500x128xi32, #tpu.memory_space<hbm>> -> memref<1x156x128xi32, #tpu.memory_space<hbm>>
        %dma_start3A_99 = tpu.memref_squeeze %dma_start3A_98 : memref<1x156x128xi32, #tpu.memory_space<hbm>> -> memref<156x128xi32, #tpu.memory_space<hbm>>
        %dma_start3A_100 = arith.constant 0 : i32
        %dma_start3A_101 = arith.constant 0 : i32
        %dma_start3A_102 = tpu.memref_slice %arg7[%dma_start3A_100, %dma_start3A_101] : memref<157x128xi32, #tpu.memory_space<vmem>> -> memref<156x128xi32, #tpu.memory_space<vmem>>
        %dma_start3A_103 = arith.constant 0 : i32
        %dma_start3A_104 = tpu.memref_slice %arg3[%run_scoped3A_93, %add3A_14, %dma_start3A_103] : memref<2x2500x128xi32, #tpu.memory_space<hbm>> -> memref<1x156x128xi32, #tpu.memory_space<hbm>>
        %dma_start3A_105 = tpu.memref_squeeze %dma_start3A_104 : memref<1x156x128xi32, #tpu.memory_space<hbm>> -> memref<156x128xi32, #tpu.memory_space<hbm>>
        tpu.enqueue_dma source(%dma_start3A_105 : memref<156x128xi32, #tpu.memory_space<hbm>>) target(%dma_start3A_102 : memref<156x128xi32, #tpu.memory_space<vmem>>) target_semaphore(%run_scoped3A_94 : memref<!tpu.dma_semaphore, #tpu.memory_space<semaphore_mem>>)
        %dma_wait3A_106 = arith.constant 0 : i32
        %dma_wait3A_107 = arith.constant 0 : i32
        %dma_wait3A_108 = tpu.memref_slice %arg7[%dma_wait3A_106, %dma_wait3A_107] : memref<157x128xi32, #tpu.memory_space<vmem>> -> memref<156x128xi32, #tpu.memory_space<vmem>>
        %dma_wait3A_109 = arith.constant 0 : i32
        %dma_wait3A_110 = tpu.memref_slice %arg3[%run_scoped3A_93, %add3A_14, %dma_wait3A_109] : memref<2x2500x128xi32, #tpu.memory_space<hbm>> -> memref<1x156x128xi32, #tpu.memory_space<hbm>>
        %dma_wait3A_111 = tpu.memref_squeeze %dma_wait3A_110 : memref<1x156x128xi32, #tpu.memory_space<hbm>> -> memref<156x128xi32, #tpu.memory_space<hbm>>
        %dma_wait3A_112 = arith.constant 0 : i32
        %dma_wait3A_113 = arith.constant 0 : i32
        %dma_wait3A_114 = tpu.memref_slice %arg7[%dma_wait3A_112, %dma_wait3A_113] : memref<157x128xi32, #tpu.memory_space<vmem>> -> memref<156x128xi32, #tpu.memory_space<vmem>>
        %dma_wait3A_115 = arith.constant 0 : i32
        %dma_wait3A_116 = tpu.memref_slice %arg3[%run_scoped3A_93, %add3A_14, %dma_wait3A_115] : memref<2x2500x128xi32, #tpu.memory_space<hbm>> -> memref<1x156x128xi32, #tpu.memory_space<hbm>>
        %dma_wait3A_117 = tpu.memref_squeeze %dma_wait3A_116 : memref<1x156x128xi32, #tpu.memory_space<hbm>> -> memref<156x128xi32, #tpu.memory_space<hbm>>
        tpu.wait_dma2 semaphore(%run_scoped3A_94 : memref<!tpu.dma_semaphore, #tpu.memory_space<semaphore_mem>>) src(%dma_wait3A_117 : memref<156x128xi32, #tpu.memory_space<hbm>>) dst(%dma_wait3A_114 : memref<156x128xi32, #tpu.memory_space<vmem>>)
        tpu.yield
      }) : () -> ()
    } else {
    }
    %eq3A_24 = arith.constant 0 : i32
    %eq3A_25 = arith.cmpi eq, %arg0, %eq3A_24 : i32
    %convert_element_type3A_26 = arith.extui %eq3A_25 : i1 to i32
    %cond3A_27 = arith.constant 0 : i32
    %cond3A_28 = arith.cmpi ne, %convert_element_type3A_26, %cond3A_27 : i32
    scf.if %cond3A_28 {
      %dma_start3A = arith.constant 0 : i32
      %dma_start3A_93 = arith.constant 0 : i32
      %dma_start3A_94 = arith.constant 0 : i32
      %dma_start3A_95 = tpu.memref_slice %arg6[%dma_start3A_93, %dma_start3A_94] : memref<157x128xi32, #tpu.memory_space<vmem>> -> memref<1x128xi32, #tpu.memory_space<vmem>>
      %dma_start3A_96 = tpu.memref_squeeze %dma_start3A_95 : memref<1x128xi32, #tpu.memory_space<vmem>> -> memref<128xi32, #tpu.memory_space<vmem>>
      %dma_start3A_97 = arith.constant 0 : i32
      %dma_start3A_98 = arith.constant 0 : i32
      %dma_start3A_99 = tpu.memref_slice %arg2[%dma_start3A, %dma_start3A_97, %dma_start3A_98] : memref<2x10000x32xf32, #tpu.memory_space<hbm>> -> memref<1x10000x32xf32, #tpu.memory_space<hbm>>
      %dma_start3A_100 = tpu.memref_squeeze %dma_start3A_99 : memref<1x10000x32xf32, #tpu.memory_space<hbm>> -> memref<10000x32xf32, #tpu.memory_space<hbm>>
      %dma_start3A_101 = arith.constant 0 : i32
      %dma_start3A_102 = arith.constant 0 : i32
      %dma_start3A_103 = tpu.memref_slice %dma_start3A_100[%dma_start3A_101, %dma_start3A_102] : memref<10000x32xf32, #tpu.memory_space<hbm>> -> memref<10000x32xf32, #tpu.memory_space<hbm>>
      tpu.enqueue_indirect_dma source(%dma_start3A_103 : memref<10000x32xf32, #tpu.memory_space<hbm>>) target(%arg8 : memref<128x32xf32, #tpu.memory_space<vmem>>) offsets(%dma_start3A_96 : memref<128xi32, #tpu.memory_space<vmem>>) semaphore(%arg13 : memref<!tpu.dma_semaphore, #tpu.memory_space<semaphore_mem>>)
    } else {
    }
    %eq3A_29 = arith.constant 1 : i32
    %eq3A_30 = arith.cmpi eq, %arg0, %eq3A_29 : i32
    %convert_element_type3A_31 = arith.extui %eq3A_30 : i1 to i32
    %cond3A_32 = arith.constant 0 : i32
    %cond3A_33 = arith.cmpi ne, %convert_element_type3A_31, %cond3A_32 : i32
    scf.if %cond3A_33 {
      %dma_start3A = arith.constant 1 : i32
      %dma_start3A_93 = arith.constant 0 : i32
      %dma_start3A_94 = arith.constant 0 : i32
      %dma_start3A_95 = tpu.memref_slice %arg6[%dma_start3A_93, %dma_start3A_94] : memref<157x128xi32, #tpu.memory_space<vmem>> -> memref<1x128xi32, #tpu.memory_space<vmem>>
      %dma_start3A_96 = tpu.memref_squeeze %dma_start3A_95 : memref<1x128xi32, #tpu.memory_space<vmem>> -> memref<128xi32, #tpu.memory_space<vmem>>
      %dma_start3A_97 = arith.constant 0 : i32
      %dma_start3A_98 = arith.constant 0 : i32
      %dma_start3A_99 = tpu.memref_slice %arg2[%dma_start3A, %dma_start3A_97, %dma_start3A_98] : memref<2x10000x32xf32, #tpu.memory_space<hbm>> -> memref<1x10000x32xf32, #tpu.memory_space<hbm>>
      %dma_start3A_100 = tpu.memref_squeeze %dma_start3A_99 : memref<1x10000x32xf32, #tpu.memory_space<hbm>> -> memref<10000x32xf32, #tpu.memory_space<hbm>>
      %dma_start3A_101 = arith.constant 0 : i32
      %dma_start3A_102 = arith.constant 0 : i32
      %dma_start3A_103 = tpu.memref_slice %dma_start3A_100[%dma_start3A_101, %dma_start3A_102] : memref<10000x32xf32, #tpu.memory_space<hbm>> -> memref<10000x32xf32, #tpu.memory_space<hbm>>
      tpu.enqueue_indirect_dma source(%dma_start3A_103 : memref<10000x32xf32, #tpu.memory_space<hbm>>) target(%arg8 : memref<128x32xf32, #tpu.memory_space<vmem>>) offsets(%dma_start3A_96 : memref<128xi32, #tpu.memory_space<vmem>>) semaphore(%arg13 : memref<!tpu.dma_semaphore, #tpu.memory_space<semaphore_mem>>)
    } else {
    }
    %eq3A_34 = arith.constant 0 : i32
    %eq3A_35 = arith.cmpi eq, %arg0, %eq3A_34 : i32
    %convert_element_type3A_36 = arith.extui %eq3A_35 : i1 to i32
    %cond3A_37 = arith.constant 0 : i32
    %cond3A_38 = arith.cmpi ne, %convert_element_type3A_36, %cond3A_37 : i32
    scf.if %cond3A_38 {
      %dma_start3A = arith.constant 0 : i32
      %dma_start3A_93 = arith.constant 1 : i32
      %dma_start3A_94 = arith.constant 0 : i32
      %dma_start3A_95 = tpu.memref_slice %arg6[%dma_start3A_93, %dma_start3A_94] : memref<157x128xi32, #tpu.memory_space<vmem>> -> memref<1x128xi32, #tpu.memory_space<vmem>>
      %dma_start3A_96 = tpu.memref_squeeze %dma_start3A_95 : memref<1x128xi32, #tpu.memory_space<vmem>> -> memref<128xi32, #tpu.memory_space<vmem>>
      %dma_start3A_97 = arith.constant 0 : i32
      %dma_start3A_98 = arith.constant 0 : i32
      %dma_start3A_99 = tpu.memref_slice %arg2[%dma_start3A, %dma_start3A_97, %dma_start3A_98] : memref<2x10000x32xf32, #tpu.memory_space<hbm>> -> memref<1x10000x32xf32, #tpu.memory_space<hbm>>
      %dma_start3A_100 = tpu.memref_squeeze %dma_start3A_99 : memref<1x10000x32xf32, #tpu.memory_space<hbm>> -> memref<10000x32xf32, #tpu.memory_space<hbm>>
      %dma_start3A_101 = arith.constant 0 : i32
      %dma_start3A_102 = arith.constant 0 : i32
      %dma_start3A_103 = tpu.memref_slice %dma_start3A_100[%dma_start3A_101, %dma_start3A_102] : memref<10000x32xf32, #tpu.memory_space<hbm>> -> memref<10000x32xf32, #tpu.memory_space<hbm>>
      tpu.enqueue_indirect_dma source(%dma_start3A_103 : memref<10000x32xf32, #tpu.memory_space<hbm>>) target(%arg9 : memref<128x32xf32, #tpu.memory_space<vmem>>) offsets(%dma_start3A_96 : memref<128xi32, #tpu.memory_space<vmem>>) semaphore(%arg14 : memref<!tpu.dma_semaphore, #tpu.memory_space<semaphore_mem>>)
    } else {
    }
    %eq3A_39 = arith.constant 1 : i32
    %eq3A_40 = arith.cmpi eq, %arg0, %eq3A_39 : i32
    %convert_element_type3A_41 = arith.extui %eq3A_40 : i1 to i32
    %cond3A_42 = arith.constant 0 : i32
    %cond3A_43 = arith.cmpi ne, %convert_element_type3A_41, %cond3A_42 : i32
    scf.if %cond3A_43 {
      %dma_start3A = arith.constant 1 : i32
      %dma_start3A_93 = arith.constant 1 : i32
      %dma_start3A_94 = arith.constant 0 : i32
      %dma_start3A_95 = tpu.memref_slice %arg6[%dma_start3A_93, %dma_start3A_94] : memref<157x128xi32, #tpu.memory_space<vmem>> -> memref<1x128xi32, #tpu.memory_space<vmem>>
      %dma_start3A_96 = tpu.memref_squeeze %dma_start3A_95 : memref<1x128xi32, #tpu.memory_space<vmem>> -> memref<128xi32, #tpu.memory_space<vmem>>
      %dma_start3A_97 = arith.constant 0 : i32
      %dma_start3A_98 = arith.constant 0 : i32
      %dma_start3A_99 = tpu.memref_slice %arg2[%dma_start3A, %dma_start3A_97, %dma_start3A_98] : memref<2x10000x32xf32, #tpu.memory_space<hbm>> -> memref<1x10000x32xf32, #tpu.memory_space<hbm>>
      %dma_start3A_100 = tpu.memref_squeeze %dma_start3A_99 : memref<1x10000x32xf32, #tpu.memory_space<hbm>> -> memref<10000x32xf32, #tpu.memory_space<hbm>>
      %dma_start3A_101 = arith.constant 0 : i32
      %dma_start3A_102 = arith.constant 0 : i32
      %dma_start3A_103 = tpu.memref_slice %dma_start3A_100[%dma_start3A_101, %dma_start3A_102] : memref<10000x32xf32, #tpu.memory_space<hbm>> -> memref<10000x32xf32, #tpu.memory_space<hbm>>
      tpu.enqueue_indirect_dma source(%dma_start3A_103 : memref<10000x32xf32, #tpu.memory_space<hbm>>) target(%arg9 : memref<128x32xf32, #tpu.memory_space<vmem>>) offsets(%dma_start3A_96 : memref<128xi32, #tpu.memory_space<vmem>>) semaphore(%arg14 : memref<!tpu.dma_semaphore, #tpu.memory_space<semaphore_mem>>)
    } else {
    }
    %scan3A = arith.constant 0 : i32
    %scan3A_44 = arith.constant 0 : i32
    %scan3A_45 = arith.constant 39 : i32
    %scan3A_46 = arith.addi %scan3A_44, %scan3A_45 : i32
    %scan3A_47 = arith.constant 1 : i32
    scf.for %scan3A_93 = %scan3A_44 to %scan3A_46 step %scan3A_47  : i32 {
      %mul3A_94 = arith.constant 4 : i32
      %mul3A_95 = arith.muli %scan3A_93, %mul3A_94 : i32
      %add3A_96 = arith.constant 0 : i32
      %add3A_97 = arith.addi %mul3A_95, %add3A_96 : i32
      %add3A_98 = arith.constant 2 : i32
      %add3A_99 = arith.addi %add3A_97, %add3A_98 : i32
      %ge3A_100 = arith.constant 4 : i32
      %ge3A_101 = arith.cmpi sge, %add3A_99, %ge3A_100 : i32
      %add3A_102 = arith.constant 2 : i32
      %add3A_103 = arith.addi %add3A_97, %add3A_102 : i32
      %lt3A_104 = arith.cmpi slt, %add3A_103, %add3A_10 : i32
      %and3A = arith.andi %ge3A_101, %lt3A_104 : i1
      %convert_element_type3A_105 = arith.extui %and3A : i1 to i32
      %cond3A_106 = arith.constant 0 : i32
      %cond3A_107 = arith.cmpi ne, %convert_element_type3A_105, %cond3A_106 : i32
      scf.if %cond3A_107 {
        %add3A_240 = arith.constant 2 : i32
        %add3A_241 = arith.addi %add3A_97, %add3A_240 : i32
        %sub3A = arith.constant 4 : i32
        %sub3A_242 = arith.subi %add3A_241, %sub3A : i32
        %dma_wait3A_243 = arith.constant 0 : i32
        %dma_wait3A_244 = tpu.memref_slice %arg7[%sub3A_242, %dma_wait3A_243] : memref<157x128xi32, #tpu.memory_space<vmem>> -> memref<1x128xi32, #tpu.memory_space<vmem>>
        %dma_wait3A_245 = tpu.memref_squeeze %dma_wait3A_244 : memref<1x128xi32, #tpu.memory_space<vmem>> -> memref<128xi32, #tpu.memory_space<vmem>>
        %dma_wait3A_246 = arith.constant 0 : i32
        %dma_wait3A_247 = arith.constant 0 : i32
        %dma_wait3A_248 = tpu.memref_slice %arg12[%dma_wait3A_246, %dma_wait3A_247] : memref<10000x32xf32, #tpu.memory_space<vmem_shared>> -> memref<10000x32xf32, #tpu.memory_space<vmem_shared>>
        tpu.wait_indirect_dma semaphore(%arg19 : memref<!tpu.dma_semaphore, #tpu.memory_space<semaphore_mem>>) src(%arg10 : memref<128x32xf32, #tpu.memory_space<vmem>>) dst(%dma_wait3A_248 : memref<10000x32xf32, #tpu.memory_space<vmem_shared>>)
      } else {
      }
      %add3A_108 = arith.constant 2 : i32
      %add3A_109 = arith.addi %add3A_97, %add3A_108 : i32
      %lt3A_110 = arith.cmpi slt, %add3A_109, %add3A_10 : i32
      %convert_element_type3A_111 = arith.extui %lt3A_110 : i1 to i32
      %cond3A_112 = arith.constant 0 : i32
      %cond3A_113 = arith.cmpi ne, %convert_element_type3A_111, %cond3A_112 : i32
      scf.if %cond3A_113 {
        %add3A_240 = arith.constant 2 : i32
        %add3A_241 = arith.addi %add3A_97, %add3A_240 : i32
        %eq3A_242 = arith.constant 0 : i32
        %eq3A_243 = arith.cmpi eq, %arg0, %eq3A_242 : i32
        %convert_element_type3A_244 = arith.extui %eq3A_243 : i1 to i32
        %cond3A_245 = arith.constant 0 : i32
        %cond3A_246 = arith.cmpi ne, %convert_element_type3A_244, %cond3A_245 : i32
        scf.if %cond3A_246 {
          %dma_start3A_252 = arith.constant 0 : i32
          %dma_start3A_253 = arith.constant 0 : i32
          %dma_start3A_254 = tpu.memref_slice %arg6[%add3A_241, %dma_start3A_253] : memref<157x128xi32, #tpu.memory_space<vmem>> -> memref<1x128xi32, #tpu.memory_space<vmem>>
          %dma_start3A_255 = tpu.memref_squeeze %dma_start3A_254 : memref<1x128xi32, #tpu.memory_space<vmem>> -> memref<128xi32, #tpu.memory_space<vmem>>
          %dma_start3A_256 = arith.constant 0 : i32
          %dma_start3A_257 = arith.constant 0 : i32
          %dma_start3A_258 = tpu.memref_slice %arg2[%dma_start3A_252, %dma_start3A_256, %dma_start3A_257] : memref<2x10000x32xf32, #tpu.memory_space<hbm>> -> memref<1x10000x32xf32, #tpu.memory_space<hbm>>
          %dma_start3A_259 = tpu.memref_squeeze %dma_start3A_258 : memref<1x10000x32xf32, #tpu.memory_space<hbm>> -> memref<10000x32xf32, #tpu.memory_space<hbm>>
          %dma_start3A_260 = arith.constant 0 : i32
          %dma_start3A_261 = arith.constant 0 : i32
          %dma_start3A_262 = tpu.memref_slice %dma_start3A_259[%dma_start3A_260, %dma_start3A_261] : memref<10000x32xf32, #tpu.memory_space<hbm>> -> memref<10000x32xf32, #tpu.memory_space<hbm>>
          tpu.enqueue_indirect_dma source(%dma_start3A_262 : memref<10000x32xf32, #tpu.memory_space<hbm>>) target(%arg10 : memref<128x32xf32, #tpu.memory_space<vmem>>) offsets(%dma_start3A_255 : memref<128xi32, #tpu.memory_space<vmem>>) semaphore(%arg15 : memref<!tpu.dma_semaphore, #tpu.memory_space<semaphore_mem>>)
        } else {
        }
        %eq3A_247 = arith.constant 1 : i32
        %eq3A_248 = arith.cmpi eq, %arg0, %eq3A_247 : i32
        %convert_element_type3A_249 = arith.extui %eq3A_248 : i1 to i32
        %cond3A_250 = arith.constant 0 : i32
        %cond3A_251 = arith.cmpi ne, %convert_element_type3A_249, %cond3A_250 : i32
        scf.if %cond3A_251 {
          %dma_start3A_252 = arith.constant 1 : i32
          %dma_start3A_253 = arith.constant 0 : i32
          %dma_start3A_254 = tpu.memref_slice %arg6[%add3A_241, %dma_start3A_253] : memref<157x128xi32, #tpu.memory_space<vmem>> -> memref<1x128xi32, #tpu.memory_space<vmem>>
          %dma_start3A_255 = tpu.memref_squeeze %dma_start3A_254 : memref<1x128xi32, #tpu.memory_space<vmem>> -> memref<128xi32, #tpu.memory_space<vmem>>
          %dma_start3A_256 = arith.constant 0 : i32
          %dma_start3A_257 = arith.constant 0 : i32
          %dma_start3A_258 = tpu.memref_slice %arg2[%dma_start3A_252, %dma_start3A_256, %dma_start3A_257] : memref<2x10000x32xf32, #tpu.memory_space<hbm>> -> memref<1x10000x32xf32, #tpu.memory_space<hbm>>
          %dma_start3A_259 = tpu.memref_squeeze %dma_start3A_258 : memref<1x10000x32xf32, #tpu.memory_space<hbm>> -> memref<10000x32xf32, #tpu.memory_space<hbm>>
          %dma_start3A_260 = arith.constant 0 : i32
          %dma_start3A_261 = arith.constant 0 : i32
          %dma_start3A_262 = tpu.memref_slice %dma_start3A_259[%dma_start3A_260, %dma_start3A_261] : memref<10000x32xf32, #tpu.memory_space<hbm>> -> memref<10000x32xf32, #tpu.memory_space<hbm>>
          tpu.enqueue_indirect_dma source(%dma_start3A_262 : memref<10000x32xf32, #tpu.memory_space<hbm>>) target(%arg10 : memref<128x32xf32, #tpu.memory_space<vmem>>) offsets(%dma_start3A_255 : memref<128xi32, #tpu.memory_space<vmem>>) semaphore(%arg15 : memref<!tpu.dma_semaphore, #tpu.memory_space<semaphore_mem>>)
        } else {
        }
      } else {
      }
      %eq3A_114 = arith.constant 0 : i32
      %eq3A_115 = arith.cmpi eq, %arg0, %eq3A_114 : i32
      %convert_element_type3A_116 = arith.extui %eq3A_115 : i1 to i32
      %cond3A_117 = arith.constant 0 : i32
      %cond3A_118 = arith.cmpi ne, %convert_element_type3A_116, %cond3A_117 : i32
      scf.if %cond3A_118 {
        %dma_wait3A_240 = arith.constant 0 : i32
        %dma_wait3A_241 = arith.constant 0 : i32
        %dma_wait3A_242 = tpu.memref_slice %arg6[%add3A_97, %dma_wait3A_241] : memref<157x128xi32, #tpu.memory_space<vmem>> -> memref<1x128xi32, #tpu.memory_space<vmem>>
        %dma_wait3A_243 = tpu.memref_squeeze %dma_wait3A_242 : memref<1x128xi32, #tpu.memory_space<vmem>> -> memref<128xi32, #tpu.memory_space<vmem>>
        %dma_wait3A_244 = arith.constant 0 : i32
        %dma_wait3A_245 = arith.constant 0 : i32
        %dma_wait3A_246 = tpu.memref_slice %arg2[%dma_wait3A_240, %dma_wait3A_244, %dma_wait3A_245] : memref<2x10000x32xf32, #tpu.memory_space<hbm>> -> memref<1x10000x32xf32, #tpu.memory_space<hbm>>
        %dma_wait3A_247 = tpu.memref_squeeze %dma_wait3A_246 : memref<1x10000x32xf32, #tpu.memory_space<hbm>> -> memref<10000x32xf32, #tpu.memory_space<hbm>>
        %dma_wait3A_248 = arith.constant 0 : i32
        %dma_wait3A_249 = arith.constant 0 : i32
        %dma_wait3A_250 = tpu.memref_slice %dma_wait3A_247[%dma_wait3A_248, %dma_wait3A_249] : memref<10000x32xf32, #tpu.memory_space<hbm>> -> memref<10000x32xf32, #tpu.memory_space<hbm>>
        tpu.wait_indirect_dma semaphore(%arg13 : memref<!tpu.dma_semaphore, #tpu.memory_space<semaphore_mem>>) src(%dma_wait3A_250 : memref<10000x32xf32, #tpu.memory_space<hbm>>) dst(%arg8 : memref<128x32xf32, #tpu.memory_space<vmem>>)
      } else {
      }
      %eq3A_119 = arith.constant 1 : i32
      %eq3A_120 = arith.cmpi eq, %arg0, %eq3A_119 : i32
      %convert_element_type3A_121 = arith.extui %eq3A_120 : i1 to i32
      %cond3A_122 = arith.constant 0 : i32
      %cond3A_123 = arith.cmpi ne, %convert_element_type3A_121, %cond3A_122 : i32
      scf.if %cond3A_123 {
        %dma_wait3A_240 = arith.constant 1 : i32
        %dma_wait3A_241 = arith.constant 0 : i32
        %dma_wait3A_242 = tpu.memref_slice %arg6[%add3A_97, %dma_wait3A_241] : memref<157x128xi32, #tpu.memory_space<vmem>> -> memref<1x128xi32, #tpu.memory_space<vmem>>
        %dma_wait3A_243 = tpu.memref_squeeze %dma_wait3A_242 : memref<1x128xi32, #tpu.memory_space<vmem>> -> memref<128xi32, #tpu.memory_space<vmem>>
        %dma_wait3A_244 = arith.constant 0 : i32
        %dma_wait3A_245 = arith.constant 0 : i32
        %dma_wait3A_246 = tpu.memref_slice %arg2[%dma_wait3A_240, %dma_wait3A_244, %dma_wait3A_245] : memref<2x10000x32xf32, #tpu.memory_space<hbm>> -> memref<1x10000x32xf32, #tpu.memory_space<hbm>>
        %dma_wait3A_247 = tpu.memref_squeeze %dma_wait3A_246 : memref<1x10000x32xf32, #tpu.memory_space<hbm>> -> memref<10000x32xf32, #tpu.memory_space<hbm>>
        %dma_wait3A_248 = arith.constant 0 : i32
        %dma_wait3A_249 = arith.constant 0 : i32
        %dma_wait3A_250 = tpu.memref_slice %dma_wait3A_247[%dma_wait3A_248, %dma_wait3A_249] : memref<10000x32xf32, #tpu.memory_space<hbm>> -> memref<10000x32xf32, #tpu.memory_space<hbm>>
        tpu.wait_indirect_dma semaphore(%arg13 : memref<!tpu.dma_semaphore, #tpu.memory_space<semaphore_mem>>) src(%dma_wait3A_250 : memref<10000x32xf32, #tpu.memory_space<hbm>>) dst(%arg8 : memref<128x32xf32, #tpu.memory_space<vmem>>)
      } else {
      }
      %dma_start3A = arith.constant 0 : i32
      %dma_start3A_124 = tpu.memref_slice %arg7[%add3A_97, %dma_start3A] : memref<157x128xi32, #tpu.memory_space<vmem>> -> memref<1x128xi32, #tpu.memory_space<vmem>>
      %dma_start3A_125 = tpu.memref_squeeze %dma_start3A_124 : memref<1x128xi32, #tpu.memory_space<vmem>> -> memref<128xi32, #tpu.memory_space<vmem>>
      %dma_start3A_126 = arith.constant 0 : i32
      %dma_start3A_127 = arith.constant 0 : i32
      %dma_start3A_128 = tpu.memref_slice %arg12[%dma_start3A_126, %dma_start3A_127] : memref<10000x32xf32, #tpu.memory_space<vmem_shared>> -> memref<10000x32xf32, #tpu.memory_space<vmem_shared>>
      tpu.enqueue_indirect_dma source(%arg8 : memref<128x32xf32, #tpu.memory_space<vmem>>) target(%dma_start3A_128 : memref<10000x32xf32, #tpu.memory_space<vmem_shared>>) offsets(%dma_start3A_125 : memref<128xi32, #tpu.memory_space<vmem>>) semaphore(%arg17 : memref<!tpu.dma_semaphore, #tpu.memory_space<semaphore_mem>>) {add = true}
      %mul3A_129 = arith.constant 4 : i32
      %mul3A_130 = arith.muli %scan3A_93, %mul3A_129 : i32
      %add3A_131 = arith.constant 1 : i32
      %add3A_132 = arith.addi %mul3A_130, %add3A_131 : i32
      %add3A_133 = arith.constant 2 : i32
      %add3A_134 = arith.addi %add3A_132, %add3A_133 : i32
      %ge3A_135 = arith.constant 4 : i32
      %ge3A_136 = arith.cmpi sge, %add3A_134, %ge3A_135 : i32
      %add3A_137 = arith.constant 2 : i32
      %add3A_138 = arith.addi %add3A_132, %add3A_137 : i32
      %lt3A_139 = arith.cmpi slt, %add3A_138, %add3A_10 : i32
      %and3A_140 = arith.andi %ge3A_136, %lt3A_139 : i1
      %convert_element_type3A_141 = arith.extui %and3A_140 : i1 to i32
      %cond3A_142 = arith.constant 0 : i32
      %cond3A_143 = arith.cmpi ne, %convert_element_type3A_141, %cond3A_142 : i32
      scf.if %cond3A_143 {
        %add3A_240 = arith.constant 2 : i32
        %add3A_241 = arith.addi %add3A_132, %add3A_240 : i32
        %sub3A = arith.constant 4 : i32
        %sub3A_242 = arith.subi %add3A_241, %sub3A : i32
        %dma_wait3A_243 = arith.constant 0 : i32
        %dma_wait3A_244 = tpu.memref_slice %arg7[%sub3A_242, %dma_wait3A_243] : memref<157x128xi32, #tpu.memory_space<vmem>> -> memref<1x128xi32, #tpu.memory_space<vmem>>
        %dma_wait3A_245 = tpu.memref_squeeze %dma_wait3A_244 : memref<1x128xi32, #tpu.memory_space<vmem>> -> memref<128xi32, #tpu.memory_space<vmem>>
        %dma_wait3A_246 = arith.constant 0 : i32
        %dma_wait3A_247 = arith.constant 0 : i32
        %dma_wait3A_248 = tpu.memref_slice %arg12[%dma_wait3A_246, %dma_wait3A_247] : memref<10000x32xf32, #tpu.memory_space<vmem_shared>> -> memref<10000x32xf32, #tpu.memory_space<vmem_shared>>
        tpu.wait_indirect_dma semaphore(%arg20 : memref<!tpu.dma_semaphore, #tpu.memory_space<semaphore_mem>>) src(%arg11 : memref<128x32xf32, #tpu.memory_space<vmem>>) dst(%dma_wait3A_248 : memref<10000x32xf32, #tpu.memory_space<vmem_shared>>)
      } else {
      }
      %add3A_144 = arith.constant 2 : i32
      %add3A_145 = arith.addi %add3A_132, %add3A_144 : i32
      %lt3A_146 = arith.cmpi slt, %add3A_145, %add3A_10 : i32
      %convert_element_type3A_147 = arith.extui %lt3A_146 : i1 to i32
      %cond3A_148 = arith.constant 0 : i32
      %cond3A_149 = arith.cmpi ne, %convert_element_type3A_147, %cond3A_148 : i32
      scf.if %cond3A_149 {
        %add3A_240 = arith.constant 2 : i32
        %add3A_241 = arith.addi %add3A_132, %add3A_240 : i32
        %eq3A_242 = arith.constant 0 : i32
        %eq3A_243 = arith.cmpi eq, %arg0, %eq3A_242 : i32
        %convert_element_type3A_244 = arith.extui %eq3A_243 : i1 to i32
        %cond3A_245 = arith.constant 0 : i32
        %cond3A_246 = arith.cmpi ne, %convert_element_type3A_244, %cond3A_245 : i32
        scf.if %cond3A_246 {
          %dma_start3A_252 = arith.constant 0 : i32
          %dma_start3A_253 = arith.constant 0 : i32
          %dma_start3A_254 = tpu.memref_slice %arg6[%add3A_241, %dma_start3A_253] : memref<157x128xi32, #tpu.memory_space<vmem>> -> memref<1x128xi32, #tpu.memory_space<vmem>>
          %dma_start3A_255 = tpu.memref_squeeze %dma_start3A_254 : memref<1x128xi32, #tpu.memory_space<vmem>> -> memref<128xi32, #tpu.memory_space<vmem>>
          %dma_start3A_256 = arith.constant 0 : i32
          %dma_start3A_257 = arith.constant 0 : i32
          %dma_start3A_258 = tpu.memref_slice %arg2[%dma_start3A_252, %dma_start3A_256, %dma_start3A_257] : memref<2x10000x32xf32, #tpu.memory_space<hbm>> -> memref<1x10000x32xf32, #tpu.memory_space<hbm>>
          %dma_start3A_259 = tpu.memref_squeeze %dma_start3A_258 : memref<1x10000x32xf32, #tpu.memory_space<hbm>> -> memref<10000x32xf32, #tpu.memory_space<hbm>>
          %dma_start3A_260 = arith.constant 0 : i32
          %dma_start3A_261 = arith.constant 0 : i32
          %dma_start3A_262 = tpu.memref_slice %dma_start3A_259[%dma_start3A_260, %dma_start3A_261] : memref<10000x32xf32, #tpu.memory_space<hbm>> -> memref<10000x32xf32, #tpu.memory_space<hbm>>
          tpu.enqueue_indirect_dma source(%dma_start3A_262 : memref<10000x32xf32, #tpu.memory_space<hbm>>) target(%arg11 : memref<128x32xf32, #tpu.memory_space<vmem>>) offsets(%dma_start3A_255 : memref<128xi32, #tpu.memory_space<vmem>>) semaphore(%arg16 : memref<!tpu.dma_semaphore, #tpu.memory_space<semaphore_mem>>)
        } else {
        }
        %eq3A_247 = arith.constant 1 : i32
        %eq3A_248 = arith.cmpi eq, %arg0, %eq3A_247 : i32
        %convert_element_type3A_249 = arith.extui %eq3A_248 : i1 to i32
        %cond3A_250 = arith.constant 0 : i32
        %cond3A_251 = arith.cmpi ne, %convert_element_type3A_249, %cond3A_250 : i32
        scf.if %cond3A_251 {
          %dma_start3A_252 = arith.constant 1 : i32
          %dma_start3A_253 = arith.constant 0 : i32
          %dma_start3A_254 = tpu.memref_slice %arg6[%add3A_241, %dma_start3A_253] : memref<157x128xi32, #tpu.memory_space<vmem>> -> memref<1x128xi32, #tpu.memory_space<vmem>>
          %dma_start3A_255 = tpu.memref_squeeze %dma_start3A_254 : memref<1x128xi32, #tpu.memory_space<vmem>> -> memref<128xi32, #tpu.memory_space<vmem>>
          %dma_start3A_256 = arith.constant 0 : i32
          %dma_start3A_257 = arith.constant 0 : i32
          %dma_start3A_258 = tpu.memref_slice %arg2[%dma_start3A_252, %dma_start3A_256, %dma_start3A_257] : memref<2x10000x32xf32, #tpu.memory_space<hbm>> -> memref<1x10000x32xf32, #tpu.memory_space<hbm>>
          %dma_start3A_259 = tpu.memref_squeeze %dma_start3A_258 : memref<1x10000x32xf32, #tpu.memory_space<hbm>> -> memref<10000x32xf32, #tpu.memory_space<hbm>>
          %dma_start3A_260 = arith.constant 0 : i32
          %dma_start3A_261 = arith.constant 0 : i32
          %dma_start3A_262 = tpu.memref_slice %dma_start3A_259[%dma_start3A_260, %dma_start3A_261] : memref<10000x32xf32, #tpu.memory_space<hbm>> -> memref<10000x32xf32, #tpu.memory_space<hbm>>
          tpu.enqueue_indirect_dma source(%dma_start3A_262 : memref<10000x32xf32, #tpu.memory_space<hbm>>) target(%arg11 : memref<128x32xf32, #tpu.memory_space<vmem>>) offsets(%dma_start3A_255 : memref<128xi32, #tpu.memory_space<vmem>>) semaphore(%arg16 : memref<!tpu.dma_semaphore, #tpu.memory_space<semaphore_mem>>)
        } else {
        }
      } else {
      }
      %eq3A_150 = arith.constant 0 : i32
      %eq3A_151 = arith.cmpi eq, %arg0, %eq3A_150 : i32
      %convert_element_type3A_152 = arith.extui %eq3A_151 : i1 to i32
      %cond3A_153 = arith.constant 0 : i32
      %cond3A_154 = arith.cmpi ne, %convert_element_type3A_152, %cond3A_153 : i32
      scf.if %cond3A_154 {
        %dma_wait3A_240 = arith.constant 0 : i32
        %dma_wait3A_241 = arith.constant 0 : i32
        %dma_wait3A_242 = tpu.memref_slice %arg6[%add3A_132, %dma_wait3A_241] : memref<157x128xi32, #tpu.memory_space<vmem>> -> memref<1x128xi32, #tpu.memory_space<vmem>>
        %dma_wait3A_243 = tpu.memref_squeeze %dma_wait3A_242 : memref<1x128xi32, #tpu.memory_space<vmem>> -> memref<128xi32, #tpu.memory_space<vmem>>
        %dma_wait3A_244 = arith.constant 0 : i32
        %dma_wait3A_245 = arith.constant 0 : i32
        %dma_wait3A_246 = tpu.memref_slice %arg2[%dma_wait3A_240, %dma_wait3A_244, %dma_wait3A_245] : memref<2x10000x32xf32, #tpu.memory_space<hbm>> -> memref<1x10000x32xf32, #tpu.memory_space<hbm>>
        %dma_wait3A_247 = tpu.memref_squeeze %dma_wait3A_246 : memref<1x10000x32xf32, #tpu.memory_space<hbm>> -> memref<10000x32xf32, #tpu.memory_space<hbm>>
        %dma_wait3A_248 = arith.constant 0 : i32
        %dma_wait3A_249 = arith.constant 0 : i32
        %dma_wait3A_250 = tpu.memref_slice %dma_wait3A_247[%dma_wait3A_248, %dma_wait3A_249] : memref<10000x32xf32, #tpu.memory_space<hbm>> -> memref<10000x32xf32, #tpu.memory_space<hbm>>
        tpu.wait_indirect_dma semaphore(%arg14 : memref<!tpu.dma_semaphore, #tpu.memory_space<semaphore_mem>>) src(%dma_wait3A_250 : memref<10000x32xf32, #tpu.memory_space<hbm>>) dst(%arg9 : memref<128x32xf32, #tpu.memory_space<vmem>>)
      } else {
      }
      %eq3A_155 = arith.constant 1 : i32
      %eq3A_156 = arith.cmpi eq, %arg0, %eq3A_155 : i32
      %convert_element_type3A_157 = arith.extui %eq3A_156 : i1 to i32
      %cond3A_158 = arith.constant 0 : i32
      %cond3A_159 = arith.cmpi ne, %convert_element_type3A_157, %cond3A_158 : i32
      scf.if %cond3A_159 {
        %dma_wait3A_240 = arith.constant 1 : i32
        %dma_wait3A_241 = arith.constant 0 : i32
        %dma_wait3A_242 = tpu.memref_slice %arg6[%add3A_132, %dma_wait3A_241] : memref<157x128xi32, #tpu.memory_space<vmem>> -> memref<1x128xi32, #tpu.memory_space<vmem>>
        %dma_wait3A_243 = tpu.memref_squeeze %dma_wait3A_242 : memref<1x128xi32, #tpu.memory_space<vmem>> -> memref<128xi32, #tpu.memory_space<vmem>>
        %dma_wait3A_244 = arith.constant 0 : i32
        %dma_wait3A_245 = arith.constant 0 : i32
        %dma_wait3A_246 = tpu.memref_slice %arg2[%dma_wait3A_240, %dma_wait3A_244, %dma_wait3A_245] : memref<2x10000x32xf32, #tpu.memory_space<hbm>> -> memref<1x10000x32xf32, #tpu.memory_space<hbm>>
        %dma_wait3A_247 = tpu.memref_squeeze %dma_wait3A_246 : memref<1x10000x32xf32, #tpu.memory_space<hbm>> -> memref<10000x32xf32, #tpu.memory_space<hbm>>
        %dma_wait3A_248 = arith.constant 0 : i32
        %dma_wait3A_249 = arith.constant 0 : i32
        %dma_wait3A_250 = tpu.memref_slice %dma_wait3A_247[%dma_wait3A_248, %dma_wait3A_249] : memref<10000x32xf32, #tpu.memory_space<hbm>> -> memref<10000x32xf32, #tpu.memory_space<hbm>>
        tpu.wait_indirect_dma semaphore(%arg14 : memref<!tpu.dma_semaphore, #tpu.memory_space<semaphore_mem>>) src(%dma_wait3A_250 : memref<10000x32xf32, #tpu.memory_space<hbm>>) dst(%arg9 : memref<128x32xf32, #tpu.memory_space<vmem>>)
      } else {
      }
      %dma_start3A_160 = arith.constant 0 : i32
      %dma_start3A_161 = tpu.memref_slice %arg7[%add3A_132, %dma_start3A_160] : memref<157x128xi32, #tpu.memory_space<vmem>> -> memref<1x128xi32, #tpu.memory_space<vmem>>
      %dma_start3A_162 = tpu.memref_squeeze %dma_start3A_161 : memref<1x128xi32, #tpu.memory_space<vmem>> -> memref<128xi32, #tpu.memory_space<vmem>>
      %dma_start3A_163 = arith.constant 0 : i32
      %dma_start3A_164 = arith.constant 0 : i32
      %dma_start3A_165 = tpu.memref_slice %arg12[%dma_start3A_163, %dma_start3A_164] : memref<10000x32xf32, #tpu.memory_space<vmem_shared>> -> memref<10000x32xf32, #tpu.memory_space<vmem_shared>>
      tpu.enqueue_indirect_dma source(%arg9 : memref<128x32xf32, #tpu.memory_space<vmem>>) target(%dma_start3A_165 : memref<10000x32xf32, #tpu.memory_space<vmem_shared>>) offsets(%dma_start3A_162 : memref<128xi32, #tpu.memory_space<vmem>>) semaphore(%arg18 : memref<!tpu.dma_semaphore, #tpu.memory_space<semaphore_mem>>) {add = true}
      %mul3A_166 = arith.constant 4 : i32
      %mul3A_167 = arith.muli %scan3A_93, %mul3A_166 : i32
      %add3A_168 = arith.constant 2 : i32
      %add3A_169 = arith.addi %mul3A_167, %add3A_168 : i32
      %add3A_170 = arith.constant 2 : i32
      %add3A_171 = arith.addi %add3A_169, %add3A_170 : i32
      %ge3A_172 = arith.constant 4 : i32
      %ge3A_173 = arith.cmpi sge, %add3A_171, %ge3A_172 : i32
      %add3A_174 = arith.constant 2 : i32
      %add3A_175 = arith.addi %add3A_169, %add3A_174 : i32
      %lt3A_176 = arith.cmpi slt, %add3A_175, %add3A_10 : i32
      %and3A_177 = arith.andi %ge3A_173, %lt3A_176 : i1
      %convert_element_type3A_178 = arith.extui %and3A_177 : i1 to i32
      %cond3A_179 = arith.constant 0 : i32
      %cond3A_180 = arith.cmpi ne, %convert_element_type3A_178, %cond3A_179 : i32
      scf.if %cond3A_180 {
        %add3A_240 = arith.constant 2 : i32
        %add3A_241 = arith.addi %add3A_169, %add3A_240 : i32
        %sub3A = arith.constant 4 : i32
        %sub3A_242 = arith.subi %add3A_241, %sub3A : i32
        %dma_wait3A_243 = arith.constant 0 : i32
        %dma_wait3A_244 = tpu.memref_slice %arg7[%sub3A_242, %dma_wait3A_243] : memref<157x128xi32, #tpu.memory_space<vmem>> -> memref<1x128xi32, #tpu.memory_space<vmem>>
        %dma_wait3A_245 = tpu.memref_squeeze %dma_wait3A_244 : memref<1x128xi32, #tpu.memory_space<vmem>> -> memref<128xi32, #tpu.memory_space<vmem>>
        %dma_wait3A_246 = arith.constant 0 : i32
        %dma_wait3A_247 = arith.constant 0 : i32
        %dma_wait3A_248 = tpu.memref_slice %arg12[%dma_wait3A_246, %dma_wait3A_247] : memref<10000x32xf32, #tpu.memory_space<vmem_shared>> -> memref<10000x32xf32, #tpu.memory_space<vmem_shared>>
        tpu.wait_indirect_dma semaphore(%arg17 : memref<!tpu.dma_semaphore, #tpu.memory_space<semaphore_mem>>) src(%arg8 : memref<128x32xf32, #tpu.memory_space<vmem>>) dst(%dma_wait3A_248 : memref<10000x32xf32, #tpu.memory_space<vmem_shared>>)
      } else {
      }
      %add3A_181 = arith.constant 2 : i32
      %add3A_182 = arith.addi %add3A_169, %add3A_181 : i32
      %lt3A_183 = arith.cmpi slt, %add3A_182, %add3A_10 : i32
      %convert_element_type3A_184 = arith.extui %lt3A_183 : i1 to i32
      %cond3A_185 = arith.constant 0 : i32
      %cond3A_186 = arith.cmpi ne, %convert_element_type3A_184, %cond3A_185 : i32
      scf.if %cond3A_186 {
        %add3A_240 = arith.constant 2 : i32
        %add3A_241 = arith.addi %add3A_169, %add3A_240 : i32
        %eq3A_242 = arith.constant 0 : i32
        %eq3A_243 = arith.cmpi eq, %arg0, %eq3A_242 : i32
        %convert_element_type3A_244 = arith.extui %eq3A_243 : i1 to i32
        %cond3A_245 = arith.constant 0 : i32
        %cond3A_246 = arith.cmpi ne, %convert_element_type3A_244, %cond3A_245 : i32
        scf.if %cond3A_246 {
          %dma_start3A_252 = arith.constant 0 : i32
          %dma_start3A_253 = arith.constant 0 : i32
          %dma_start3A_254 = tpu.memref_slice %arg6[%add3A_241, %dma_start3A_253] : memref<157x128xi32, #tpu.memory_space<vmem>> -> memref<1x128xi32, #tpu.memory_space<vmem>>
          %dma_start3A_255 = tpu.memref_squeeze %dma_start3A_254 : memref<1x128xi32, #tpu.memory_space<vmem>> -> memref<128xi32, #tpu.memory_space<vmem>>
          %dma_start3A_256 = arith.constant 0 : i32
          %dma_start3A_257 = arith.constant 0 : i32
          %dma_start3A_258 = tpu.memref_slice %arg2[%dma_start3A_252, %dma_start3A_256, %dma_start3A_257] : memref<2x10000x32xf32, #tpu.memory_space<hbm>> -> memref<1x10000x32xf32, #tpu.memory_space<hbm>>
          %dma_start3A_259 = tpu.memref_squeeze %dma_start3A_258 : memref<1x10000x32xf32, #tpu.memory_space<hbm>> -> memref<10000x32xf32, #tpu.memory_space<hbm>>
          %dma_start3A_260 = arith.constant 0 : i32
          %dma_start3A_261 = arith.constant 0 : i32
          %dma_start3A_262 = tpu.memref_slice %dma_start3A_259[%dma_start3A_260, %dma_start3A_261] : memref<10000x32xf32, #tpu.memory_space<hbm>> -> memref<10000x32xf32, #tpu.memory_space<hbm>>
          tpu.enqueue_indirect_dma source(%dma_start3A_262 : memref<10000x32xf32, #tpu.memory_space<hbm>>) target(%arg8 : memref<128x32xf32, #tpu.memory_space<vmem>>) offsets(%dma_start3A_255 : memref<128xi32, #tpu.memory_space<vmem>>) semaphore(%arg13 : memref<!tpu.dma_semaphore, #tpu.memory_space<semaphore_mem>>)
        } else {
        }
        %eq3A_247 = arith.constant 1 : i32
        %eq3A_248 = arith.cmpi eq, %arg0, %eq3A_247 : i32
        %convert_element_type3A_249 = arith.extui %eq3A_248 : i1 to i32
        %cond3A_250 = arith.constant 0 : i32
        %cond3A_251 = arith.cmpi ne, %convert_element_type3A_249, %cond3A_250 : i32
        scf.if %cond3A_251 {
          %dma_start3A_252 = arith.constant 1 : i32
          %dma_start3A_253 = arith.constant 0 : i32
          %dma_start3A_254 = tpu.memref_slice %arg6[%add3A_241, %dma_start3A_253] : memref<157x128xi32, #tpu.memory_space<vmem>> -> memref<1x128xi32, #tpu.memory_space<vmem>>
          %dma_start3A_255 = tpu.memref_squeeze %dma_start3A_254 : memref<1x128xi32, #tpu.memory_space<vmem>> -> memref<128xi32, #tpu.memory_space<vmem>>
          %dma_start3A_256 = arith.constant 0 : i32
          %dma_start3A_257 = arith.constant 0 : i32
          %dma_start3A_258 = tpu.memref_slice %arg2[%dma_start3A_252, %dma_start3A_256, %dma_start3A_257] : memref<2x10000x32xf32, #tpu.memory_space<hbm>> -> memref<1x10000x32xf32, #tpu.memory_space<hbm>>
          %dma_start3A_259 = tpu.memref_squeeze %dma_start3A_258 : memref<1x10000x32xf32, #tpu.memory_space<hbm>> -> memref<10000x32xf32, #tpu.memory_space<hbm>>
          %dma_start3A_260 = arith.constant 0 : i32
          %dma_start3A_261 = arith.constant 0 : i32
          %dma_start3A_262 = tpu.memref_slice %dma_start3A_259[%dma_start3A_260, %dma_start3A_261] : memref<10000x32xf32, #tpu.memory_space<hbm>> -> memref<10000x32xf32, #tpu.memory_space<hbm>>
          tpu.enqueue_indirect_dma source(%dma_start3A_262 : memref<10000x32xf32, #tpu.memory_space<hbm>>) target(%arg8 : memref<128x32xf32, #tpu.memory_space<vmem>>) offsets(%dma_start3A_255 : memref<128xi32, #tpu.memory_space<vmem>>) semaphore(%arg13 : memref<!tpu.dma_semaphore, #tpu.memory_space<semaphore_mem>>)
        } else {
        }
      } else {
      }
      %eq3A_187 = arith.constant 0 : i32
      %eq3A_188 = arith.cmpi eq, %arg0, %eq3A_187 : i32
      %convert_element_type3A_189 = arith.extui %eq3A_188 : i1 to i32
      %cond3A_190 = arith.constant 0 : i32
      %cond3A_191 = arith.cmpi ne, %convert_element_type3A_189, %cond3A_190 : i32
      scf.if %cond3A_191 {
        %dma_wait3A_240 = arith.constant 0 : i32
        %dma_wait3A_241 = arith.constant 0 : i32
        %dma_wait3A_242 = tpu.memref_slice %arg6[%add3A_169, %dma_wait3A_241] : memref<157x128xi32, #tpu.memory_space<vmem>> -> memref<1x128xi32, #tpu.memory_space<vmem>>
        %dma_wait3A_243 = tpu.memref_squeeze %dma_wait3A_242 : memref<1x128xi32, #tpu.memory_space<vmem>> -> memref<128xi32, #tpu.memory_space<vmem>>
        %dma_wait3A_244 = arith.constant 0 : i32
        %dma_wait3A_245 = arith.constant 0 : i32
        %dma_wait3A_246 = tpu.memref_slice %arg2[%dma_wait3A_240, %dma_wait3A_244, %dma_wait3A_245] : memref<2x10000x32xf32, #tpu.memory_space<hbm>> -> memref<1x10000x32xf32, #tpu.memory_space<hbm>>
        %dma_wait3A_247 = tpu.memref_squeeze %dma_wait3A_246 : memref<1x10000x32xf32, #tpu.memory_space<hbm>> -> memref<10000x32xf32, #tpu.memory_space<hbm>>
        %dma_wait3A_248 = arith.constant 0 : i32
        %dma_wait3A_249 = arith.constant 0 : i32
        %dma_wait3A_250 = tpu.memref_slice %dma_wait3A_247[%dma_wait3A_248, %dma_wait3A_249] : memref<10000x32xf32, #tpu.memory_space<hbm>> -> memref<10000x32xf32, #tpu.memory_space<hbm>>
        tpu.wait_indirect_dma semaphore(%arg15 : memref<!tpu.dma_semaphore, #tpu.memory_space<semaphore_mem>>) src(%dma_wait3A_250 : memref<10000x32xf32, #tpu.memory_space<hbm>>) dst(%arg10 : memref<128x32xf32, #tpu.memory_space<vmem>>)
      } else {
      }
      %eq3A_192 = arith.constant 1 : i32
      %eq3A_193 = arith.cmpi eq, %arg0, %eq3A_192 : i32
      %convert_element_type3A_194 = arith.extui %eq3A_193 : i1 to i32
      %cond3A_195 = arith.constant 0 : i32
      %cond3A_196 = arith.cmpi ne, %convert_element_type3A_194, %cond3A_195 : i32
      scf.if %cond3A_196 {
        %dma_wait3A_240 = arith.constant 1 : i32
        %dma_wait3A_241 = arith.constant 0 : i32
        %dma_wait3A_242 = tpu.memref_slice %arg6[%add3A_169, %dma_wait3A_241] : memref<157x128xi32, #tpu.memory_space<vmem>> -> memref<1x128xi32, #tpu.memory_space<vmem>>
        %dma_wait3A_243 = tpu.memref_squeeze %dma_wait3A_242 : memref<1x128xi32, #tpu.memory_space<vmem>> -> memref<128xi32, #tpu.memory_space<vmem>>
        %dma_wait3A_244 = arith.constant 0 : i32
        %dma_wait3A_245 = arith.constant 0 : i32
        %dma_wait3A_246 = tpu.memref_slice %arg2[%dma_wait3A_240, %dma_wait3A_244, %dma_wait3A_245] : memref<2x10000x32xf32, #tpu.memory_space<hbm>> -> memref<1x10000x32xf32, #tpu.memory_space<hbm>>
        %dma_wait3A_247 = tpu.memref_squeeze %dma_wait3A_246 : memref<1x10000x32xf32, #tpu.memory_space<hbm>> -> memref<10000x32xf32, #tpu.memory_space<hbm>>
        %dma_wait3A_248 = arith.constant 0 : i32
        %dma_wait3A_249 = arith.constant 0 : i32
        %dma_wait3A_250 = tpu.memref_slice %dma_wait3A_247[%dma_wait3A_248, %dma_wait3A_249] : memref<10000x32xf32, #tpu.memory_space<hbm>> -> memref<10000x32xf32, #tpu.memory_space<hbm>>
        tpu.wait_indirect_dma semaphore(%arg15 : memref<!tpu.dma_semaphore, #tpu.memory_space<semaphore_mem>>) src(%dma_wait3A_250 : memref<10000x32xf32, #tpu.memory_space<hbm>>) dst(%arg10 : memref<128x32xf32, #tpu.memory_space<vmem>>)
      } else {
      }
      %dma_start3A_197 = arith.constant 0 : i32
      %dma_start3A_198 = tpu.memref_slice %arg7[%add3A_169, %dma_start3A_197] : memref<157x128xi32, #tpu.memory_space<vmem>> -> memref<1x128xi32, #tpu.memory_space<vmem>>
      %dma_start3A_199 = tpu.memref_squeeze %dma_start3A_198 : memref<1x128xi32, #tpu.memory_space<vmem>> -> memref<128xi32, #tpu.memory_space<vmem>>
      %dma_start3A_200 = arith.constant 0 : i32
      %dma_start3A_201 = arith.constant 0 : i32
      %dma_start3A_202 = tpu.memref_slice %arg12[%dma_start3A_200, %dma_start3A_201] : memref<10000x32xf32, #tpu.memory_space<vmem_shared>> -> memref<10000x32xf32, #tpu.memory_space<vmem_shared>>
      tpu.enqueue_indirect_dma source(%arg10 : memref<128x32xf32, #tpu.memory_space<vmem>>) target(%dma_start3A_202 : memref<10000x32xf32, #tpu.memory_space<vmem_shared>>) offsets(%dma_start3A_199 : memref<128xi32, #tpu.memory_space<vmem>>) semaphore(%arg19 : memref<!tpu.dma_semaphore, #tpu.memory_space<semaphore_mem>>) {add = true}
      %mul3A_203 = arith.constant 4 : i32
      %mul3A_204 = arith.muli %scan3A_93, %mul3A_203 : i32
      %add3A_205 = arith.constant 3 : i32
      %add3A_206 = arith.addi %mul3A_204, %add3A_205 : i32
      %add3A_207 = arith.constant 2 : i32
      %add3A_208 = arith.addi %add3A_206, %add3A_207 : i32
      %ge3A_209 = arith.constant 4 : i32
      %ge3A_210 = arith.cmpi sge, %add3A_208, %ge3A_209 : i32
      %add3A_211 = arith.constant 2 : i32
      %add3A_212 = arith.addi %add3A_206, %add3A_211 : i32
      %lt3A_213 = arith.cmpi slt, %add3A_212, %add3A_10 : i32
      %and3A_214 = arith.andi %ge3A_210, %lt3A_213 : i1
      %convert_element_type3A_215 = arith.extui %and3A_214 : i1 to i32
      %cond3A_216 = arith.constant 0 : i32
      %cond3A_217 = arith.cmpi ne, %convert_element_type3A_215, %cond3A_216 : i32
      scf.if %cond3A_217 {
        %add3A_240 = arith.constant 2 : i32
        %add3A_241 = arith.addi %add3A_206, %add3A_240 : i32
        %sub3A = arith.constant 4 : i32
        %sub3A_242 = arith.subi %add3A_241, %sub3A : i32
        %dma_wait3A_243 = arith.constant 0 : i32
        %dma_wait3A_244 = tpu.memref_slice %arg7[%sub3A_242, %dma_wait3A_243] : memref<157x128xi32, #tpu.memory_space<vmem>> -> memref<1x128xi32, #tpu.memory_space<vmem>>
        %dma_wait3A_245 = tpu.memref_squeeze %dma_wait3A_244 : memref<1x128xi32, #tpu.memory_space<vmem>> -> memref<128xi32, #tpu.memory_space<vmem>>
        %dma_wait3A_246 = arith.constant 0 : i32
        %dma_wait3A_247 = arith.constant 0 : i32
        %dma_wait3A_248 = tpu.memref_slice %arg12[%dma_wait3A_246, %dma_wait3A_247] : memref<10000x32xf32, #tpu.memory_space<vmem_shared>> -> memref<10000x32xf32, #tpu.memory_space<vmem_shared>>
        tpu.wait_indirect_dma semaphore(%arg18 : memref<!tpu.dma_semaphore, #tpu.memory_space<semaphore_mem>>) src(%arg9 : memref<128x32xf32, #tpu.memory_space<vmem>>) dst(%dma_wait3A_248 : memref<10000x32xf32, #tpu.memory_space<vmem_shared>>)
      } else {
      }
      %add3A_218 = arith.constant 2 : i32
      %add3A_219 = arith.addi %add3A_206, %add3A_218 : i32
      %lt3A_220 = arith.cmpi slt, %add3A_219, %add3A_10 : i32
      %convert_element_type3A_221 = arith.extui %lt3A_220 : i1 to i32
      %cond3A_222 = arith.constant 0 : i32
      %cond3A_223 = arith.cmpi ne, %convert_element_type3A_221, %cond3A_222 : i32
      scf.if %cond3A_223 {
        %add3A_240 = arith.constant 2 : i32
        %add3A_241 = arith.addi %add3A_206, %add3A_240 : i32
        %eq3A_242 = arith.constant 0 : i32
        %eq3A_243 = arith.cmpi eq, %arg0, %eq3A_242 : i32
        %convert_element_type3A_244 = arith.extui %eq3A_243 : i1 to i32
        %cond3A_245 = arith.constant 0 : i32
        %cond3A_246 = arith.cmpi ne, %convert_element_type3A_244, %cond3A_245 : i32
        scf.if %cond3A_246 {
          %dma_start3A_252 = arith.constant 0 : i32
          %dma_start3A_253 = arith.constant 0 : i32
          %dma_start3A_254 = tpu.memref_slice %arg6[%add3A_241, %dma_start3A_253] : memref<157x128xi32, #tpu.memory_space<vmem>> -> memref<1x128xi32, #tpu.memory_space<vmem>>
          %dma_start3A_255 = tpu.memref_squeeze %dma_start3A_254 : memref<1x128xi32, #tpu.memory_space<vmem>> -> memref<128xi32, #tpu.memory_space<vmem>>
          %dma_start3A_256 = arith.constant 0 : i32
          %dma_start3A_257 = arith.constant 0 : i32
          %dma_start3A_258 = tpu.memref_slice %arg2[%dma_start3A_252, %dma_start3A_256, %dma_start3A_257] : memref<2x10000x32xf32, #tpu.memory_space<hbm>> -> memref<1x10000x32xf32, #tpu.memory_space<hbm>>
          %dma_start3A_259 = tpu.memref_squeeze %dma_start3A_258 : memref<1x10000x32xf32, #tpu.memory_space<hbm>> -> memref<10000x32xf32, #tpu.memory_space<hbm>>
          %dma_start3A_260 = arith.constant 0 : i32
          %dma_start3A_261 = arith.constant 0 : i32
          %dma_start3A_262 = tpu.memref_slice %dma_start3A_259[%dma_start3A_260, %dma_start3A_261] : memref<10000x32xf32, #tpu.memory_space<hbm>> -> memref<10000x32xf32, #tpu.memory_space<hbm>>
          tpu.enqueue_indirect_dma source(%dma_start3A_262 : memref<10000x32xf32, #tpu.memory_space<hbm>>) target(%arg9 : memref<128x32xf32, #tpu.memory_space<vmem>>) offsets(%dma_start3A_255 : memref<128xi32, #tpu.memory_space<vmem>>) semaphore(%arg14 : memref<!tpu.dma_semaphore, #tpu.memory_space<semaphore_mem>>)
        } else {
        }
        %eq3A_247 = arith.constant 1 : i32
        %eq3A_248 = arith.cmpi eq, %arg0, %eq3A_247 : i32
        %convert_element_type3A_249 = arith.extui %eq3A_248 : i1 to i32
        %cond3A_250 = arith.constant 0 : i32
        %cond3A_251 = arith.cmpi ne, %convert_element_type3A_249, %cond3A_250 : i32
        scf.if %cond3A_251 {
          %dma_start3A_252 = arith.constant 1 : i32
          %dma_start3A_253 = arith.constant 0 : i32
          %dma_start3A_254 = tpu.memref_slice %arg6[%add3A_241, %dma_start3A_253] : memref<157x128xi32, #tpu.memory_space<vmem>> -> memref<1x128xi32, #tpu.memory_space<vmem>>
          %dma_start3A_255 = tpu.memref_squeeze %dma_start3A_254 : memref<1x128xi32, #tpu.memory_space<vmem>> -> memref<128xi32, #tpu.memory_space<vmem>>
          %dma_start3A_256 = arith.constant 0 : i32
          %dma_start3A_257 = arith.constant 0 : i32
          %dma_start3A_258 = tpu.memref_slice %arg2[%dma_start3A_252, %dma_start3A_256, %dma_start3A_257] : memref<2x10000x32xf32, #tpu.memory_space<hbm>> -> memref<1x10000x32xf32, #tpu.memory_space<hbm>>
          %dma_start3A_259 = tpu.memref_squeeze %dma_start3A_258 : memref<1x10000x32xf32, #tpu.memory_space<hbm>> -> memref<10000x32xf32, #tpu.memory_space<hbm>>
          %dma_start3A_260 = arith.constant 0 : i32
          %dma_start3A_261 = arith.constant 0 : i32
          %dma_start3A_262 = tpu.memref_slice %dma_start3A_259[%dma_start3A_260, %dma_start3A_261] : memref<10000x32xf32, #tpu.memory_space<hbm>> -> memref<10000x32xf32, #tpu.memory_space<hbm>>
          tpu.enqueue_indirect_dma source(%dma_start3A_262 : memref<10000x32xf32, #tpu.memory_space<hbm>>) target(%arg9 : memref<128x32xf32, #tpu.memory_space<vmem>>) offsets(%dma_start3A_255 : memref<128xi32, #tpu.memory_space<vmem>>) semaphore(%arg14 : memref<!tpu.dma_semaphore, #tpu.memory_space<semaphore_mem>>)
        } else {
        }
      } else {
      }
      %eq3A_224 = arith.constant 0 : i32
      %eq3A_225 = arith.cmpi eq, %arg0, %eq3A_224 : i32
      %convert_element_type3A_226 = arith.extui %eq3A_225 : i1 to i32
      %cond3A_227 = arith.constant 0 : i32
      %cond3A_228 = arith.cmpi ne, %convert_element_type3A_226, %cond3A_227 : i32
      scf.if %cond3A_228 {
        %dma_wait3A_240 = arith.constant 0 : i32
        %dma_wait3A_241 = arith.constant 0 : i32
        %dma_wait3A_242 = tpu.memref_slice %arg6[%add3A_206, %dma_wait3A_241] : memref<157x128xi32, #tpu.memory_space<vmem>> -> memref<1x128xi32, #tpu.memory_space<vmem>>
        %dma_wait3A_243 = tpu.memref_squeeze %dma_wait3A_242 : memref<1x128xi32, #tpu.memory_space<vmem>> -> memref<128xi32, #tpu.memory_space<vmem>>
        %dma_wait3A_244 = arith.constant 0 : i32
        %dma_wait3A_245 = arith.constant 0 : i32
        %dma_wait3A_246 = tpu.memref_slice %arg2[%dma_wait3A_240, %dma_wait3A_244, %dma_wait3A_245] : memref<2x10000x32xf32, #tpu.memory_space<hbm>> -> memref<1x10000x32xf32, #tpu.memory_space<hbm>>
        %dma_wait3A_247 = tpu.memref_squeeze %dma_wait3A_246 : memref<1x10000x32xf32, #tpu.memory_space<hbm>> -> memref<10000x32xf32, #tpu.memory_space<hbm>>
        %dma_wait3A_248 = arith.constant 0 : i32
        %dma_wait3A_249 = arith.constant 0 : i32
        %dma_wait3A_250 = tpu.memref_slice %dma_wait3A_247[%dma_wait3A_248, %dma_wait3A_249] : memref<10000x32xf32, #tpu.memory_space<hbm>> -> memref<10000x32xf32, #tpu.memory_space<hbm>>
        tpu.wait_indirect_dma semaphore(%arg16 : memref<!tpu.dma_semaphore, #tpu.memory_space<semaphore_mem>>) src(%dma_wait3A_250 : memref<10000x32xf32, #tpu.memory_space<hbm>>) dst(%arg11 : memref<128x32xf32, #tpu.memory_space<vmem>>)
      } else {
      }
      %eq3A_229 = arith.constant 1 : i32
      %eq3A_230 = arith.cmpi eq, %arg0, %eq3A_229 : i32
      %convert_element_type3A_231 = arith.extui %eq3A_230 : i1 to i32
      %cond3A_232 = arith.constant 0 : i32
      %cond3A_233 = arith.cmpi ne, %convert_element_type3A_231, %cond3A_232 : i32
      scf.if %cond3A_233 {
        %dma_wait3A_240 = arith.constant 1 : i32
        %dma_wait3A_241 = arith.constant 0 : i32
        %dma_wait3A_242 = tpu.memref_slice %arg6[%add3A_206, %dma_wait3A_241] : memref<157x128xi32, #tpu.memory_space<vmem>> -> memref<1x128xi32, #tpu.memory_space<vmem>>
        %dma_wait3A_243 = tpu.memref_squeeze %dma_wait3A_242 : memref<1x128xi32, #tpu.memory_space<vmem>> -> memref<128xi32, #tpu.memory_space<vmem>>
        %dma_wait3A_244 = arith.constant 0 : i32
        %dma_wait3A_245 = arith.constant 0 : i32
        %dma_wait3A_246 = tpu.memref_slice %arg2[%dma_wait3A_240, %dma_wait3A_244, %dma_wait3A_245] : memref<2x10000x32xf32, #tpu.memory_space<hbm>> -> memref<1x10000x32xf32, #tpu.memory_space<hbm>>
        %dma_wait3A_247 = tpu.memref_squeeze %dma_wait3A_246 : memref<1x10000x32xf32, #tpu.memory_space<hbm>> -> memref<10000x32xf32, #tpu.memory_space<hbm>>
        %dma_wait3A_248 = arith.constant 0 : i32
        %dma_wait3A_249 = arith.constant 0 : i32
        %dma_wait3A_250 = tpu.memref_slice %dma_wait3A_247[%dma_wait3A_248, %dma_wait3A_249] : memref<10000x32xf32, #tpu.memory_space<hbm>> -> memref<10000x32xf32, #tpu.memory_space<hbm>>
        tpu.wait_indirect_dma semaphore(%arg16 : memref<!tpu.dma_semaphore, #tpu.memory_space<semaphore_mem>>) src(%dma_wait3A_250 : memref<10000x32xf32, #tpu.memory_space<hbm>>) dst(%arg11 : memref<128x32xf32, #tpu.memory_space<vmem>>)
      } else {
      }
      %dma_start3A_234 = arith.constant 0 : i32
      %dma_start3A_235 = tpu.memref_slice %arg7[%add3A_206, %dma_start3A_234] : memref<157x128xi32, #tpu.memory_space<vmem>> -> memref<1x128xi32, #tpu.memory_space<vmem>>
      %dma_start3A_236 = tpu.memref_squeeze %dma_start3A_235 : memref<1x128xi32, #tpu.memory_space<vmem>> -> memref<128xi32, #tpu.memory_space<vmem>>
      %dma_start3A_237 = arith.constant 0 : i32
      %dma_start3A_238 = arith.constant 0 : i32
      %dma_start3A_239 = tpu.memref_slice %arg12[%dma_start3A_237, %dma_start3A_238] : memref<10000x32xf32, #tpu.memory_space<vmem_shared>> -> memref<10000x32xf32, #tpu.memory_space<vmem_shared>>
      tpu.enqueue_indirect_dma source(%arg11 : memref<128x32xf32, #tpu.memory_space<vmem>>) target(%dma_start3A_239 : memref<10000x32xf32, #tpu.memory_space<vmem_shared>>) offsets(%dma_start3A_236 : memref<128xi32, #tpu.memory_space<vmem>>) semaphore(%arg20 : memref<!tpu.dma_semaphore, #tpu.memory_space<semaphore_mem>>) {add = true}
    }
    %scan3A_48 = arith.constant 39 : i32
    %lt3A_49 = arith.constant 4 : i32
    %lt3A_50 = arith.cmpi slt, %arg1, %lt3A_49 : i32
    %convert_element_type3A_51 = arith.extui %lt3A_50 : i1 to i32
    %cond3A_52 = arith.constant 0 : i32
    %cond3A_53 = arith.cmpi ne, %convert_element_type3A_51, %cond3A_52 : i32
    scf.if %cond3A_53 {
      %dma_wait3A_93 = arith.constant 154 : i32
      %dma_wait3A_94 = arith.constant 0 : i32
      %dma_wait3A_95 = tpu.memref_slice %arg7[%dma_wait3A_93, %dma_wait3A_94] : memref<157x128xi32, #tpu.memory_space<vmem>> -> memref<1x128xi32, #tpu.memory_space<vmem>>
      %dma_wait3A_96 = tpu.memref_squeeze %dma_wait3A_95 : memref<1x128xi32, #tpu.memory_space<vmem>> -> memref<128xi32, #tpu.memory_space<vmem>>
      %dma_wait3A_97 = arith.constant 0 : i32
      %dma_wait3A_98 = arith.constant 0 : i32
      %dma_wait3A_99 = tpu.memref_slice %arg12[%dma_wait3A_97, %dma_wait3A_98] : memref<10000x32xf32, #tpu.memory_space<vmem_shared>> -> memref<10000x32xf32, #tpu.memory_space<vmem_shared>>
      tpu.wait_indirect_dma semaphore(%arg19 : memref<!tpu.dma_semaphore, #tpu.memory_space<semaphore_mem>>) src(%arg10 : memref<128x32xf32, #tpu.memory_space<vmem>>) dst(%dma_wait3A_99 : memref<10000x32xf32, #tpu.memory_space<vmem_shared>>)
      %eq3A_100 = arith.constant 0 : i32
      %eq3A_101 = arith.cmpi eq, %arg0, %eq3A_100 : i32
      %convert_element_type3A_102 = arith.extui %eq3A_101 : i1 to i32
      %cond3A_103 = arith.constant 0 : i32
      %cond3A_104 = arith.cmpi ne, %convert_element_type3A_102, %cond3A_103 : i32
      scf.if %cond3A_104 {
        %dma_wait3A_116 = arith.constant 0 : i32
        %dma_wait3A_117 = arith.constant 156 : i32
        %dma_wait3A_118 = arith.constant 0 : i32
        %dma_wait3A_119 = tpu.memref_slice %arg6[%dma_wait3A_117, %dma_wait3A_118] : memref<157x128xi32, #tpu.memory_space<vmem>> -> memref<1x128xi32, #tpu.memory_space<vmem>>
        %dma_wait3A_120 = tpu.memref_squeeze %dma_wait3A_119 : memref<1x128xi32, #tpu.memory_space<vmem>> -> memref<128xi32, #tpu.memory_space<vmem>>
        %dma_wait3A_121 = arith.constant 0 : i32
        %dma_wait3A_122 = arith.constant 0 : i32
        %dma_wait3A_123 = tpu.memref_slice %arg2[%dma_wait3A_116, %dma_wait3A_121, %dma_wait3A_122] : memref<2x10000x32xf32, #tpu.memory_space<hbm>> -> memref<1x10000x32xf32, #tpu.memory_space<hbm>>
        %dma_wait3A_124 = tpu.memref_squeeze %dma_wait3A_123 : memref<1x10000x32xf32, #tpu.memory_space<hbm>> -> memref<10000x32xf32, #tpu.memory_space<hbm>>
        %dma_wait3A_125 = arith.constant 0 : i32
        %dma_wait3A_126 = arith.constant 0 : i32
        %dma_wait3A_127 = tpu.memref_slice %dma_wait3A_124[%dma_wait3A_125, %dma_wait3A_126] : memref<10000x32xf32, #tpu.memory_space<hbm>> -> memref<10000x32xf32, #tpu.memory_space<hbm>>
        tpu.wait_indirect_dma semaphore(%arg13 : memref<!tpu.dma_semaphore, #tpu.memory_space<semaphore_mem>>) src(%dma_wait3A_127 : memref<10000x32xf32, #tpu.memory_space<hbm>>) dst(%arg8 : memref<128x32xf32, #tpu.memory_space<vmem>>)
      } else {
      }
      %eq3A_105 = arith.constant 1 : i32
      %eq3A_106 = arith.cmpi eq, %arg0, %eq3A_105 : i32
      %convert_element_type3A_107 = arith.extui %eq3A_106 : i1 to i32
      %cond3A_108 = arith.constant 0 : i32
      %cond3A_109 = arith.cmpi ne, %convert_element_type3A_107, %cond3A_108 : i32
      scf.if %cond3A_109 {
        %dma_wait3A_116 = arith.constant 1 : i32
        %dma_wait3A_117 = arith.constant 156 : i32
        %dma_wait3A_118 = arith.constant 0 : i32
        %dma_wait3A_119 = tpu.memref_slice %arg6[%dma_wait3A_117, %dma_wait3A_118] : memref<157x128xi32, #tpu.memory_space<vmem>> -> memref<1x128xi32, #tpu.memory_space<vmem>>
        %dma_wait3A_120 = tpu.memref_squeeze %dma_wait3A_119 : memref<1x128xi32, #tpu.memory_space<vmem>> -> memref<128xi32, #tpu.memory_space<vmem>>
        %dma_wait3A_121 = arith.constant 0 : i32
        %dma_wait3A_122 = arith.constant 0 : i32
        %dma_wait3A_123 = tpu.memref_slice %arg2[%dma_wait3A_116, %dma_wait3A_121, %dma_wait3A_122] : memref<2x10000x32xf32, #tpu.memory_space<hbm>> -> memref<1x10000x32xf32, #tpu.memory_space<hbm>>
        %dma_wait3A_124 = tpu.memref_squeeze %dma_wait3A_123 : memref<1x10000x32xf32, #tpu.memory_space<hbm>> -> memref<10000x32xf32, #tpu.memory_space<hbm>>
        %dma_wait3A_125 = arith.constant 0 : i32
        %dma_wait3A_126 = arith.constant 0 : i32
        %dma_wait3A_127 = tpu.memref_slice %dma_wait3A_124[%dma_wait3A_125, %dma_wait3A_126] : memref<10000x32xf32, #tpu.memory_space<hbm>> -> memref<10000x32xf32, #tpu.memory_space<hbm>>
        tpu.wait_indirect_dma semaphore(%arg13 : memref<!tpu.dma_semaphore, #tpu.memory_space<semaphore_mem>>) src(%dma_wait3A_127 : memref<10000x32xf32, #tpu.memory_space<hbm>>) dst(%arg8 : memref<128x32xf32, #tpu.memory_space<vmem>>)
      } else {
      }
      %dma_start3A = arith.constant 156 : i32
      %dma_start3A_110 = arith.constant 0 : i32
      %dma_start3A_111 = tpu.memref_slice %arg7[%dma_start3A, %dma_start3A_110] : memref<157x128xi32, #tpu.memory_space<vmem>> -> memref<1x128xi32, #tpu.memory_space<vmem>>
      %dma_start3A_112 = tpu.memref_squeeze %dma_start3A_111 : memref<1x128xi32, #tpu.memory_space<vmem>> -> memref<128xi32, #tpu.memory_space<vmem>>
      %dma_start3A_113 = arith.constant 0 : i32
      %dma_start3A_114 = arith.constant 0 : i32
      %dma_start3A_115 = tpu.memref_slice %arg12[%dma_start3A_113, %dma_start3A_114] : memref<10000x32xf32, #tpu.memory_space<vmem_shared>> -> memref<10000x32xf32, #tpu.memory_space<vmem_shared>>
      tpu.enqueue_indirect_dma source(%arg8 : memref<128x32xf32, #tpu.memory_space<vmem>>) target(%dma_start3A_115 : memref<10000x32xf32, #tpu.memory_space<vmem_shared>>) offsets(%dma_start3A_112 : memref<128xi32, #tpu.memory_space<vmem>>) semaphore(%arg17 : memref<!tpu.dma_semaphore, #tpu.memory_space<semaphore_mem>>) {add = true}
    } else {
    }
    %ge3A_54 = arith.constant 4 : i32
    %ge3A_55 = arith.cmpi sge, %arg1, %ge3A_54 : i32
    %convert_element_type3A_56 = arith.extui %ge3A_55 : i1 to i32
    %cond3A_57 = arith.constant 0 : i32
    %cond3A_58 = arith.cmpi ne, %convert_element_type3A_56, %cond3A_57 : i32
    scf.if %cond3A_58 {
      %dma_wait3A_93 = arith.constant 152 : i32
      %dma_wait3A_94 = arith.constant 0 : i32
      %dma_wait3A_95 = tpu.memref_slice %arg7[%dma_wait3A_93, %dma_wait3A_94] : memref<157x128xi32, #tpu.memory_space<vmem>> -> memref<1x128xi32, #tpu.memory_space<vmem>>
      %dma_wait3A_96 = tpu.memref_squeeze %dma_wait3A_95 : memref<1x128xi32, #tpu.memory_space<vmem>> -> memref<128xi32, #tpu.memory_space<vmem>>
      %dma_wait3A_97 = arith.constant 0 : i32
      %dma_wait3A_98 = arith.constant 0 : i32
      %dma_wait3A_99 = tpu.memref_slice %arg12[%dma_wait3A_97, %dma_wait3A_98] : memref<10000x32xf32, #tpu.memory_space<vmem_shared>> -> memref<10000x32xf32, #tpu.memory_space<vmem_shared>>
      tpu.wait_indirect_dma semaphore(%arg17 : memref<!tpu.dma_semaphore, #tpu.memory_space<semaphore_mem>>) src(%arg8 : memref<128x32xf32, #tpu.memory_space<vmem>>) dst(%dma_wait3A_99 : memref<10000x32xf32, #tpu.memory_space<vmem_shared>>)
    } else {
    }
    %lt3A_59 = arith.constant 4 : i32
    %lt3A_60 = arith.cmpi slt, %arg1, %lt3A_59 : i32
    %convert_element_type3A_61 = arith.extui %lt3A_60 : i1 to i32
    %cond3A_62 = arith.constant 0 : i32
    %cond3A_63 = arith.cmpi ne, %convert_element_type3A_61, %cond3A_62 : i32
    scf.if %cond3A_63 {
      %dma_wait3A_93 = arith.constant 156 : i32
      %dma_wait3A_94 = arith.constant 0 : i32
      %dma_wait3A_95 = tpu.memref_slice %arg7[%dma_wait3A_93, %dma_wait3A_94] : memref<157x128xi32, #tpu.memory_space<vmem>> -> memref<1x128xi32, #tpu.memory_space<vmem>>
      %dma_wait3A_96 = tpu.memref_squeeze %dma_wait3A_95 : memref<1x128xi32, #tpu.memory_space<vmem>> -> memref<128xi32, #tpu.memory_space<vmem>>
      %dma_wait3A_97 = arith.constant 0 : i32
      %dma_wait3A_98 = arith.constant 0 : i32
      %dma_wait3A_99 = tpu.memref_slice %arg12[%dma_wait3A_97, %dma_wait3A_98] : memref<10000x32xf32, #tpu.memory_space<vmem_shared>> -> memref<10000x32xf32, #tpu.memory_space<vmem_shared>>
      tpu.wait_indirect_dma semaphore(%arg17 : memref<!tpu.dma_semaphore, #tpu.memory_space<semaphore_mem>>) src(%arg8 : memref<128x32xf32, #tpu.memory_space<vmem>>) dst(%dma_wait3A_99 : memref<10000x32xf32, #tpu.memory_space<vmem_shared>>)
    } else {
    }
    %dma_wait3A = arith.constant 153 : i32
    %dma_wait3A_64 = arith.constant 0 : i32
    %dma_wait3A_65 = tpu.memref_slice %arg7[%dma_wait3A, %dma_wait3A_64] : memref<157x128xi32, #tpu.memory_space<vmem>> -> memref<1x128xi32, #tpu.memory_space<vmem>>
    %dma_wait3A_66 = tpu.memref_squeeze %dma_wait3A_65 : memref<1x128xi32, #tpu.memory_space<vmem>> -> memref<128xi32, #tpu.memory_space<vmem>>
    %dma_wait3A_67 = arith.constant 0 : i32
    %dma_wait3A_68 = arith.constant 0 : i32
    %dma_wait3A_69 = tpu.memref_slice %arg12[%dma_wait3A_67, %dma_wait3A_68] : memref<10000x32xf32, #tpu.memory_space<vmem_shared>> -> memref<10000x32xf32, #tpu.memory_space<vmem_shared>>
    tpu.wait_indirect_dma semaphore(%arg18 : memref<!tpu.dma_semaphore, #tpu.memory_space<semaphore_mem>>) src(%arg9 : memref<128x32xf32, #tpu.memory_space<vmem>>) dst(%dma_wait3A_69 : memref<10000x32xf32, #tpu.memory_space<vmem_shared>>)
    %ge3A_70 = arith.constant 4 : i32
    %ge3A_71 = arith.cmpi sge, %arg1, %ge3A_70 : i32
    %convert_element_type3A_72 = arith.extui %ge3A_71 : i1 to i32
    %cond3A_73 = arith.constant 0 : i32
    %cond3A_74 = arith.cmpi ne, %convert_element_type3A_72, %cond3A_73 : i32
    scf.if %cond3A_74 {
      %dma_wait3A_93 = arith.constant 154 : i32
      %dma_wait3A_94 = arith.constant 0 : i32
      %dma_wait3A_95 = tpu.memref_slice %arg7[%dma_wait3A_93, %dma_wait3A_94] : memref<157x128xi32, #tpu.memory_space<vmem>> -> memref<1x128xi32, #tpu.memory_space<vmem>>
      %dma_wait3A_96 = tpu.memref_squeeze %dma_wait3A_95 : memref<1x128xi32, #tpu.memory_space<vmem>> -> memref<128xi32, #tpu.memory_space<vmem>>
      %dma_wait3A_97 = arith.constant 0 : i32
      %dma_wait3A_98 = arith.constant 0 : i32
      %dma_wait3A_99 = tpu.memref_slice %arg12[%dma_wait3A_97, %dma_wait3A_98] : memref<10000x32xf32, #tpu.memory_space<vmem_shared>> -> memref<10000x32xf32, #tpu.memory_space<vmem_shared>>
      tpu.wait_indirect_dma semaphore(%arg19 : memref<!tpu.dma_semaphore, #tpu.memory_space<semaphore_mem>>) src(%arg10 : memref<128x32xf32, #tpu.memory_space<vmem>>) dst(%dma_wait3A_99 : memref<10000x32xf32, #tpu.memory_space<vmem_shared>>)
    } else {
    }
    %dma_wait3A_75 = arith.constant 155 : i32
    %dma_wait3A_76 = arith.constant 0 : i32
    %dma_wait3A_77 = tpu.memref_slice %arg7[%dma_wait3A_75, %dma_wait3A_76] : memref<157x128xi32, #tpu.memory_space<vmem>> -> memref<1x128xi32, #tpu.memory_space<vmem>>
    %dma_wait3A_78 = tpu.memref_squeeze %dma_wait3A_77 : memref<1x128xi32, #tpu.memory_space<vmem>> -> memref<128xi32, #tpu.memory_space<vmem>>
    %dma_wait3A_79 = arith.constant 0 : i32
    %dma_wait3A_80 = arith.constant 0 : i32
    %dma_wait3A_81 = tpu.memref_slice %arg12[%dma_wait3A_79, %dma_wait3A_80] : memref<10000x32xf32, #tpu.memory_space<vmem_shared>> -> memref<10000x32xf32, #tpu.memory_space<vmem_shared>>
    tpu.wait_indirect_dma semaphore(%arg20 : memref<!tpu.dma_semaphore, #tpu.memory_space<semaphore_mem>>) src(%arg11 : memref<128x32xf32, #tpu.memory_space<vmem>>) dst(%dma_wait3A_81 : memref<10000x32xf32, #tpu.memory_space<vmem_shared>>)
    %barrier3A_82 = arith.constant 0 : index
    tpu.barrier barrier_id(%barrier3A_82)
    %lt3A_83 = arith.constant 15 : i32
    %lt3A_84 = arith.cmpi slt, %arg1, %lt3A_83 : i32
    %convert_element_type3A_85 = arith.extui %lt3A_84 : i1 to i32
    %cond3A_86 = arith.constant 0 : i32
    %cond3A_87 = arith.cmpi ne, %convert_element_type3A_85, %cond3A_86 : i32
    scf.if %cond3A_87 {
      "tpu.region"() ({
        %run_scoped3A = tpu.sem_alloc : memref<!tpu.dma_semaphore, #tpu.memory_space<semaphore_mem>>
        %dma_start3A = arith.constant 0 : i32
        %dma_start3A_93 = tpu.memref_slice %arg5[%arg0, %mul3A_0, %dma_start3A] : memref<2x10000x32xf32, #tpu.memory_space<hbm>> -> memref<1x624x32xf32, #tpu.memory_space<hbm>>
        %dma_start3A_94 = tpu.memref_squeeze %dma_start3A_93 : memref<1x624x32xf32, #tpu.memory_space<hbm>> -> memref<624x32xf32, #tpu.memory_space<hbm>>
        %dma_start3A_95 = arith.constant 0 : i32
        %dma_start3A_96 = tpu.memref_slice %arg12[%mul3A_0, %dma_start3A_95] : memref<10000x32xf32, #tpu.memory_space<vmem_shared>> -> memref<624x32xf32, #tpu.memory_space<vmem_shared>>
        tpu.enqueue_dma source(%dma_start3A_96 : memref<624x32xf32, #tpu.memory_space<vmem_shared>>) target(%dma_start3A_94 : memref<624x32xf32, #tpu.memory_space<hbm>>) target_semaphore(%run_scoped3A : memref<!tpu.dma_semaphore, #tpu.memory_space<semaphore_mem>>)
        %dma_wait3A_97 = arith.constant 0 : i32
        %dma_wait3A_98 = tpu.memref_slice %arg5[%arg0, %mul3A_0, %dma_wait3A_97] : memref<2x10000x32xf32, #tpu.memory_space<hbm>> -> memref<1x624x32xf32, #tpu.memory_space<hbm>>
        %dma_wait3A_99 = tpu.memref_squeeze %dma_wait3A_98 : memref<1x624x32xf32, #tpu.memory_space<hbm>> -> memref<624x32xf32, #tpu.memory_space<hbm>>
        %dma_wait3A_100 = arith.constant 0 : i32
        %dma_wait3A_101 = tpu.memref_slice %arg12[%mul3A_0, %dma_wait3A_100] : memref<10000x32xf32, #tpu.memory_space<vmem_shared>> -> memref<624x32xf32, #tpu.memory_space<vmem_shared>>
        tpu.wait_dma2 semaphore(%run_scoped3A : memref<!tpu.dma_semaphore, #tpu.memory_space<semaphore_mem>>) src(%dma_wait3A_101 : memref<624x32xf32, #tpu.memory_space<vmem_shared>>) dst(%dma_wait3A_99 : memref<624x32xf32, #tpu.memory_space<hbm>>)
        tpu.yield
      }) : () -> ()
    } else {
    }
    %eq3A_88 = arith.constant 15 : i32
    %eq3A_89 = arith.cmpi eq, %arg1, %eq3A_88 : i32
    %convert_element_type3A_90 = arith.extui %eq3A_89 : i1 to i32
    %cond3A_91 = arith.constant 0 : i32
    %cond3A_92 = arith.cmpi ne, %convert_element_type3A_90, %cond3A_91 : i32
    scf.if %cond3A_92 {
      "tpu.region"() ({
        %run_scoped3A = tpu.sem_alloc : memref<!tpu.dma_semaphore, #tpu.memory_space<semaphore_mem>>
        %dma_start3A = arith.constant 9360 : i32
        %dma_start3A_93 = arith.constant 0 : i32
        %dma_start3A_94 = tpu.memref_slice %arg5[%arg0, %dma_start3A, %dma_start3A_93] : memref<2x10000x32xf32, #tpu.memory_space<hbm>> -> memref<1x640x32xf32, #tpu.memory_space<hbm>>
        %dma_start3A_95 = tpu.memref_squeeze %dma_start3A_94 : memref<1x640x32xf32, #tpu.memory_space<hbm>> -> memref<640x32xf32, #tpu.memory_space<hbm>>
        %dma_start3A_96 = arith.constant 9360 : i32
        %dma_start3A_97 = arith.constant 0 : i32
        %dma_start3A_98 = tpu.memref_slice %arg12[%dma_start3A_96, %dma_start3A_97] : memref<10000x32xf32, #tpu.memory_space<vmem_shared>> -> memref<640x32xf32, #tpu.memory_space<vmem_shared>>
        tpu.enqueue_dma source(%dma_start3A_98 : memref<640x32xf32, #tpu.memory_space<vmem_shared>>) target(%dma_start3A_95 : memref<640x32xf32, #tpu.memory_space<hbm>>) target_semaphore(%run_scoped3A : memref<!tpu.dma_semaphore, #tpu.memory_space<semaphore_mem>>)
        %dma_wait3A_99 = arith.constant 9360 : i32
        %dma_wait3A_100 = arith.constant 0 : i32
        %dma_wait3A_101 = tpu.memref_slice %arg5[%arg0, %dma_wait3A_99, %dma_wait3A_100] : memref<2x10000x32xf32, #tpu.memory_space<hbm>> -> memref<1x640x32xf32, #tpu.memory_space<hbm>>
        %dma_wait3A_102 = tpu.memref_squeeze %dma_wait3A_101 : memref<1x640x32xf32, #tpu.memory_space<hbm>> -> memref<640x32xf32, #tpu.memory_space<hbm>>
        %dma_wait3A_103 = arith.constant 9360 : i32
        %dma_wait3A_104 = arith.constant 0 : i32
        %dma_wait3A_105 = tpu.memref_slice %arg12[%dma_wait3A_103, %dma_wait3A_104] : memref<10000x32xf32, #tpu.memory_space<vmem_shared>> -> memref<640x32xf32, #tpu.memory_space<vmem_shared>>
        tpu.wait_dma2 semaphore(%run_scoped3A : memref<!tpu.dma_semaphore, #tpu.memory_space<semaphore_mem>>) src(%dma_wait3A_105 : memref<640x32xf32, #tpu.memory_space<vmem_shared>>) dst(%dma_wait3A_102 : memref<640x32xf32, #tpu.memory_space<hbm>>)
        tpu.yield
      }) : () -> ()
    } else {
    }
    return
  }
}

module attributes {stable_mosaic.version = 14 : i64} {
  func.func @body(%arg0: i32, %arg1: memref<5000x128xf32, #tpu.memory_space<vmem>>, %arg2: memref<64x128xf32, #tpu.memory_space<vmem>>, %arg3: memref<64x128xf32, #tpu.memory_space<vmem>>, %arg4: memref<128x128xf32, #tpu.memory_space<vmem>>, %arg5: memref<2x5000x64xf32, #tpu.memory_space<vmem>>, %arg6: memref<5000x128xf32, #tpu.memory_space<vmem>>) attributes {dimension_semantics = [#tpu.dimension_semantics<arbitrary>], iteration_bounds = array<i64: 2>, scalar_prefetch = 0 : i64, scratch_operands = 0 : i64, tpu.core_type = #tpu.core_type<tc>, window_params = [{transform_indices = @transform_0, window_bounds = array<i64: 5000, 128>}, {pipeline_mode = #tpu.pipeline_mode<synchronous>, transform_indices = @transform_1, window_bounds = array<i64: 64, 128>}, {pipeline_mode = #tpu.pipeline_mode<synchronous>, transform_indices = @transform_2, window_bounds = array<i64: 64, 128>}, {pipeline_mode = #tpu.pipeline_mode<synchronous>, transform_indices = @transform_3, window_bounds = array<i64: 128, 128>}, {transform_indices = @transform_4, window_bounds = array<i64: 2, 5000, 64>}, {transform_indices = @transform_5, window_bounds = array<i64: 5000, 128>}]} {
    %get3A = arith.constant 0 : index
    %get3A_0 = arith.constant 0 : index
    %get3A_1 = vector.load %arg1[%get3A, %get3A_0] : memref<5000x128xf32, #tpu.memory_space<vmem>>, vector<5000x128xf32>
    %get3A_2 = arith.constant 0 : index
    %get3A_3 = arith.constant 0 : index
    %get3A_4 = vector.load %arg2[%get3A_2, %get3A_3] : memref<64x128xf32, #tpu.memory_space<vmem>>, vector<64x128xf32>
    %dot_general3A = arith.constant dense<0.000000e+00> : vector<5000x64xf32>
    %dot_general3A_5 = tpu.matmul %get3A_1, %get3A_4, %dot_general3A {dimension_numbers = #tpu.dot_dimension_numbers<[1], [1], [0], [0], [0, 0, 1, 0], [], []>, transpose_lhs_hint = false} : vector<5000x128xf32>, vector<64x128xf32>, vector<5000x64xf32> -> vector<5000x64xf32>
    %swap3A = arith.constant 0 : index
    %swap3A_6 = arith.constant 0 : index
    %swap3A_7 = arith.constant 0 : index
    %swap3A_8 = vector.load %arg5[%swap3A, %swap3A_6, %swap3A_7] : memref<2x5000x64xf32, #tpu.memory_space<vmem>>, vector<1x5000x64xf32>
    %swap3A_9 = vector.shape_cast %swap3A_8 : vector<1x5000x64xf32> to vector<5000x64xf32>
    %swap3A_10 = vector.shape_cast %dot_general3A_5 : vector<5000x64xf32> to vector<1x5000x64xf32>
    tpu.vector_store %arg5[%swap3A, %swap3A_6, %swap3A_7], %swap3A_10 {strides = array<i32>} : memref<2x5000x64xf32, #tpu.memory_space<vmem>>, vector<1x5000x64xf32>,
    %get3A_11 = arith.constant 0 : index
    %get3A_12 = arith.constant 0 : index
    %get3A_13 = vector.load %arg3[%get3A_11, %get3A_12] : memref<64x128xf32, #tpu.memory_space<vmem>>, vector<64x128xf32>
    %dot_general3A_14 = arith.constant dense<0.000000e+00> : vector<5000x64xf32>
    %dot_general3A_15 = tpu.matmul %get3A_1, %get3A_13, %dot_general3A_14 {dimension_numbers = #tpu.dot_dimension_numbers<[1], [1], [0], [0], [0, 0, 1, 0], [], []>, transpose_lhs_hint = false} : vector<5000x128xf32>, vector<64x128xf32>, vector<5000x64xf32> -> vector<5000x64xf32>
    %swap3A_16 = arith.constant 1 : index
    %swap3A_17 = arith.constant 0 : index
    %swap3A_18 = arith.constant 0 : index
    %swap3A_19 = vector.load %arg5[%swap3A_16, %swap3A_17, %swap3A_18] : memref<2x5000x64xf32, #tpu.memory_space<vmem>>, vector<1x5000x64xf32>
    %swap3A_20 = vector.shape_cast %swap3A_19 : vector<1x5000x64xf32> to vector<5000x64xf32>
    %swap3A_21 = vector.shape_cast %dot_general3A_15 : vector<5000x64xf32> to vector<1x5000x64xf32>
    tpu.vector_store %arg5[%swap3A_16, %swap3A_17, %swap3A_18], %swap3A_21 {strides = array<i32>} : memref<2x5000x64xf32, #tpu.memory_space<vmem>>, vector<1x5000x64xf32>,
    %get3A_22 = arith.constant 0 : index
    %get3A_23 = arith.constant 0 : index
    %get3A_24 = vector.load %arg4[%get3A_22, %get3A_23] : memref<128x128xf32, #tpu.memory_space<vmem>>, vector<128x128xf32>
    %dot_general3A_25 = arith.constant dense<0.000000e+00> : vector<5000x128xf32>
    %dot_general3A_26 = tpu.matmul %get3A_1, %get3A_24, %dot_general3A_25 {dimension_numbers = #tpu.dot_dimension_numbers<[1], [1], [0], [0], [0, 0, 1, 0], [], []>, transpose_lhs_hint = false} : vector<5000x128xf32>, vector<128x128xf32>, vector<5000x128xf32> -> vector<5000x128xf32>
    %swap3A_27 = arith.constant 0 : index
    %swap3A_28 = arith.constant 0 : index
    %swap3A_29 = vector.load %arg6[%swap3A_27, %swap3A_28] : memref<5000x128xf32, #tpu.memory_space<vmem>>, vector<5000x128xf32>
    tpu.vector_store %arg6[%swap3A_27, %swap3A_28], %dot_general3A_26 {strides = array<i32>} : memref<5000x128xf32, #tpu.memory_space<vmem>>, vector<5000x128xf32>,
    return
  }
  func.func @transform_0(%arg0: i32) -> (i32, i32) {
    %c0_i32 = arith.constant 0 : i32
    %c0_i32_0 = arith.constant 0 : i32
    return %arg0, %c0_i32 : i32, i32
  }
  func.func @transform_1(%arg0: i32) -> (i32, i32) {
    %c0_i32 = arith.constant 0 : i32
    %c0_i32_0 = arith.constant 0 : i32
    %c0_i32_1 = arith.constant 0 : i32
    return %c0_i32, %c0_i32_0 : i32, i32
  }
  func.func @transform_2(%arg0: i32) -> (i32, i32) {
    %c0_i32 = arith.constant 0 : i32
    %c0_i32_0 = arith.constant 0 : i32
    %c0_i32_1 = arith.constant 0 : i32
    return %c0_i32, %c0_i32_0 : i32, i32
  }
  func.func @transform_3(%arg0: i32) -> (i32, i32) {
    %c0_i32 = arith.constant 0 : i32
    %c0_i32_0 = arith.constant 0 : i32
    %c0_i32_1 = arith.constant 0 : i32
    return %c0_i32, %c0_i32_0 : i32, i32
  }
  func.func @transform_4(%arg0: i32) -> (i32, i32, i32) {
    %c0_i32 = arith.constant 0 : i32
    %c0_i32_0 = arith.constant 0 : i32
    %c0_i32_1 = arith.constant 0 : i32
    return %c0_i32, %arg0, %c0_i32_0 : i32, i32, i32
  }
  func.func @transform_5(%arg0: i32) -> (i32, i32) {
    %c0_i32 = arith.constant 0 : i32
    %c0_i32_0 = arith.constant 0 : i32
    return %arg0, %c0_i32 : i32, i32
  }
}

module attributes {stable_mosaic.version = 14 : i64} {
  func.func @body(%arg0: i32, %arg1: memref<2x5000x64xf32, #tpu.memory_space<vmem>>, %arg2: memref<2x5000x16xf32, #tpu.memory_space<vmem>>, %arg3: memref<1x128xf32, #tpu.memory_space<vmem>>, %arg4: memref<5000x128xf32, #tpu.memory_space<vmem>>, %arg5: memref<32x128xf32, #tpu.memory_space<vmem>>, %arg6: memref<32x128xf32, #tpu.memory_space<vmem>>, %arg7: memref<64x128xf32, #tpu.memory_space<vmem>>, %arg8: memref<2x5000x32xf32, #tpu.memory_space<vmem>>, %arg9: memref<5000x64xf32, #tpu.memory_space<vmem>>) attributes {dimension_semantics = [#tpu.dimension_semantics<arbitrary>], iteration_bounds = array<i64: 2>, scalar_prefetch = 0 : i64, scratch_operands = 0 : i64, tpu.core_type = #tpu.core_type<tc>, window_params = [{transform_indices = @transform_0, window_bounds = array<i64: 2, 5000, 64>}, {transform_indices = @transform_1, window_bounds = array<i64: 2, 5000, 16>}, {pipeline_mode = #tpu.pipeline_mode<synchronous>, transform_indices = @transform_2, window_bounds = array<i64: 1, 128>}, {transform_indices = @transform_3, window_bounds = array<i64: 5000, 128>}, {pipeline_mode = #tpu.pipeline_mode<synchronous>, transform_indices = @transform_4, window_bounds = array<i64: 32, 128>}, {pipeline_mode = #tpu.pipeline_mode<synchronous>, transform_indices = @transform_5, window_bounds = array<i64: 32, 128>}, {pipeline_mode = #tpu.pipeline_mode<synchronous>, transform_indices = @transform_6, window_bounds = array<i64: 64, 128>}, {transform_indices = @transform_7, window_bounds = array<i64: 2, 5000, 32>}, {transform_indices = @transform_8, window_bounds = array<i64: 5000, 64>}]} {
    %get3A = arith.constant 0 : index
    %get3A_0 = arith.constant 0 : index
    %get3A_1 = arith.constant 0 : index
    %get3A_2 = vector.load %arg1[%get3A, %get3A_0, %get3A_1] : memref<2x5000x64xf32, #tpu.memory_space<vmem>>, vector<1x5000x64xf32>
    %get3A_3 = vector.shape_cast %get3A_2 : vector<1x5000x64xf32> to vector<5000x64xf32>
    %get3A_4 = arith.constant 1 : index
    %get3A_5 = arith.constant 0 : index
    %get3A_6 = arith.constant 0 : index
    %get3A_7 = vector.load %arg1[%get3A_4, %get3A_5, %get3A_6] : memref<2x5000x64xf32, #tpu.memory_space<vmem>>, vector<1x5000x64xf32>
    %get3A_8 = vector.shape_cast %get3A_7 : vector<1x5000x64xf32> to vector<5000x64xf32>
    %concatenate3A = tpu.concatenate %get3A_3, %get3A_8 in 1 : vector<5000x64xf32>, vector<5000x64xf32> -> vector<5000x128xf32>
    %get3A_9 = arith.constant 0 : index
    %get3A_10 = arith.constant 0 : index
    %get3A_11 = arith.constant 0 : index
    %get3A_12 = vector.load %arg2[%get3A_9, %get3A_10, %get3A_11] : memref<2x5000x16xf32, #tpu.memory_space<vmem>>, vector<1x5000x1xf32>
    %get3A_13 = vector.shape_cast %get3A_12 : vector<1x5000x1xf32> to vector<5000x1xf32>
    %get3A_14 = arith.constant 1 : index
    %get3A_15 = arith.constant 0 : index
    %get3A_16 = arith.constant 0 : index
    %get3A_17 = vector.load %arg2[%get3A_14, %get3A_15, %get3A_16] : memref<2x5000x16xf32, #tpu.memory_space<vmem>>, vector<1x5000x1xf32>
    %get3A_18 = vector.shape_cast %get3A_17 : vector<1x5000x1xf32> to vector<5000x1xf32>
    %add3A = arith.addf %get3A_13, %get3A_18 : vector<5000x1xf32>
    %max3A = arith.constant 1.000000e+00 : f32
    %max3A_19 = vector.broadcast %max3A : f32 to vector<5000x1xf32>
    %max3A_20 = arith.maximumf %add3A, %max3A_19 : vector<5000x1xf32>
    %div3A = vector.broadcast %max3A_20 : vector<5000x1xf32> to vector<5000x128xf32>
    %div3A_21 = arith.divf %concatenate3A, %div3A : vector<5000x128xf32>
    %get3A_22 = arith.constant 0 : index
    %get3A_23 = arith.constant 0 : index
    %get3A_24 = vector.load %arg3[%get3A_22, %get3A_23] : memref<1x128xf32, #tpu.memory_space<vmem>>, vector<1x128xf32>
    %add3A_25 = vector.broadcast %get3A_24 : vector<1x128xf32> to vector<5000x128xf32>
    %add3A_26 = arith.addf %div3A_21, %add3A_25 : vector<5000x128xf32>
    %get3A_27 = arith.constant 0 : index
    %get3A_28 = arith.constant 0 : index
    %get3A_29 = vector.load %arg4[%get3A_27, %get3A_28] : memref<5000x128xf32, #tpu.memory_space<vmem>>, vector<5000x128xf32>
    %add3A_30 = arith.addf %add3A_26, %get3A_29 : vector<5000x128xf32>
    %max3A_31 = arith.constant 0.000000e+00 : f32
    %max3A_32 = vector.broadcast %max3A_31 : f32 to vector<5000x128xf32>
    %max3A_33 = arith.maximumf %add3A_30, %max3A_32 : vector<5000x128xf32>
    %get3A_34 = arith.constant 0 : index
    %get3A_35 = arith.constant 0 : index
    %get3A_36 = vector.load %arg5[%get3A_34, %get3A_35] : memref<32x128xf32, #tpu.memory_space<vmem>>, vector<32x128xf32>
    %dot_general3A = arith.constant dense<0.000000e+00> : vector<5000x32xf32>
    %dot_general3A_37 = tpu.matmul %max3A_33, %get3A_36, %dot_general3A {dimension_numbers = #tpu.dot_dimension_numbers<[1], [1], [0], [0], [0, 0, 1, 0], [], []>, transpose_lhs_hint = false} : vector<5000x128xf32>, vector<32x128xf32>, vector<5000x32xf32> -> vector<5000x32xf32>
    %swap3A = arith.constant 0 : index
    %swap3A_38 = arith.constant 0 : index
    %swap3A_39 = arith.constant 0 : index
    %swap3A_40 = vector.load %arg8[%swap3A, %swap3A_38, %swap3A_39] : memref<2x5000x32xf32, #tpu.memory_space<vmem>>, vector<1x5000x32xf32>
    %swap3A_41 = vector.shape_cast %swap3A_40 : vector<1x5000x32xf32> to vector<5000x32xf32>
    %swap3A_42 = vector.shape_cast %dot_general3A_37 : vector<5000x32xf32> to vector<1x5000x32xf32>
    tpu.vector_store %arg8[%swap3A, %swap3A_38, %swap3A_39], %swap3A_42 {strides = array<i32>} : memref<2x5000x32xf32, #tpu.memory_space<vmem>>, vector<1x5000x32xf32>,
    %get3A_43 = arith.constant 0 : index
    %get3A_44 = arith.constant 0 : index
    %get3A_45 = vector.load %arg6[%get3A_43, %get3A_44] : memref<32x128xf32, #tpu.memory_space<vmem>>, vector<32x128xf32>
    %dot_general3A_46 = arith.constant dense<0.000000e+00> : vector<5000x32xf32>
    %dot_general3A_47 = tpu.matmul %max3A_33, %get3A_45, %dot_general3A_46 {dimension_numbers = #tpu.dot_dimension_numbers<[1], [1], [0], [0], [0, 0, 1, 0], [], []>, transpose_lhs_hint = false} : vector<5000x128xf32>, vector<32x128xf32>, vector<5000x32xf32> -> vector<5000x32xf32>
    %swap3A_48 = arith.constant 1 : index
    %swap3A_49 = arith.constant 0 : index
    %swap3A_50 = arith.constant 0 : index
    %swap3A_51 = vector.load %arg8[%swap3A_48, %swap3A_49, %swap3A_50] : memref<2x5000x32xf32, #tpu.memory_space<vmem>>, vector<1x5000x32xf32>
    %swap3A_52 = vector.shape_cast %swap3A_51 : vector<1x5000x32xf32> to vector<5000x32xf32>
    %swap3A_53 = vector.shape_cast %dot_general3A_47 : vector<5000x32xf32> to vector<1x5000x32xf32>
    tpu.vector_store %arg8[%swap3A_48, %swap3A_49, %swap3A_50], %swap3A_53 {strides = array<i32>} : memref<2x5000x32xf32, #tpu.memory_space<vmem>>, vector<1x5000x32xf32>,
    %get3A_54 = arith.constant 0 : index
    %get3A_55 = arith.constant 0 : index
    %get3A_56 = vector.load %arg7[%get3A_54, %get3A_55] : memref<64x128xf32, #tpu.memory_space<vmem>>, vector<64x128xf32>
    %dot_general3A_57 = arith.constant dense<0.000000e+00> : vector<5000x64xf32>
    %dot_general3A_58 = tpu.matmul %max3A_33, %get3A_56, %dot_general3A_57 {dimension_numbers = #tpu.dot_dimension_numbers<[1], [1], [0], [0], [0, 0, 1, 0], [], []>, transpose_lhs_hint = false} : vector<5000x128xf32>, vector<64x128xf32>, vector<5000x64xf32> -> vector<5000x64xf32>
    %swap3A_59 = arith.constant 0 : index
    %swap3A_60 = arith.constant 0 : index
    %swap3A_61 = vector.load %arg9[%swap3A_59, %swap3A_60] : memref<5000x64xf32, #tpu.memory_space<vmem>>, vector<5000x64xf32>
    tpu.vector_store %arg9[%swap3A_59, %swap3A_60], %dot_general3A_58 {strides = array<i32>} : memref<5000x64xf32, #tpu.memory_space<vmem>>, vector<5000x64xf32>,
    return
  }
  func.func @transform_0(%arg0: i32) -> (i32, i32, i32) {
    %c0_i32 = arith.constant 0 : i32
    %c0_i32_0 = arith.constant 0 : i32
    %c0_i32_1 = arith.constant 0 : i32
    return %c0_i32, %arg0, %c0_i32_0 : i32, i32, i32
  }
  func.func @transform_1(%arg0: i32) -> (i32, i32, i32) {
    %c0_i32 = arith.constant 0 : i32
    %c0_i32_0 = arith.constant 0 : i32
    %c0_i32_1 = arith.constant 0 : i32
    return %c0_i32, %arg0, %c0_i32_0 : i32, i32, i32
  }
  func.func @transform_2(%arg0: i32) -> (i32, i32) {
    %c0_i32 = arith.constant 0 : i32
    %c0_i32_0 = arith.constant 0 : i32
    %c0_i32_1 = arith.constant 0 : i32
    return %c0_i32, %c0_i32_0 : i32, i32
  }
  func.func @transform_3(%arg0: i32) -> (i32, i32) {
    %c0_i32 = arith.constant 0 : i32
    %c0_i32_0 = arith.constant 0 : i32
    return %arg0, %c0_i32 : i32, i32
  }
  func.func @transform_4(%arg0: i32) -> (i32, i32) {
    %c0_i32 = arith.constant 0 : i32
    %c0_i32_0 = arith.constant 0 : i32
    %c0_i32_1 = arith.constant 0 : i32
    return %c0_i32, %c0_i32_0 : i32, i32
  }
  func.func @transform_5(%arg0: i32) -> (i32, i32) {
    %c0_i32 = arith.constant 0 : i32
    %c0_i32_0 = arith.constant 0 : i32
    %c0_i32_1 = arith.constant 0 : i32
    return %c0_i32, %c0_i32_0 : i32, i32
  }
  func.func @transform_6(%arg0: i32) -> (i32, i32) {
    %c0_i32 = arith.constant 0 : i32
    %c0_i32_0 = arith.constant 0 : i32
    %c0_i32_1 = arith.constant 0 : i32
    return %c0_i32, %c0_i32_0 : i32, i32
  }
  func.func @transform_7(%arg0: i32) -> (i32, i32, i32) {
    %c0_i32 = arith.constant 0 : i32
    %c0_i32_0 = arith.constant 0 : i32
    %c0_i32_1 = arith.constant 0 : i32
    return %c0_i32, %arg0, %c0_i32_0 : i32, i32, i32
  }
  func.func @transform_8(%arg0: i32) -> (i32, i32) {
    %c0_i32 = arith.constant 0 : i32
    %c0_i32_0 = arith.constant 0 : i32
    return %arg0, %c0_i32 : i32, i32
  }
}

module attributes {stable_mosaic.version = 14 : i64} {
  func.func @body(%arg0: i32, %arg1: memref<2x5000x32xf32, #tpu.memory_space<vmem>>, %arg2: memref<2x5000x16xf32, #tpu.memory_space<vmem>>, %arg3: memref<1x64xf32, #tpu.memory_space<vmem>>, %arg4: memref<5000x64xf32, #tpu.memory_space<vmem>>, %arg5: memref<128x64xf32, #tpu.memory_space<vmem>>, %arg6: memref<1x128xf32, #tpu.memory_space<vmem>>, %arg7: memref<5000x64xf32, #tpu.memory_space<vmem>>, %arg8: memref<5000x128xf32, #tpu.memory_space<vmem>>) attributes {dimension_semantics = [#tpu.dimension_semantics<arbitrary>], iteration_bounds = array<i64: 2>, scalar_prefetch = 0 : i64, scratch_operands = 0 : i64, tpu.core_type = #tpu.core_type<tc>, window_params = [{transform_indices = @transform_0, window_bounds = array<i64: 2, 5000, 32>}, {transform_indices = @transform_1, window_bounds = array<i64: 2, 5000, 16>}, {pipeline_mode = #tpu.pipeline_mode<synchronous>, transform_indices = @transform_2, window_bounds = array<i64: 1, 64>}, {transform_indices = @transform_3, window_bounds = array<i64: 5000, 64>}, {pipeline_mode = #tpu.pipeline_mode<synchronous>, transform_indices = @transform_4, window_bounds = array<i64: 128, 64>}, {pipeline_mode = #tpu.pipeline_mode<synchronous>, transform_indices = @transform_5, window_bounds = array<i64: 1, 128>}, {transform_indices = @transform_6, window_bounds = array<i64: 5000, 64>}, {transform_indices = @transform_7, window_bounds = array<i64: 5000, 128>}]} {
    %get3A = arith.constant 0 : index
    %get3A_0 = arith.constant 0 : index
    %get3A_1 = arith.constant 0 : index
    %get3A_2 = vector.load %arg1[%get3A, %get3A_0, %get3A_1] : memref<2x5000x32xf32, #tpu.memory_space<vmem>>, vector<1x5000x32xf32>
    %get3A_3 = vector.shape_cast %get3A_2 : vector<1x5000x32xf32> to vector<5000x32xf32>
    %get3A_4 = arith.constant 1 : index
    %get3A_5 = arith.constant 0 : index
    %get3A_6 = arith.constant 0 : index
    %get3A_7 = vector.load %arg1[%get3A_4, %get3A_5, %get3A_6] : memref<2x5000x32xf32, #tpu.memory_space<vmem>>, vector<1x5000x32xf32>
    %get3A_8 = vector.shape_cast %get3A_7 : vector<1x5000x32xf32> to vector<5000x32xf32>
    %concatenate3A = tpu.concatenate %get3A_3, %get3A_8 in 1 : vector<5000x32xf32>, vector<5000x32xf32> -> vector<5000x64xf32>
    %get3A_9 = arith.constant 0 : index
    %get3A_10 = arith.constant 0 : index
    %get3A_11 = arith.constant 0 : index
    %get3A_12 = vector.load %arg2[%get3A_9, %get3A_10, %get3A_11] : memref<2x5000x16xf32, #tpu.memory_space<vmem>>, vector<1x5000x1xf32>
    %get3A_13 = vector.shape_cast %get3A_12 : vector<1x5000x1xf32> to vector<5000x1xf32>
    %get3A_14 = arith.constant 1 : index
    %get3A_15 = arith.constant 0 : index
    %get3A_16 = arith.constant 0 : index
    %get3A_17 = vector.load %arg2[%get3A_14, %get3A_15, %get3A_16] : memref<2x5000x16xf32, #tpu.memory_space<vmem>>, vector<1x5000x1xf32>
    %get3A_18 = vector.shape_cast %get3A_17 : vector<1x5000x1xf32> to vector<5000x1xf32>
    %add3A = arith.addf %get3A_13, %get3A_18 : vector<5000x1xf32>
    %max3A = arith.constant 1.000000e+00 : f32
    %max3A_19 = vector.broadcast %max3A : f32 to vector<5000x1xf32>
    %max3A_20 = arith.maximumf %add3A, %max3A_19 : vector<5000x1xf32>
    %div3A = vector.broadcast %max3A_20 : vector<5000x1xf32> to vector<5000x64xf32>
    %div3A_21 = arith.divf %concatenate3A, %div3A : vector<5000x64xf32>
    %get3A_22 = arith.constant 0 : index
    %get3A_23 = arith.constant 0 : index
    %get3A_24 = vector.load %arg3[%get3A_22, %get3A_23] : memref<1x64xf32, #tpu.memory_space<vmem>>, vector<1x64xf32>
    %add3A_25 = vector.broadcast %get3A_24 : vector<1x64xf32> to vector<5000x64xf32>
    %add3A_26 = arith.addf %div3A_21, %add3A_25 : vector<5000x64xf32>
    %get3A_27 = arith.constant 0 : index
    %get3A_28 = arith.constant 0 : index
    %get3A_29 = vector.load %arg4[%get3A_27, %get3A_28] : memref<5000x64xf32, #tpu.memory_space<vmem>>, vector<5000x64xf32>
    %add3A_30 = arith.addf %add3A_26, %get3A_29 : vector<5000x64xf32>
    %swap3A = arith.constant 0 : index
    %swap3A_31 = arith.constant 0 : index
    %swap3A_32 = vector.load %arg7[%swap3A, %swap3A_31] : memref<5000x64xf32, #tpu.memory_space<vmem>>, vector<5000x64xf32>
    tpu.vector_store %arg7[%swap3A, %swap3A_31], %add3A_30 {strides = array<i32>} : memref<5000x64xf32, #tpu.memory_space<vmem>>, vector<5000x64xf32>,
    %get3A_33 = arith.constant 0 : index
    %get3A_34 = arith.constant 0 : index
    %get3A_35 = vector.load %arg5[%get3A_33, %get3A_34] : memref<128x64xf32, #tpu.memory_space<vmem>>, vector<128x64xf32>
    %dot_general3A = arith.constant dense<0.000000e+00> : vector<5000x128xf32>
    %dot_general3A_36 = tpu.matmul %add3A_30, %get3A_35, %dot_general3A {dimension_numbers = #tpu.dot_dimension_numbers<[1], [1], [0], [0], [0, 0, 1, 0], [], []>, transpose_lhs_hint = false} : vector<5000x64xf32>, vector<128x64xf32>, vector<5000x128xf32> -> vector<5000x128xf32>
    %get3A_37 = arith.constant 0 : index
    %get3A_38 = arith.constant 0 : index
    %get3A_39 = vector.load %arg6[%get3A_37, %get3A_38] : memref<1x128xf32, #tpu.memory_space<vmem>>, vector<1x128xf32>
    %add3A_40 = vector.broadcast %get3A_39 : vector<1x128xf32> to vector<5000x128xf32>
    %add3A_41 = arith.addf %dot_general3A_36, %add3A_40 : vector<5000x128xf32>
    %swap3A_42 = arith.constant 0 : index
    %swap3A_43 = arith.constant 0 : index
    %swap3A_44 = vector.load %arg8[%swap3A_42, %swap3A_43] : memref<5000x128xf32, #tpu.memory_space<vmem>>, vector<5000x128xf32>
    tpu.vector_store %arg8[%swap3A_42, %swap3A_43], %add3A_41 {strides = array<i32>} : memref<5000x128xf32, #tpu.memory_space<vmem>>, vector<5000x128xf32>,
    return
  }
  func.func @transform_0(%arg0: i32) -> (i32, i32, i32) {
    %c0_i32 = arith.constant 0 : i32
    %c0_i32_0 = arith.constant 0 : i32
    %c0_i32_1 = arith.constant 0 : i32
    return %c0_i32, %arg0, %c0_i32_0 : i32, i32, i32
  }
  func.func @transform_1(%arg0: i32) -> (i32, i32, i32) {
    %c0_i32 = arith.constant 0 : i32
    %c0_i32_0 = arith.constant 0 : i32
    %c0_i32_1 = arith.constant 0 : i32
    return %c0_i32, %arg0, %c0_i32_0 : i32, i32, i32
  }
  func.func @transform_2(%arg0: i32) -> (i32, i32) {
    %c0_i32 = arith.constant 0 : i32
    %c0_i32_0 = arith.constant 0 : i32
    %c0_i32_1 = arith.constant 0 : i32
    return %c0_i32, %c0_i32_0 : i32, i32
  }
  func.func @transform_3(%arg0: i32) -> (i32, i32) {
    %c0_i32 = arith.constant 0 : i32
    %c0_i32_0 = arith.constant 0 : i32
    return %arg0, %c0_i32 : i32, i32
  }
  func.func @transform_4(%arg0: i32) -> (i32, i32) {
    %c0_i32 = arith.constant 0 : i32
    %c0_i32_0 = arith.constant 0 : i32
    %c0_i32_1 = arith.constant 0 : i32
    return %c0_i32, %c0_i32_0 : i32, i32
  }
  func.func @transform_5(%arg0: i32) -> (i32, i32) {
    %c0_i32 = arith.constant 0 : i32
    %c0_i32_0 = arith.constant 0 : i32
    %c0_i32_1 = arith.constant 0 : i32
    return %c0_i32, %c0_i32_0 : i32, i32
  }
  func.func @transform_6(%arg0: i32) -> (i32, i32) {
    %c0_i32 = arith.constant 0 : i32
    %c0_i32_0 = arith.constant 0 : i32
    return %arg0, %c0_i32 : i32, i32
  }
  func.func @transform_7(%arg0: i32) -> (i32, i32) {
    %c0_i32 = arith.constant 0 : i32
    %c0_i32_0 = arith.constant 0 : i32
    return %arg0, %c0_i32 : i32, i32
  }
}

</mosaic_0001>

<sc_bundles>
// kernel: kernel.10.cloned.1.call-start
scs
__scs_entry_jumppad:
0x0: {  	(pc) =	sbr.rel $0x88, $3  }
0x1: {  	(tag) =	ssettag $0x0;
	lr =	simm.s32 $0x1  }
0x2: {  	[smem:$0x3F97] =	sst lr;
	_ =	strace $0xD0000000  }
0x3: {  	_ = 	snop  }
0x4: {  	_ = 	snop  }
0x5: {  	_ = 	snop  }
0x6: {  	_ = 	snop  }
0x7: {  	_ = 	snop  }
__scs_overlays_trampoline_lowered:
0x8: {  	[smem:$0x3FA6] =	sst s0  }
0x9: {  	[smem:$0x3FA7] =	sst s1  }
0xa: {  	[smem:$0x3FA8] =	sst s2  }
0xb: {  	[smem:$0x3FA9] =	sst s3  }
0xc: {  	[smem:$0x3FAA] =	sst s4  }
0xd: {  	[smem:$0x3FAB] =	sst s5  }
0xe: {  	[smem:$0x3FAC] =	sst s6  }
0xf: {  	[smem:$0x3FAD] =	sst s7  }
0x10: {  	[smem:$0x3FAE] =	sst s8  }
0x11: {  	[smem:$0x3FAF] =	sst s9;
	s0 =	simm.s32 @!p0 $0x0  }
0x12: {  	s1 =	sld [smem:$0x3F95];
	s0 =	simm.s32 @p0 $0x1  }
0x13: {  	[smem:$0x3FB0] =	sst s0;
	s0 =	simm.s32 @!p1 $0x0  }
0x14: {  	s2 =	sld [smem:$0x3F94];
	s0 =	simm.s32 @p1 $0x1  }
0x15: {  	[smem:$0x3FB1] =	sst s0;
	s0 =	simm.s32 @!p2 $0x0  }
0x16: {  	s3 =	sld [smem:$0x3FDB];
	s0 =	simm.s32 @p2 $0x1  }
0x17: {  	s4 =	simm.s32 $0x1BF5;
	[smem:$0x3FB3] =	sst s0  }
0x18: {  	s0 =	sld [smem:$0x3F96];
	_ =	swait.ge [sflag:s4], $0x0  }
0x19: {  	s7 =	sld [smem:$0x3F97]  }
0x1a: {  	s8 =	sadd.s32 $0xFFFFE003, lr  }
0x1b: {  	s9 =	sadd.s32 $0xFFFFFEF7, lr;
	s5 =	simm.s32 $0xFFFFFFFF;
	p2 =	slt.u32 s8, $0xFFFFF086  }
0x1c: {  	p1 =	slt.u32 s9, $0xF7A;
	s5 =	simm.s32 @!p2 $0x0  }
0x1d: {  	s5 =	simm.s32 @p1 $0x1;
	p0 =	seq.s32 s7, s2  }
0x1e: {  	s7 =	smul.u32 @!p0 $0xF7A, s2;
	p2 =	seq.s32 @!p0 s5, $0x0  }
0x1f: {  	s9 =	smul.u32 $0xF7A, s1;
	s8 =	simm.s32 @!p0 $0x1BF5;
	p2 =	por !p2, p0  }
0x20: {  	[sflag:s8] =	ssyncset.s32 @!p0 $0xFFFFF086;
	s6 =	sadd.s32 @!p0 s3, s7;
	s7 =	simm.s32 @!p0 $0x108  }
0x21: {  	s3 =	sadd.s32 s3, s9;
	s6 =	sadd.s32 @!p0 $0x88, s6;
	s7 =	simm.s32 @p2 $0x1082  }
0x22: {  	[simem:s7], [sflag:s8] =	dma.local @!p0 [hbm:s6], $0xF7A  }
0x23: {  	s9 =	sor.u32 $0xD0000000, s2;
	s6 =	simm.s32 $0x108;
	_ =	swait.ge @!p0 [sflag:s8], $0x0  }
0x24: {  	s3 =	sadd.s32 $0x88, s3;
	s6 =	simm.s32 @!p1 $0x1082;
	[sflag:s4] =	ssyncset.s32 $0xFFFFF086  }
0x25: {  	[simem:s6], [sflag:s4] =	dma.local [hbm:s3], $0xF7A  }
0x26: {  	[smem:$0x3F97] =	sst s1;
	(tag) =	ssettag s2;
	_ =	strace s9  }
0x27: {  	s1 =	sld [smem:$0x3FA7]  }
0x28: {  	s2 =	sld [smem:$0x3FA8]  }
0x29: {  	s4 =	sld [smem:$0x3FAA]  }
0x2a: {  	p0 =	seq.s32 s5, $0x0;
	s5 =	sld [smem:$0x3FAB]  }
0x2b: {  	s6 =	sld [smem:$0x3FAC]  }
0x2c: {  	s7 =	sld [smem:$0x3FAD]  }
0x2d: {  	s3 =	simm.s32 $0x108;
	s8 =	sld [smem:$0x3FAE]  }
0x2e: {  	s3 =	simm.s32 @!p0 $0x1082;
	s9 =	sld [smem:$0x3FAF]  }
0x2f: {  	lr =	sadd.s32 s0, s3;
	s0 =	sld [smem:$0x3FA6]  }
0x30: {  	s3 =	sld [smem:$0x3FA9]  }
0x31: {  	[smem:$0x3FB2] =	sst s10  }
0x32: {  	s10 =	sld [smem:$0x3FB0];
	_ =	sdelay $0x3  }
0x33: {  	p0 =	seq.s32 s10, $0x1;
	s10 =	sld [smem:$0x3FB2];
	_ =	sdelay $0x3  }
0x34: {  	[smem:$0x3FB2] =	sst s10  }
0x35: {  	s10 =	sld [smem:$0x3FB1];
	_ =	sdelay $0x3  }
0x36: {  	p1 =	seq.s32 s10, $0x1;
	s10 =	sld [smem:$0x3FB2];
	_ =	sdelay $0x3  }
0x37: {  	[smem:$0x3FB2] =	sst s10  }
0x38: {  	s10 =	sld [smem:$0x3FB3]  }
0x39: {  	_ = 	snop;
	(pc) =	sbr.ind lr, $3  }
0x3a: {  	_ = 	snop  }
0x3b: {  	_ = 	snop  }
0x3c: {  	p2 =	seq.s32 s10, $0x1;
	s10 =	sld [smem:$0x3FB2]  }
0x3d: {  	_ =	shalt  }
0x3e: {  	_ =	shalt  }
0x3f: {  	_ =	shalt  }
0x40: {  	_ =	shalt  }
0x41: {  	_ =	shalt  }
0x42: {  	_ =	shalt  }
0x43: {  	_ =	shalt  }
0x44: {  	_ =	shalt  }
0x45: {  	_ =	shalt  }
0x46: {  	_ =	shalt  }
0x47: {  	_ =	shalt  }
0x48: {  	_ =	shalt  }
0x49: {  	_ =	shalt  }
0x4a: {  	_ =	shalt  }
0x4b: {  	_ =	shalt  }
0x4c: {  	_ =	shalt  }
0x4d: {  	_ =	shalt  }
0x4e: {  	_ =	shalt  }
0x4f: {  	_ =	shalt  }
0x50: {  	_ =	shalt  }
0x51: {  	_ =	shalt  }
0x52: {  	_ =	shalt  }
0x53: {  	_ =	shalt  }
0x54: {  	_ =	shalt  }
0x55: {  	_ =	shalt  }
0x56: {  	_ =	shalt  }
0x57: {  	_ =	shalt  }
0x58: {  	_ =	shalt  }
0x59: {  	_ =	shalt  }
0x5a: {  	_ =	shalt  }
0x5b: {  	_ =	shalt  }
0x5c: {  	_ =	shalt  }
0x5d: {  	_ =	shalt  }
0x5e: {  	_ =	shalt  }
0x5f: {  	_ =	shalt  }
0x60: {  	_ =	shalt  }
0x61: {  	_ =	shalt  }
0x62: {  	_ =	shalt  }
0x63: {  	_ =	shalt  }
0x64: {  	_ =	shalt  }
0x65: {  	_ =	shalt  }
0x66: {  	_ =	shalt  }
0x67: {  	_ =	shalt  }
0x68: {  	_ =	shalt  }
0x69: {  	_ =	shalt  }
0x6a: {  	_ =	shalt  }
0x6b: {  	_ =	shalt  }
0x6c: {  	_ =	shalt  }
0x6d: {  	_ =	shalt  }
0x6e: {  	_ =	shalt  }
0x6f: {  	_ =	shalt  }
0x70: {  	_ =	shalt  }
0x71: {  	_ =	shalt  }
0x72: {  	_ =	shalt  }
0x73: {  	_ =	shalt  }
0x74: {  	_ =	shalt  }
0x75: {  	_ =	shalt  }
0x76: {  	_ =	shalt  }
0x77: {  	_ =	shalt  }
0x78: {  	_ =	shalt  }
0x79: {  	_ =	shalt  }
0x7a: {  	_ =	shalt  }
0x7b: {  	_ =	shalt  }
0x7c: {  	_ =	shalt  }
0x7d: {  	_ =	shalt  }
0x7e: {  	_ =	shalt  }
0x7f: {  	_ =	shalt  }
0x80: {  	_ =	shalt  }
0x81: {  	_ =	shalt  }
0x82: {  	_ =	shalt  }
0x83: {  	_ =	shalt  }
0x84: {  	_ =	shalt  }
0x85: {  	_ =	shalt  }
0x86: {  	_ =	shalt  }
0x87: {  	_ =	shalt  }
.Lfunc_end0:
.L_simem_size_0:
called_computation.1_lowered:
.L_overlay_start_0:
0x88: {  	s2 =	sld [smem:$0x3FD9]  }
0x89: {  	s3 =	sld [smem:$0x3FFE];
	_ =	sdelay $0x1  }
0x8a: {  	s1 =	srdreg.scid  }
0x8b: {  	s0 =	sand.u32 $0x1, s1  }
0x8c: {  	s14 =	sshll.u32 s0, $0xA;
	s2 =	sadd.s32 s3, s2  }
0x8d: {  	s2 =	sadd.s32 s2, s14  }
0x8e: {  	[smem:$0x3FBE] =	sst s2  }
0x8f: {  	_ = 	snop  }
0x90: {  	s2 =	sld [smem:$0x3FD0];
	_ =	sdelay $0x2  }
0x91: {  	s15 =	simm.s32 $0xA;
	s4 =	simm.s32 $0x10  }
0x92: {  	[smem:s4], [sflag:s15] =	dma.local [hbm:s2], $0x1  }
0x93: {  	_ =	swait.eq [sflag:s15], $0x1  }
0x94: {  	[sflag:s15] =	ssyncset.done $0x0  }
0x95: {  	s16 =	sld [smem:$0x10];
	[sflag:s15] =	ssyncadd.s32 $0xFFFFFFFF  }
0x96: {  	s17 =	sld [smem:$0x11];
	(tm) =	ssettm $0x1  }
0x97: {  	s18 =	sld [smem:$0x3FFB];
	_ =	sdelay $0x3  }
0x98: {  	_ =	strace s18  }
0x99: {  	s4 =	sld [smem:$0x3FFC];
	_ =	sdelay $0x3  }
0x9a: {  	_ =	strace s4  }
0x9b: {  	s4 =	sld [smem:$0x3FFD];
	_ =	sdelay $0x3  }
0x9c: {  	_ =	strace s4  }
0x9d: {  	_ =	strace $0x8FFFFFFF  }
0x9e: {  	s19 =	sld [smem:$0x3FDB];
	_ =	sdelay $0x1  }
0x9f: {  	s5 =	simm.s32 $_scs_section_size  }
0xa0: {  	s6 =	simm.s32 $_size__tile_overlayer_lowered;
	s7 =	simm.s32 $_tile_overlayer_lowered  }
0xa1: {  	s22 =	simm.s32 $0x1BFF;
	s21 =	sshll.u32 s7, $0x1;
	s4 =	sadd.s32 s5, s19  }
0xa2: {  	s8 =	simm.s32 $0x0;
	s20 =	sshll.u32 s6, $0x1;
	s6 =	sadd.s32 s21, s4  }
0xa3: {  	[timem:s8], [sflag:s22] =	dma.local [hbm:s6], s20  }
0xa4: {  	_ =	swait.ge [sflag:s22], s20  }
0xa5: {  	s5 =	ssub.s32 $0x0, s20;
	[sflag:s22] =	ssyncset.done $0x0  }
0xa6: {  	[sflag:s22] =	ssyncadd.s32 s5;
	_ =	sdelay $0x1  }
0xa7: {  	s23 =	simm.s32 $0x1B8B  }
0xa8: {  	_ =	swait.ge [sflag:s23], $0x1  }
0xa9: {  	[sflag:s23] =	ssyncset.done $0x0  }
0xaa: {  	s25 =	simm.s32 $0x1B8E;
	s24 =	sld [smem:$0x3FFE];
	[sflag:s23] =	ssyncadd.s32 $0xFFFFFFFF  }
0xab: {  	s26 =	simm.s32 $execute0_lowered;
	[smem:$0x3FD2] =	sst s25  }
0xac: {  	s6 =	sshll.u32 s26, $0x1;
	_ =	strace $0x80000049;
	[dreg:$0x1] =	wrdreg $0xFFFFFFFF  }
0xad: {  	s28 =	simm.s32 $_size_execute0_lowered;
	s4 =	sadd.s32 s4, s6;
	[dreg:$0x0] =	wrdreg $0x0  }
0xae: {  	s6 =	sshll.u32 s28, $0x1;
	[dreg:$0x2] =	wrdreg s4  }
0xaf: {  	[dreg:$0x3] =	wrdreg s6  }
0xb0: {  	[dreg:$0x4] =	wrdreg $0xC0  }
0xb1: {  	_ =	task [dreg:s8], $0x5FFFF  }
0xb2: {  	[dreg:$0x1] =	wrdreg $0xFFFFFFFF  }
0xb3: {  	[dreg:$0x0] =	wrdreg $0x60  }
0xb4: {  	[dreg:$0x2] =	wrdreg s17  }
0xb5: {  	[dreg:$0x3] =	wrdreg s16  }
0xb6: {  	[dreg:$0x4] =	wrdreg s24  }
0xb7: {  	[dreg:$0x5] =	wrdreg $0xDD000  }
0xb8: {  	[dreg:$0x6] =	wrdreg $0x9  }
0xb9: {  	_ =	task.clear_ibuf [dreg:s8], $0x7FFFF;
	_ =	strace $0x90000049  }
0xba: {  	s29 =	simm.s32 $0x9;
	_ =	strace $0x8000004B  }
0xbb: {  	_ =	swait.ge [sflag:s29], $0x1  }
0xbc: {  	[sflag:s29] =	ssyncadd.s32 $0xFFFFFFFF  }
0xbd: {  	_ =	strace $0x9000004B  }
0xbe: {  	_ =	sfence  }
0xbf: {  	s30 =	sld [smem:$0x0];
	_ =	sdelay $0x2  }
0xc0: {  	s31 =	sshll.u32 s1, $0xD;
	s1 =	sshrl.u32 s1, $0x2  }
0xc1: {  	s3 =	sand.u32 $0x4000, s31;
	s1 =	sadd.s32 s1, s30  }
0xc2: {  	s0 =	sor.u32 s3, s0;
	s1 =	sshll.u32 s1, $0x11  }
0xc3: {  	s0 =	sor.u32 s1, s0  }
0xc4: {  	s0 =	sadd.s32 $0x8F2B, s0  }
0xc5: {  	[sflag:s0] =	ssyncadd.remote.s32 $0x1  }
0xc6: {  	_ =	sfence.sel $0xFFFF  }
0xc7: {  	[dreg:$0x0] =	wrdreg $0xFFFFFFFF;
	(pc) =	sbr.abs _section_cstart, $3  }
0xc8: {  	[dreg:$0x1] =	wrdreg $0xFFFFFFFF  }
0xc9: {  	_ =	task.clear_ibuf [dreg:s8], $0x2FFFF;
	_ =	strace $0x9FFFFFFF  }
0xca: {  	(tm) =	ssettm $0x7FFFFFFF  }
0xcb: {  	_ =	shalt  }
tec
execute0_lowered:
.L_overlay_start_1:
0x0: {  	(tag) =	ssettag $0x1  }
0x1: {  	s1 =	rddreg [dreg:$0x0]  }
0x2: {  	s0 =	rddreg [dreg:$0x1]  }
0x3: {  	s6 =	rddreg [dreg:$0x2]  }
0x4: {  	s3 =	rddreg [dreg:$0x3];
	s2 =	stileid.u32  }
0x5: {  	s5 =	srdreg.scid;
	s4 =	simm.s32 $0x0;
	s18 =	simm.s32 $0x9  }
0x6: {  	s21 =	simm.s32 $0x80;
	s28 =	simm.s32 $0x2;
	s29 =	simm.s32 $0x3  }
0x7: {  	s30 =	simm.s32 $0x4;
	s31 =	simm.s32 $0x8;
	s9 =	smul.u32 $0x4E00, s2  }
0x8: {  	s17 =	sand.u32 $0x1, s5;
	[smem:$0x7FF] =	sst s4;
	s13 =	sadd.s32 $0xC400, s6  }
0x9: {  	s10 =	smul.u32 $0x9C, s2;
	p0 =	sgt.u32 s2, $0x3;
	s11 =	smin.u32 s2, $0x4  }
0xa: {  	s12 =	sadd.s32 $0x9C40, s1;
	p1 =	sne.s32 s2, $0xF;
	p3 =	seq.s32 s2, $0xF  }
0xb: {  	s5 =	ssub.s32 $0x2, s17;
	_ =	strace $0x8000004A;
	s22 =	smul.u32 $0x4E200, s17  }
0xc: {  	p2 =	seq.s32 s17, $0x0;
	s19 =	smov.u32 s12;
	s7 =	sshrl.u32 s9, $0x3  }
0xd: {  	s8 =	sshrl.u32 s5, $0x1;
	s10 =	sadd.s32 s11, s10;
	s19 =	smov.u32 @p2 s1  }
0xe: {  	p2 =	sne.s32 s17, $0x0;
	s7 =	sadd.s32 s7, s6;
	s15 =	ssub.s32 s5, s8  }
0xf: {  	s5 =	sadd.s32 s9, s3;
	s8 =	simm.s32 $0x9C;
	s6 =	sadd.s32 $0xB840, s6  }
0x10: {  	s23 =	sshll.u32 s10, $0x4;
	s24 =	sadd.s32 s9, s22;
	s25 =	sshrl.u32 s22, $0x3  }
0x11: {  	s22 =	simm.s32 $0x9D00;
	s7 =	sadd.s32 $0x2600, s7;
	[dreg:$0x6] =	wrdreg s6  }
0x12: {  	s8 =	simm.s32 @!p0 $0x9D;
	s10 =	sadd.s32 s0, s23;
	s0 =	sshrl.u32 s24, $0x3  }
.Ltmp0:
0x13: {  	s6 =	sadd.s32 s13, s25;
	s15 =	smax.u32 s15, $0x1;
	(pc) =	sbr.rel .LBB2_1-.Ltmp0, $4  }
0x14: {  	s23 =	simm.s32 $0xAD00;
	s24 =	simm.s32 $0xBD00;
	s25 =	simm.s32 $0x1  }
0x15: {  	[dreg:$0x5] =	wrdreg s7;
	s7 =	sadd.s32 $0x49200, s3;
	s11 =	sadd.s32 $0x9C40, s10  }
0x16: {  	s13 =	sadd.s32 s13, s0;
	s14 =	sadd.s32 $0x9240, s6;
	s26 =	sshrl.u32 s7, $0x3  }
0x17: {  	s0 =	simm.s32 $0x0;
	[dreg:$0x7] =	wrdreg s26;
	s26 =	simm.s32 $0xCD00  }
.LBB2_11:
0x18: {  	s2 =	simm.s32 @p0 $0x5  }
0x19: {  	_ =	swait.ge @p0 [sflag:s2], $0x1000  }
0x1a: {  	[sflag:s2] =	ssyncset.done @p0 $0x0  }
0x1b: {  	[sflag:s2] =	ssyncadd.s32 @p0 $0xFFFFF000;
	s2 =	simm.s32 @!p0 $0x7  }
0x1c: {  	_ =	swait.ge @!p0 [sflag:s2], $0x1000  }
0x1d: {  	[sflag:s2] =	ssyncset.done @!p0 $0x0  }
0x1e: {  	[sflag:s2] =	ssyncadd.s32 @!p0 $0xFFFFF000;
	s2 =	simm.s32 @!p0 $0x1  }
0x1f: {  	_ =	swait.ge @!p0 [sflag:s2], $0x1000  }
0x20: {  	s6 =	simm.s32 @!p0 $0x9C80;
	[sflag:s2] =	ssyncset.done @!p0 $0x0  }
0x21: {  	s9 =	simm.s32 @!p0 $0x9D00;
	[sflag:s2] =	ssyncadd.s32 @!p0 $0xFFFFF000;
	s2 =	simm.s32 @!p0 $0x80  }
0x22: {  	[spmem:s3] =	stream.indirect.scatter.add.f32 @!p0 [tilespmem:s9], [sflag:$0x5], $0x20, s6, s2, $0xb8;
	[tilespmem:$0x12B20] =	vst v63  }
0x23: {  	s2 =	simm.s32 @!p0 $0x5  }
0x24: {  	s2 =	simm.s32 @p0 $0x6  }
0x25: {  	_ =	swait.ge [sflag:s2], $0x1000  }
0x26: {  	s6 =	simm.s32 @!p0 $0x6;
	[sflag:s2] =	ssyncset.done $0x0  }
0x27: {  	s6 =	simm.s32 @p0 $0x7;
	[sflag:s2] =	ssyncadd.s32 $0xFFFFF000  }
0x28: {  	_ =	swait.ge [sflag:s6], $0x1000  }
0x29: {  	[sflag:s6] =	ssyncset.done $0x0  }
0x2a: {  	[sflag:s6] =	ssyncadd.s32 $0xFFFFF000  }
0x2b: {  	_ =	swait.ge [sflag:s31], $0x1000  }
0x2c: {  	[sflag:s31] =	ssyncset.done $0x0  }
0x2d: {  	[sflag:s31] =	ssyncadd.s32 $0xFFFFF000  }
0x2e: {  	s2 =	sshrl.u32 @p3 s7, $0x3;
	s6 =	simm.s32 @p3 $0x1FC9;
	[bflag:$0x0] =	sbarrier.arrive $0xFFFF  }
0x2f: {  	[hbm:s14], [sflag:s6] =	dma.local @p3 [spmem:s2], $0xA00  }
0x30: {  	s2 =	simm.s32 @p3 $0x9  }
0x31: {  	s0 =	sadd.s32 $0x1, s0;
	s6 =	stileid.u32;
	_ =	swait.ge @p3 [sflag:s2], $0xA00  }
0x32: {  	p4 =	sne.s32 s0, s15;
	s6 =	sshll.u32 @!p3 s6, $0x6;
	[sflag:s2] =	ssyncset.done @p3 $0x0  }
0x33: {  	[sflag:s2] =	ssyncadd.s32 @p3 $0xFFFFF600;
	s2 =	sor.u32 @!p3 $0x1C09, s6;
	s6 =	sshrl.u32 @!p3 s5, $0x3  }
0x34: {  	[hbm:s13], [sflag:s2] =	dma.local @!p3 [spmem:s6], $0x9C0  }
.Ltmp1:
0x35: {  	_ = 	snop;
	(pc) =	sbr.rel @!p4 .LBB2_12-.Ltmp1, $4  }
0x36: {  	s2 =	simm.s32 @!p3 $0x9  }
0x37: {  	_ =	swait.ge @!p3 [sflag:s2], $0x9C0  }
0x38: {  	[sflag:s2] =	ssyncset.done @!p3 $0x0  }
0x39: {  	[sflag:s2] =	ssyncadd.s32 @!p3 $0xFFFFF640  }
.LBB2_1:
.Ltmp2:
0x3a: {  	(pc) =	sbr.rel @p1 .LBB2_4-.Ltmp2, $1  }
0x3b: {  	_ =	sdelay $0x3  }
0x3c: {  	s2 =	rddreg [dreg:$0x6]  }
0x3d: {  	s6 =	rddreg [dreg:$0x7];
	s9 =	simm.s32 $0x1FC9  }
0x3e: {  	[spmem:s6], [sflag:s9] =	dma.local [hbm:s2], $0xA00  }
.Ltmp3:
0x3f: {  	_ =	swait.ge [sflag:s18], $0xA00;
	(pc) =	sbr.rel .LBB2_3-.Ltmp3, $3  }
0x40: {  	[sflag:s18] =	ssyncset.done $0x0  }
0x41: {  	[sflag:s18] =	ssyncadd.s32 $0xFFFFF600  }
0x42: {  	[bflag:$0x0] =	sbarrier.arrive $0xFFFF;
	_ =	sdelay $0x1  }
.LBB2_4:
0x43: {  	s2 =	stileid.u32  }
0x44: {  	s6 =	sshll.u32 s2, $0x6  }
0x45: {  	s9 =	sshrl.u32 s5, $0x3;
	s20 =	rddreg [dreg:$0x5];
	s6 =	sor.u32 $0x1C09, s6  }
0x46: {  	[spmem:s9], [sflag:s6] =	dma.local [hbm:s20], $0x9C0  }
.Ltmp4:
0x47: {  	_ =	swait.ge [sflag:s18], $0x9C0;
	(pc) =	sbr.rel @!p0 .LBB2_5-.Ltmp4, $3  }
0x48: {  	[sflag:s18] =	ssyncset.done $0x0  }
0x49: {  	[sflag:s18] =	ssyncadd.s32 $0xFFFFF640  }
0x4a: {  	[bflag:$0x0] =	sbarrier.arrive $0xFFFF;
	_ =	sdelay $0x1  }
.LBB2_3:
0x4b: {  	[tilespmem:s4], [sflag:$0x9] =	stream.linear.gather [hbm4b:s10+s4], $0x4E00, $0x38;
	[tilespmem:$0x12B20] =	vst v63  }
0x4c: {  	_ =	swait.ge [sflag:s18], $0x4E00  }
0x4d: {  	[sflag:s18] =	ssyncset.done $0x0  }
.Ltmp5:
0x4e: {  	s2 =	simm.s32 $0x4E80;
	[sflag:s18] =	ssyncadd.s32 $0xFFFFB200;
	(pc) =	sbr.rel .LBB2_6-.Ltmp5, $4  }
0x4f: {  	[tilespmem:s2], [sflag:$0x9] =	stream.linear.gather [hbm4b:s11+s4], $0x4E00, $0x38;
	[tilespmem:$0x12B20] =	vst v63  }
0x50: {  	_ =	swait.ge [sflag:s18], $0x4E00  }
0x51: {  	[sflag:s18] =	ssyncset.done $0x0  }
0x52: {  	[sflag:s18] =	ssyncadd.s32 $0xFFFFB200  }
.LBB2_5:
0x53: {  	[tilespmem:s4], [sflag:$0x9] =	stream.linear.gather [hbm4b:s10+s4], $0x4E80, $0x38;
	[tilespmem:$0x12B20] =	vst v63  }
0x54: {  	_ =	swait.ge [sflag:s18], $0x4E80  }
0x55: {  	[sflag:s18] =	ssyncset.done $0x0  }
0x56: {  	s2 =	simm.s32 $0x4E80;
	[sflag:s18] =	ssyncadd.s32 $0xFFFFB180  }
0x57: {  	[tilespmem:s2], [sflag:$0x9] =	stream.linear.gather [hbm4b:s11+s4], $0x4E80, $0x38;
	[tilespmem:$0x12B20] =	vst v63  }
0x58: {  	_ =	swait.ge [sflag:s18], $0x4E80  }
0x59: {  	[sflag:s18] =	ssyncset.done $0x0  }
0x5a: {  	[sflag:s18] =	ssyncadd.s32 $0xFFFFB180  }
.LBB2_6:
.Ltmp6:
0x5b: {  	(pc) =	sbr.rel .LBB2_7-.Ltmp6, $4  }
0x5c: {  	s17 =	simm.s32 $0x0  }
0x5d: {  	[tilespmem:s22], [sflag:$0x1] =	stream.indirect.gather [hbm4b:s19+s21], $0x20, s17, s21, $0xb8;
	[tilespmem:$0x12B20] =	vst v63  }
0x5e: {  	s6 =	simm.s32 $0x5  }
0x5f: {  	[tilespmem:s23], [sflag:$0x2] =	stream.indirect.gather [hbm4b:s19+s21], $0x20, s21, s21, $0xb8;
	[tilespmem:$0x12B20] =	vst v63  }
.LBB2_9:
0x60: {  	[tilespmem:s26], [sflag:$0x4] =	stream.indirect.gather [hbm4b:s12+s21], $0x20, s20, s21, $0xb8;
	[tilespmem:$0x12B20] =	vst v63  }
0x61: {  	_ =	swait.ge [sflag:s28], $0x1000  }
0x62: {  	s16 =	sadd.s32 $0xFFFFFFFF, s6;
	[sflag:s28] =	ssyncset.done $0x0  }
0x63: {  	s2 =	sadd.s32 $0x4F00, s9;
	p4 =	slt.u32 s16, s8;
	[sflag:s28] =	ssyncadd.s32 $0xFFFFF000  }
0x64: {  	[spmem:s3] =	stream.indirect.scatter.add.f32 [tilespmem:s23], [sflag:$0x6], $0x20, s2, s21, $0xb8;
	[tilespmem:$0x12B20] =	vst v63  }
0x65: {  	s2 =	simm.s32 @p4 $0x5  }
0x66: {  	_ =	swait.ge @p4 [sflag:s2], $0x1000  }
0x67: {  	[sflag:s2] =	ssyncset.done @p4 $0x0  }
0x68: {  	[sflag:s2] =	ssyncadd.s32 @p4 $0xFFFFF000;
	s2 =	sshra.s32 @p4 s17, $0x2  }
0x69: {  	s16 =	simm.s32 @p4 $0x80;
	s20 =	simm.s32 @p4 $0x9D00;
	s2 =	sadd.s32 @p4 $0x200, s2  }
0x6a: {  	[tilespmem:s20], [sflag:$0x1] =	stream.indirect.gather @p4 [hbm4b:s12+s16], $0x20, s2, s16, $0xb8;
	[tilespmem:$0x12B20] =	vst v63  }
0x6b: {  	_ =	swait.ge [sflag:s29], $0x1000  }
0x6c: {  	p4 =	slt.u32 s6, s8;
	[sflag:s29] =	ssyncset.done $0x0  }
0x6d: {  	s20 =	sadd.s32 $0x4F80, s9;
	s2 =	simm.s32 @p4 $0x6;
	[sflag:s29] =	ssyncadd.s32 $0xFFFFF000  }
0x6e: {  	[spmem:s3] =	stream.indirect.scatter.add.f32 [tilespmem:s24], [sflag:$0x7], $0x20, s20, s21, $0xb8;
	[tilespmem:$0x12B20] =	vst v63  }
0x6f: {  	_ =	swait.ge @p4 [sflag:s2], $0x1000  }
0x70: {  	[sflag:s2] =	ssyncset.done @p4 $0x0  }
0x71: {  	[sflag:s2] =	ssyncadd.s32 @p4 $0xFFFFF000;
	s2 =	sshra.s32 @p4 s17, $0x2  }
0x72: {  	s16 =	simm.s32 @p4 $0x80;
	s20 =	simm.s32 @p4 $0xAD00;
	s2 =	sadd.s32 @p4 $0x280, s2  }
0x73: {  	[tilespmem:s20], [sflag:$0x2] =	stream.indirect.gather @p4 [hbm4b:s12+s16], $0x20, s2, s16, $0xb8;
	[tilespmem:$0x12B20] =	vst v63  }
.LBB2_10:
0x74: {  	s17 =	sadd.s32 $0x800, s17  }
0x75: {  	p4 =	sne.s32 s17, $0x13800  }
.Ltmp7:
0x76: {  	_ = 	snop;
	(pc) =	sbr.rel @!p4 .LBB2_11-.Ltmp7, $4  }
0x77: {  	_ =	swait.ge [sflag:s30], $0x1000  }
0x78: {  	[sflag:s30] =	ssyncset.done $0x0  }
0x79: {  	s2 =	sadd.s32 $0x5000, s9;
	s6 =	sadd.s32 $0x4, s6;
	[sflag:s30] =	ssyncadd.s32 $0xFFFFF000  }
0x7a: {  	[spmem:s3] =	stream.indirect.scatter.add.f32 [tilespmem:s26], [sflag:$0x8], $0x20, s2, s21, $0xb8;
	[tilespmem:$0x12B20] =	vst v63  }
.LBB2_7:
0x7b: {  	p4 =	seq.s32 s17, $0x0  }
0x7c: {  	s20 =	simm.s32 @!p4 $0x7  }
0x7d: {  	_ =	swait.ge @!p4 [sflag:s20], $0x1000  }
0x7e: {  	s9 =	sshra.s32 s17, $0x2;
	[sflag:s20] =	ssyncset.done @!p4 $0x0  }
0x7f: {  	s2 =	sadd.s32 $0x100, s9;
	[sflag:s20] =	ssyncadd.s32 @!p4 $0xFFFFF000  }
0x80: {  	[tilespmem:s24], [sflag:$0x3] =	stream.indirect.gather [hbm4b:s19+s21], $0x20, s2, s21, $0xb8;
	[tilespmem:$0x12B20] =	vst v63  }
0x81: {  	_ =	swait.ge [sflag:s25], $0x1000  }
0x82: {  	s16 =	sadd.s32 $0x4E80, s9;
	[sflag:s25] =	ssyncset.done $0x0  }
.Ltmp8:
0x83: {  	s20 =	simm.s32 @!p4 $0x8;
	[sflag:s25] =	ssyncadd.s32 $0xFFFFF000;
	(pc) =	sbr.rel @p2 .LBB2_9-.Ltmp8, $4  }
0x84: {  	[spmem:s3] =	stream.indirect.scatter.add.f32 [tilespmem:s22], [sflag:$0x5], $0x20, s16, s21, $0xb8;
	[tilespmem:$0x12B20] =	vst v63  }
0x85: {  	_ =	swait.ge @!p4 [sflag:s20], $0x1000  }
0x86: {  	[sflag:s20] =	ssyncset.done @!p4 $0x0  }
0x87: {  	[sflag:s20] =	ssyncadd.s32 @!p4 $0xFFFFF000;
	s20 =	sadd.s32 $0x180, s9  }
0x88: {  	[tilespmem:s26], [sflag:$0x4] =	stream.indirect.gather [hbm4b:s1+s21], $0x20, s20, s21, $0xb8;
	[tilespmem:$0x12B20] =	vst v63  }
0x89: {  	s16 =	sadd.s32 $0xFFFFFFFF, s6;
	_ =	swait.ge [sflag:s28], $0x1000  }
0x8a: {  	p4 =	slt.u32 s16, s8;
	[sflag:s28] =	ssyncset.done $0x0  }
0x8b: {  	s2 =	sadd.s32 $0x4F00, s9;
	s20 =	simm.s32 @p4 $0x5;
	[sflag:s28] =	ssyncadd.s32 $0xFFFFF000  }
0x8c: {  	[spmem:s3] =	stream.indirect.scatter.add.f32 [tilespmem:s23], [sflag:$0x6], $0x20, s2, s21, $0xb8;
	[tilespmem:$0x12B20] =	vst v63  }
0x8d: {  	_ =	swait.ge @p4 [sflag:s20], $0x1000  }
0x8e: {  	[sflag:s20] =	ssyncset.done @p4 $0x0  }
0x8f: {  	[sflag:s20] =	ssyncadd.s32 @p4 $0xFFFFF000;
	s20 =	sshra.s32 @p4 s17, $0x2  }
0x90: {  	s16 =	simm.s32 @p4 $0x80;
	s2 =	simm.s32 @p4 $0x9D00;
	s20 =	sadd.s32 @p4 $0x200, s20  }
0x91: {  	[tilespmem:s2], [sflag:$0x1] =	stream.indirect.gather @p4 [hbm4b:s1+s16], $0x20, s20, s16, $0xb8;
	[tilespmem:$0x12B20] =	vst v63  }
0x92: {  	_ =	swait.ge [sflag:s29], $0x1000  }
0x93: {  	p4 =	slt.u32 s6, s8;
	[sflag:s29] =	ssyncset.done $0x0  }
0x94: {  	s20 =	sadd.s32 $0x4F80, s9;
	s2 =	simm.s32 @p4 $0x6;
	[sflag:s29] =	ssyncadd.s32 $0xFFFFF000  }
0x95: {  	[spmem:s3] =	stream.indirect.scatter.add.f32 [tilespmem:s24], [sflag:$0x7], $0x20, s20, s21, $0xb8;
	[tilespmem:$0x12B20] =	vst v63  }
.Ltmp9:
0x96: {  	_ =	swait.ge @p4 [sflag:s2], $0x1000;
	(pc) =	sbr.rel .LBB2_10-.Ltmp9, $4  }
0x97: {  	[sflag:s2] =	ssyncset.done @p4 $0x0  }
0x98: {  	[sflag:s2] =	ssyncadd.s32 @p4 $0xFFFFF000;
	s2 =	sshra.s32 @p4 s17, $0x2  }
0x99: {  	s16 =	simm.s32 @p4 $0x80;
	s20 =	simm.s32 @p4 $0xAD00;
	s2 =	sadd.s32 @p4 $0x280, s2  }
0x9a: {  	[tilespmem:s20], [sflag:$0x2] =	stream.indirect.gather @p4 [hbm4b:s1+s16], $0x20, s2, s16, $0xb8;
	[tilespmem:$0x12B20] =	vst v63  }
.LBB2_12:
0x9b: {  	_ =	sfence.sel $0x180000  }
0x9c: {  	[bflag:$0x0] =	sbarrier.arrive $0xFFFF  }
0x9d: {  	_ =	strace $0x9000004A  }
0x9e: {  	s0 =	stileid.u32;
	[bflag:$0x2] =	sbarrier.arrive $0xFFFF  }
0x9f: {  	p0 =	sne.s32 s0, $0x0;
	s0 =	rddreg [dreg:$0x4]  }
0xa0: {  	s0 =	sadd.s32 @!p0 $0x100000, s0  }
0xa1: {  	[sflag:s0] =	ssyncadd.tile.s32 @!p0 $0x1;
	_ =	shalt  }
.Lfunc_end2:
_tile_overlayer_lowered:
.L_overlay_start_2:
0xa2: {  	(tag) =	ssettag $0x2  }
0xa3: {  	s0 =	rddreg [dreg:$0x0];
	s2 =	stileid.u32  }
0xa4: {  	s1 =	rddreg [dreg:$0x1];
	p0 =	sne.s32 s2, $0x0  }
0xa5: {  	s3 =	rddreg [dreg:$0x2];
	[bflag:$0x3] =	sbarrier.arrive $0xFFFF;
	s2 =	simm.s32 @!p0 $0x1C09  }
0xa6: {  	[timem:s3], [sflag:s2] =	dma.local @!p0 [hbm:s0], s1  }
0xa7: {  	s0 =	simm.s32 @!p0 $0x9  }
0xa8: {  	_ =	swait.ge @!p0 [sflag:s0], s1  }
0xa9: {  	s1 =	ssub.s32 @!p0 $0x0, s1;
	[sflag:s0] =	ssyncset.done @!p0 $0x0  }
0xaa: {  	[sflag:s0] =	ssyncadd.s32 @!p0 s1  }
0xab: {  	[bflag:$0x3] =	sbarrier.arrive $0xFFFF  }
0xac: {  	_ =	shalt  }

// kernel: kernel.7.cloned.1.call-start
scs
__scs_entry_jumppad:
0x0: {  	(pc) =	sbr.rel $0x88, $3  }
0x1: {  	(tag) =	ssettag $0x0;
	lr =	simm.s32 $0x1  }
0x2: {  	[smem:$0x3F97] =	sst lr;
	_ =	strace $0xD0000000  }
0x3: {  	_ = 	snop  }
0x4: {  	_ = 	snop  }
0x5: {  	_ = 	snop  }
0x6: {  	_ = 	snop  }
0x7: {  	_ = 	snop  }
__scs_overlays_trampoline_lowered:
0x8: {  	[smem:$0x3FA6] =	sst s0  }
0x9: {  	[smem:$0x3FA7] =	sst s1  }
0xa: {  	[smem:$0x3FA8] =	sst s2  }
0xb: {  	[smem:$0x3FA9] =	sst s3  }
0xc: {  	[smem:$0x3FAA] =	sst s4  }
0xd: {  	[smem:$0x3FAB] =	sst s5  }
0xe: {  	[smem:$0x3FAC] =	sst s6  }
0xf: {  	[smem:$0x3FAD] =	sst s7  }
0x10: {  	[smem:$0x3FAE] =	sst s8  }
0x11: {  	[smem:$0x3FAF] =	sst s9;
	s0 =	simm.s32 @!p0 $0x0  }
0x12: {  	s1 =	sld [smem:$0x3F95];
	s0 =	simm.s32 @p0 $0x1  }
0x13: {  	[smem:$0x3FB0] =	sst s0;
	s0 =	simm.s32 @!p1 $0x0  }
0x14: {  	s2 =	sld [smem:$0x3F94];
	s0 =	simm.s32 @p1 $0x1  }
0x15: {  	[smem:$0x3FB1] =	sst s0;
	s0 =	simm.s32 @!p2 $0x0  }
0x16: {  	s3 =	sld [smem:$0x3FDB];
	s0 =	simm.s32 @p2 $0x1  }
0x17: {  	s4 =	simm.s32 $0x1BF5;
	[smem:$0x3FB3] =	sst s0  }
0x18: {  	s0 =	sld [smem:$0x3F96];
	_ =	swait.ge [sflag:s4], $0x0  }
0x19: {  	s7 =	sld [smem:$0x3F97]  }
0x1a: {  	s8 =	sadd.s32 $0xFFFFE003, lr  }
0x1b: {  	s9 =	sadd.s32 $0xFFFFFEF7, lr;
	s5 =	simm.s32 $0xFFFFFFFF;
	p2 =	slt.u32 s8, $0xFFFFF086  }
0x1c: {  	p1 =	slt.u32 s9, $0xF7A;
	s5 =	simm.s32 @!p2 $0x0  }
0x1d: {  	s5 =	simm.s32 @p1 $0x1;
	p0 =	seq.s32 s7, s2  }
0x1e: {  	s7 =	smul.u32 @!p0 $0xF7A, s2;
	p2 =	seq.s32 @!p0 s5, $0x0  }
0x1f: {  	s9 =	smul.u32 $0xF7A, s1;
	s8 =	simm.s32 @!p0 $0x1BF5;
	p2 =	por !p2, p0  }
0x20: {  	[sflag:s8] =	ssyncset.s32 @!p0 $0xFFFFF086;
	s6 =	sadd.s32 @!p0 s3, s7;
	s7 =	simm.s32 @!p0 $0x108  }
0x21: {  	s3 =	sadd.s32 s3, s9;
	s6 =	sadd.s32 @!p0 $0x88, s6;
	s7 =	simm.s32 @p2 $0x1082  }
0x22: {  	[simem:s7], [sflag:s8] =	dma.local @!p0 [hbm:s6], $0xF7A  }
0x23: {  	s9 =	sor.u32 $0xD0000000, s2;
	s6 =	simm.s32 $0x108;
	_ =	swait.ge @!p0 [sflag:s8], $0x0  }
0x24: {  	s3 =	sadd.s32 $0x88, s3;
	s6 =	simm.s32 @!p1 $0x1082;
	[sflag:s4] =	ssyncset.s32 $0xFFFFF086  }
0x25: {  	[simem:s6], [sflag:s4] =	dma.local [hbm:s3], $0xF7A  }
0x26: {  	[smem:$0x3F97] =	sst s1;
	(tag) =	ssettag s2;
	_ =	strace s9  }
0x27: {  	s1 =	sld [smem:$0x3FA7]  }
0x28: {  	s2 =	sld [smem:$0x3FA8]  }
0x29: {  	s4 =	sld [smem:$0x3FAA]  }
0x2a: {  	p0 =	seq.s32 s5, $0x0;
	s5 =	sld [smem:$0x3FAB]  }
0x2b: {  	s6 =	sld [smem:$0x3FAC]  }
0x2c: {  	s7 =	sld [smem:$0x3FAD]  }
0x2d: {  	s3 =	simm.s32 $0x108;
	s8 =	sld [smem:$0x3FAE]  }
0x2e: {  	s3 =	simm.s32 @!p0 $0x1082;
	s9 =	sld [smem:$0x3FAF]  }
0x2f: {  	lr =	sadd.s32 s0, s3;
	s0 =	sld [smem:$0x3FA6]  }
0x30: {  	s3 =	sld [smem:$0x3FA9]  }
0x31: {  	[smem:$0x3FB2] =	sst s10  }
0x32: {  	s10 =	sld [smem:$0x3FB0];
	_ =	sdelay $0x3  }
0x33: {  	p0 =	seq.s32 s10, $0x1;
	s10 =	sld [smem:$0x3FB2];
	_ =	sdelay $0x3  }
0x34: {  	[smem:$0x3FB2] =	sst s10  }
0x35: {  	s10 =	sld [smem:$0x3FB1];
	_ =	sdelay $0x3  }
0x36: {  	p1 =	seq.s32 s10, $0x1;
	s10 =	sld [smem:$0x3FB2];
	_ =	sdelay $0x3  }
0x37: {  	[smem:$0x3FB2] =	sst s10  }
0x38: {  	s10 =	sld [smem:$0x3FB3]  }
0x39: {  	_ = 	snop;
	(pc) =	sbr.ind lr, $3  }
0x3a: {  	_ = 	snop  }
0x3b: {  	_ = 	snop  }
0x3c: {  	p2 =	seq.s32 s10, $0x1;
	s10 =	sld [smem:$0x3FB2]  }
0x3d: {  	_ =	shalt  }
0x3e: {  	_ =	shalt  }
0x3f: {  	_ =	shalt  }
0x40: {  	_ =	shalt  }
0x41: {  	_ =	shalt  }
0x42: {  	_ =	shalt  }
0x43: {  	_ =	shalt  }
0x44: {  	_ =	shalt  }
0x45: {  	_ =	shalt  }
0x46: {  	_ =	shalt  }
0x47: {  	_ =	shalt  }
0x48: {  	_ =	shalt  }
0x49: {  	_ =	shalt  }
0x4a: {  	_ =	shalt  }
0x4b: {  	_ =	shalt  }
0x4c: {  	_ =	shalt  }
0x4d: {  	_ =	shalt  }
0x4e: {  	_ =	shalt  }
0x4f: {  	_ =	shalt  }
0x50: {  	_ =	shalt  }
0x51: {  	_ =	shalt  }
0x52: {  	_ =	shalt  }
0x53: {  	_ =	shalt  }
0x54: {  	_ =	shalt  }
0x55: {  	_ =	shalt  }
0x56: {  	_ =	shalt  }
0x57: {  	_ =	shalt  }
0x58: {  	_ =	shalt  }
0x59: {  	_ =	shalt  }
0x5a: {  	_ =	shalt  }
0x5b: {  	_ =	shalt  }
0x5c: {  	_ =	shalt  }
0x5d: {  	_ =	shalt  }
0x5e: {  	_ =	shalt  }
0x5f: {  	_ =	shalt  }
0x60: {  	_ =	shalt  }
0x61: {  	_ =	shalt  }
0x62: {  	_ =	shalt  }
0x63: {  	_ =	shalt  }
0x64: {  	_ =	shalt  }
0x65: {  	_ =	shalt  }
0x66: {  	_ =	shalt  }
0x67: {  	_ =	shalt  }
0x68: {  	_ =	shalt  }
0x69: {  	_ =	shalt  }
0x6a: {  	_ =	shalt  }
0x6b: {  	_ =	shalt  }
0x6c: {  	_ =	shalt  }
0x6d: {  	_ =	shalt  }
0x6e: {  	_ =	shalt  }
0x6f: {  	_ =	shalt  }
0x70: {  	_ =	shalt  }
0x71: {  	_ =	shalt  }
0x72: {  	_ =	shalt  }
0x73: {  	_ =	shalt  }
0x74: {  	_ =	shalt  }
0x75: {  	_ =	shalt  }
0x76: {  	_ =	shalt  }
0x77: {  	_ =	shalt  }
0x78: {  	_ =	shalt  }
0x79: {  	_ =	shalt  }
0x7a: {  	_ =	shalt  }
0x7b: {  	_ =	shalt  }
0x7c: {  	_ =	shalt  }
0x7d: {  	_ =	shalt  }
0x7e: {  	_ =	shalt  }
0x7f: {  	_ =	shalt  }
0x80: {  	_ =	shalt  }
0x81: {  	_ =	shalt  }
0x82: {  	_ =	shalt  }
0x83: {  	_ =	shalt  }
0x84: {  	_ =	shalt  }
0x85: {  	_ =	shalt  }
0x86: {  	_ =	shalt  }
0x87: {  	_ =	shalt  }
.Lfunc_end0:
.L_simem_size_0:
called_computation_lowered:
.L_overlay_start_0:
0x88: {  	s2 =	sld [smem:$0x3FD9]  }
0x89: {  	s3 =	sld [smem:$0x3FFE];
	_ =	sdelay $0x1  }
0x8a: {  	s1 =	srdreg.scid  }
0x8b: {  	s0 =	sand.u32 $0x1, s1  }
0x8c: {  	s14 =	sshll.u32 s0, $0xA;
	s2 =	sadd.s32 s3, s2  }
0x8d: {  	s2 =	sadd.s32 s2, s14  }
0x8e: {  	[smem:$0x3FBE] =	sst s2  }
0x8f: {  	_ = 	snop  }
0x90: {  	s2 =	sld [smem:$0x3FD0];
	_ =	sdelay $0x2  }
0x91: {  	s15 =	simm.s32 $0xA;
	s4 =	simm.s32 $0x10  }
0x92: {  	[smem:s4], [sflag:s15] =	dma.local [hbm:s2], $0x1  }
0x93: {  	_ =	swait.eq [sflag:s15], $0x1  }
0x94: {  	[sflag:s15] =	ssyncset.done $0x0  }
0x95: {  	s16 =	sld [smem:$0x10];
	[sflag:s15] =	ssyncadd.s32 $0xFFFFFFFF  }
0x96: {  	s17 =	sld [smem:$0x11];
	(tm) =	ssettm $0x1  }
0x97: {  	s18 =	sld [smem:$0x3FFB];
	_ =	sdelay $0x3  }
0x98: {  	_ =	strace s18  }
0x99: {  	s4 =	sld [smem:$0x3FFC];
	_ =	sdelay $0x3  }
0x9a: {  	_ =	strace s4  }
0x9b: {  	s4 =	sld [smem:$0x3FFD];
	_ =	sdelay $0x3  }
0x9c: {  	_ =	strace s4  }
0x9d: {  	_ =	strace $0x8FFFFFFF  }
0x9e: {  	s19 =	sld [smem:$0x3FDB];
	_ =	sdelay $0x1  }
0x9f: {  	s5 =	simm.s32 $_scs_section_size  }
0xa0: {  	s6 =	simm.s32 $_size__tile_overlayer_lowered;
	s7 =	simm.s32 $_tile_overlayer_lowered  }
0xa1: {  	s22 =	simm.s32 $0x1BFF;
	s21 =	sshll.u32 s7, $0x1;
	s4 =	sadd.s32 s5, s19  }
0xa2: {  	s8 =	simm.s32 $0x0;
	s20 =	sshll.u32 s6, $0x1;
	s6 =	sadd.s32 s21, s4  }
0xa3: {  	[timem:s8], [sflag:s22] =	dma.local [hbm:s6], s20  }
0xa4: {  	_ =	swait.ge [sflag:s22], s20  }
0xa5: {  	s5 =	ssub.s32 $0x0, s20;
	[sflag:s22] =	ssyncset.done $0x0  }
0xa6: {  	[sflag:s22] =	ssyncadd.s32 s5;
	_ =	sdelay $0x1  }
0xa7: {  	s23 =	simm.s32 $0x1B8B  }
0xa8: {  	_ =	swait.ge [sflag:s23], $0x1  }
0xa9: {  	[sflag:s23] =	ssyncset.done $0x0  }
0xaa: {  	s25 =	simm.s32 $0x1B8E;
	s24 =	sld [smem:$0x3FFE];
	[sflag:s23] =	ssyncadd.s32 $0xFFFFFFFF  }
0xab: {  	s26 =	simm.s32 $execute0_lowered;
	[smem:$0x3FD2] =	sst s25  }
0xac: {  	s6 =	sshll.u32 s26, $0x1;
	_ =	strace $0x80000046;
	[dreg:$0x1] =	wrdreg $0xFFFFFFFF  }
0xad: {  	s28 =	simm.s32 $_size_execute0_lowered;
	s4 =	sadd.s32 s4, s6;
	[dreg:$0x0] =	wrdreg $0x0  }
0xae: {  	s6 =	sshll.u32 s28, $0x1;
	[dreg:$0x2] =	wrdreg s4  }
0xaf: {  	[dreg:$0x3] =	wrdreg s6  }
0xb0: {  	[dreg:$0x4] =	wrdreg $0xC0  }
0xb1: {  	_ =	task [dreg:s8], $0x5FFFF  }
0xb2: {  	[dreg:$0x1] =	wrdreg $0xFFFFFFFF  }
0xb3: {  	[dreg:$0x0] =	wrdreg $0x60  }
0xb4: {  	[dreg:$0x2] =	wrdreg s17  }
0xb5: {  	[dreg:$0x3] =	wrdreg s16  }
0xb6: {  	[dreg:$0x4] =	wrdreg s24  }
0xb7: {  	[dreg:$0x5] =	wrdreg $0x11D000  }
0xb8: {  	[dreg:$0x6] =	wrdreg $0x1C1400  }
0xb9: {  	[dreg:$0x7] =	wrdreg $0x9  }
0xba: {  	_ =	task.clear_ibuf [dreg:s8], $0x8FFFF;
	_ =	strace $0x90000046  }
0xbb: {  	s29 =	simm.s32 $0x9;
	_ =	strace $0x80000048  }
0xbc: {  	_ =	swait.ge [sflag:s29], $0x1  }
0xbd: {  	[sflag:s29] =	ssyncadd.s32 $0xFFFFFFFF  }
0xbe: {  	_ =	strace $0x90000048  }
0xbf: {  	_ =	sfence  }
0xc0: {  	s30 =	sld [smem:$0x0];
	_ =	sdelay $0x2  }
0xc1: {  	s31 =	sshll.u32 s1, $0xD;
	s1 =	sshrl.u32 s1, $0x2  }
0xc2: {  	s3 =	sand.u32 $0x4000, s31;
	s1 =	sadd.s32 s1, s30  }
0xc3: {  	s0 =	sor.u32 s3, s0;
	s1 =	sshll.u32 s1, $0x11  }
0xc4: {  	s0 =	sor.u32 s1, s0  }
0xc5: {  	s0 =	sadd.s32 $0x8F2B, s0  }
0xc6: {  	[sflag:s0] =	ssyncadd.remote.s32 $0x1  }
0xc7: {  	_ =	sfence.sel $0xFFFF  }
0xc8: {  	[dreg:$0x0] =	wrdreg $0xFFFFFFFF;
	(pc) =	sbr.abs _section_cstart, $3  }
0xc9: {  	[dreg:$0x1] =	wrdreg $0xFFFFFFFF  }
0xca: {  	_ =	task.clear_ibuf [dreg:s8], $0x2FFFF;
	_ =	strace $0x9FFFFFFF  }
0xcb: {  	(tm) =	ssettm $0x7FFFFFFF  }
tec
execute0_lowered:
.L_overlay_start_1:
0x0: {  	(tag) =	ssettag $0x1  }
0x1: {  	s1 =	rddreg [dreg:$0x0]  }
0x2: {  	s0 =	rddreg [dreg:$0x1]  }
0x3: {  	s2 =	rddreg [dreg:$0x2]  }
0x4: {  	s3 =	rddreg [dreg:$0x3]  }
0x5: {  	s4 =	rddreg [dreg:$0x4];
	s15 =	stileid.u32  }
0x6: {  	s6 =	simm.s32 $0x0;
	s8 =	srdreg.scid;
	s28 =	simm.s32 $0x9D00  }
0x7: {  	s29 =	simm.s32 $0xBD00;
	s30 =	simm.s32 $0xFD00;
	s5 =	smul.u32 $0x9C00, s15  }
0x8: {  	s31 =	simm.s32 $0x2;
	[smem:$0x7FF] =	sst s6;
	s7 =	smul.u32 $0x2700, s15  }
0x9: {  	s8 =	sand.u32 $0x1, s8;
	s9 =	sadd.s32 $0x2600, s2;
	s11 =	sadd.s32 $0x25000, s2  }
0xa: {  	s13 =	sadd.s32 $0x1B200, s2;
	s26 =	sadd.s32 $0x92400, s3;
	s14 =	sadd.s32 $0x24900, s4  }
0xb: {  	p0 =	sgt.u32 s15, $0x3;
	_ =	strace $0x80000047;
	[dreg:$0x6] =	wrdreg s9  }
0xc: {  	s16 =	smin.u32 s15, $0x4;
	p1 =	seq.s32 s15, $0xF;
	[dreg:$0xb] =	wrdreg s26  }
0xd: {  	s10 =	ssub.s32 $0x2, s8;
	[dreg:$0xd] =	wrdreg s14;
	s17 =	smul.u32 $0x9C400, s8  }
0xe: {  	s14 =	simm.s32 $0x9C;
	s20 =	smul.u32 $0x27100, s8;
	p2 =	seq.s32 s8, $0x0  }
0xf: {  	p5 =	seq.s32 @!p0 s8, $0x0;
	p3 =	sne.s32 s8, $0x0;
	s8 =	simm.s32 $0x0  }
0x10: {  	s21 =	sshrl.u32 s5, $0x3;
	s22 =	sshrl.u32 s7, $0x3;
	s12 =	sshrl.u32 s10, $0x1  }
0x11: {  	s23 =	sadd.s32 s5, s3;
	s24 =	sadd.s32 s7, s4;
	s14 =	simm.s32 @!p0 $0x9D  }
0x12: {  	p4 =	por !p5, p0;
	p5 =	por p5, p0;
	s6 =	sadd.s32 s21, s2  }
0x13: {  	s9 =	sadd.s32 s22, s2;
	s10 =	ssub.s32 s10, s12;
	[dreg:$0x7] =	wrdreg s23  }
0x14: {  	[dreg:$0x9] =	wrdreg s24;
	s12 =	smul.u32 $0x9C, s15;
	s19 =	sadd.s32 s5, s17  }
0x15: {  	s22 =	sshrl.u32 s17, $0x3;
	s23 =	sadd.s32 s7, s20;
	s6 =	sadd.s32 $0x2800, s6  }
0x16: {  	s25 =	sadd.s32 $0x16200, s9;
	s9 =	sadd.s32 $0x14C80, s2;
	[dreg:$0x8] =	wrdreg s6  }
0x17: {  	s2 =	sadd.s32 $0x1AB20, s2;
	s5 =	sadd.s32 s11, s22;
	[dreg:$0xa] =	wrdreg s25  }
0x18: {  	s26 =	smax.u32 s10, $0x1;
	[dreg:$0xc] =	wrdreg s9;
	s6 =	sadd.s32 s16, s12  }
0x19: {  	[dreg:$0xe] =	wrdreg s2;
	s2 =	sshrl.u32 s20, $0x3;
	s24 =	sadd.s32 $0x12480, s5  }
0x1a: {  	[dreg:$0x15] =	wrdreg s26;
	s26 =	simm.s32 $0x80;
	s5 =	simm.s32 $0xDD00  }
0x1b: {  	s18 =	sshll.u32 s6, $0x4;
	[dreg:$0x13] =	wrdreg s24;
	s25 =	sadd.s32 s13, s2  }
0x1c: {  	s24 =	simm.s32 $0x1B940;
	s6 =	sadd.s32 s0, s18;
	s0 =	sshrl.u32 s19, $0x3  }
.Ltmp0:
0x1d: {  	[dreg:$0xf] =	wrdreg s6;
	s0 =	sadd.s32 s11, s0;
	(pc) =	sbr.rel .LBB2_1-.Ltmp0, $4  }
0x1e: {  	s21 =	sadd.s32 $0x9C40, s6;
	[dreg:$0x11] =	wrdreg s0;
	s0 =	sshrl.u32 s23, $0x3  }
0x1f: {  	s2 =	simm.s32 $0x3;
	[dreg:$0x10] =	wrdreg s21;
	s0 =	sadd.s32 s13, s0  }
0x20: {  	s19 =	sadd.s32 $0x13880, s1;
	[dreg:$0x12] =	wrdreg s0;
	s0 =	sadd.s32 $0x4920, s25  }
0x21: {  	s6 =	simm.s32 $0x4;
	[dreg:$0x14] =	wrdreg s0;
	s0 =	simm.s32 $0x5  }
.LBB2_11:
0x22: {  	s7 =	simm.s32 @p0 $0x5  }
0x23: {  	_ =	swait.ge @p0 [sflag:s7], $0x2000  }
0x24: {  	[sflag:s7] =	ssyncset.done @p0 $0x0  }
0x25: {  	[sflag:s7] =	ssyncadd.s32 @p0 $0xFFFFE000  }
0x26: {  	_ =	swait.ge @p0 [sflag:s7], $0x800  }
0x27: {  	[sflag:s7] =	ssyncset.done @p0 $0x0  }
0x28: {  	[sflag:s7] =	ssyncadd.s32 @p0 $0xFFFFF800;
	s7 =	simm.s32 @p0 $0x6  }
0x29: {  	_ =	swait.ge @p0 [sflag:s7], $0x2000  }
0x2a: {  	[sflag:s7] =	ssyncset.done @p0 $0x0  }
0x2b: {  	[sflag:s7] =	ssyncadd.s32 @p0 $0xFFFFE000;
	s7 =	simm.s32 @p0 $0x7  }
0x2c: {  	_ =	swait.ge @p0 [sflag:s7], $0x2000  }
0x2d: {  	[sflag:s7] =	ssyncset.done @p0 $0x0  }
0x2e: {  	[sflag:s7] =	ssyncadd.s32 @p0 $0xFFFFE000  }
0x2f: {  	_ =	swait.ge @p0 [sflag:s7], $0x800  }
0x30: {  	[sflag:s7] =	ssyncset.done @p0 $0x0  }
0x31: {  	[sflag:s7] =	ssyncadd.s32 @p0 $0xFFFFF800;
	s7 =	simm.s32 @!p0 $0x7  }
0x32: {  	_ =	swait.ge @!p0 [sflag:s7], $0x2000  }
0x33: {  	[sflag:s7] =	ssyncset.done @!p0 $0x0  }
0x34: {  	[sflag:s7] =	ssyncadd.s32 @!p0 $0xFFFFE000  }
0x35: {  	_ =	swait.ge @!p0 [sflag:s7], $0x800  }
0x36: {  	[sflag:s7] =	ssyncset.done @!p0 $0x0  }
0x37: {  	[sflag:s7] =	ssyncadd.s32 @!p0 $0xFFFFF800;
	s7 =	simm.s32 @!p0 $0x1  }
0x38: {  	_ =	swait.ge @!p0 [sflag:s7], $0x2000  }
0x39: {  	s15 =	simm.s32 @!p0 $0x9C80;
	[sflag:s7] =	ssyncset.done @!p0 $0x0  }
0x3a: {  	s16 =	simm.s32 @!p0 $0x9D00;
	[sflag:s7] =	ssyncadd.s32 @!p0 $0xFFFFE000;
	s7 =	simm.s32 @!p0 $0x80  }
0x3b: {  	[spmem:s3] =	stream.indirect.scatter.add.f32 @!p0 [tilespmem:s16], [sflag:$0x5], $0x40, s15, s7, $0xb8;
	[tilespmem:$0x1E850] =	vst v63  }
0x3c: {  	s7 =	simm.s32 @!p4 $0x80;
	s15 =	simm.s32 @!p4 $0x9C80;
	s16 =	simm.s32 @!p4 $0x1B940  }
0x3d: {  	[spmem:s4] =	stream.indirect.scatter.add.f32 @!p4 [tilespmem:s16], [sflag:$0x5], $0x10, s15, s7, $0xb8;
	[tilespmem:$0x1E850] =	vst v63  }
0x3e: {  	s7 =	simm.s32 @!p4 $0x5  }
0x3f: {  	_ =	swait.ge @!p4 [sflag:s7], $0x2000  }
0x40: {  	[sflag:s7] =	ssyncset.done @!p4 $0x0  }
0x41: {  	[sflag:s7] =	ssyncadd.s32 @!p4 $0xFFFFE000  }
0x42: {  	_ =	swait.ge @!p4 [sflag:s7], $0x800  }
0x43: {  	[sflag:s7] =	ssyncset.done @!p4 $0x0  }
0x44: {  	[sflag:s7] =	ssyncadd.s32 @!p4 $0xFFFFF800;
	s7 =	simm.s32 @!p5 $0x5  }
0x45: {  	_ =	swait.ge @!p5 [sflag:s7], $0x2000  }
0x46: {  	[sflag:s7] =	ssyncset.done @!p5 $0x0  }
0x47: {  	[sflag:s7] =	ssyncadd.s32 @!p5 $0xFFFFE000;
	s7 =	simm.s32 @!p0 $0x6  }
0x48: {  	_ =	swait.ge @!p0 [sflag:s7], $0x2000  }
0x49: {  	[sflag:s7] =	ssyncset.done @!p0 $0x0  }
0x4a: {  	s23 =	simm.s32 $0x8;
	[sflag:s7] =	ssyncadd.s32 @!p0 $0xFFFFE000  }
0x4b: {  	_ =	swait.ge [sflag:s23], $0x2000  }
0x4c: {  	[sflag:s23] =	ssyncset.done $0x0  }
0x4d: {  	[sflag:s23] =	ssyncadd.s32 $0xFFFFE000  }
0x4e: {  	[bflag:$0x0] =	sbarrier.arrive $0xFFFF  }
0x4f: {  	s7 =	simm.s32 @p1 $0x1FC9;
	s15 =	rddreg [dreg:$0x13]  }
0x50: {  	[hbm:s15], [sflag:s7] =	dma.local @p1 [spmem:s10], $0x1400  }
0x51: {  	s10 =	simm.s32 @p1 $0x9  }
0x52: {  	_ =	swait.ge @p1 [sflag:s10], $0x1400  }
0x53: {  	[sflag:s10] =	ssyncset.done @p1 $0x0  }
0x54: {  	s15 =	rddreg [dreg:$0x14];
	[sflag:s10] =	ssyncadd.s32 @p1 $0xFFFFEC00  }
0x55: {  	[hbm:s15], [sflag:s7] =	dma.local @p1 [spmem:s11], $0x500  }
0x56: {  	_ =	swait.ge @p1 [sflag:s10], $0x500  }
0x57: {  	[sflag:s10] =	ssyncset.done @p1 $0x0  }
0x58: {  	s7 =	rddreg [dreg:$0x11];
	[sflag:s10] =	ssyncadd.s32 @p1 $0xFFFFFB00  }
0x59: {  	[hbm:s7], [sflag:s9] =	dma.local @!p1 [spmem:s12], $0x1380  }
0x5a: {  	s7 =	simm.s32 @!p1 $0x9  }
0x5b: {  	_ =	swait.ge @!p1 [sflag:s7], $0x1380  }
0x5c: {  	[sflag:s7] =	ssyncset.done @!p1 $0x0  }
0x5d: {  	s10 =	rddreg [dreg:$0x12];
	[sflag:s7] =	ssyncadd.s32 @!p1 $0xFFFFEC80  }
0x5e: {  	[hbm:s10], [sflag:s9] =	dma.local @!p1 [spmem:s13], $0x4E0  }
0x5f: {  	_ =	swait.ge @!p1 [sflag:s7], $0x4E0  }
0x60: {  	s8 =	sadd.s32 $0x1, s8;
	s25 =	rddreg [dreg:$0x15]  }
0x61: {  	p6 =	sne.s32 s8, s25  }
.Ltmp1:
0x62: {  	_ = 	snop;
	(pc) =	sbr.rel @!p6 .LBB2_12-.Ltmp1, $3  }
0x63: {  	_ =	sdelay $0x1  }
0x64: {  	[sflag:s7] =	ssyncset.done @!p1 $0x0  }
0x65: {  	[sflag:s7] =	ssyncadd.s32 @!p1 $0xFFFFFB20  }
.LBB2_1:
0x66: {  	s7 =	rddreg [dreg:$0xb];
	s9 =	simm.s32 @p1 $0x1FC9  }
0x67: {  	s12 =	simm.s32 @p1 $0x9;
	s10 =	sshrl.u32 @p1 s7, $0x3;
	s7 =	rddreg [dreg:$0xc]  }
0x68: {  	[spmem:s10], [sflag:s9] =	dma.local @p1 [hbm:s7], $0x1400  }
0x69: {  	_ =	swait.ge @p1 [sflag:s12], $0x1400  }
0x6a: {  	[sflag:s12] =	ssyncset.done @p1 $0x0;
	s7 =	rddreg [dreg:$0xd]  }
0x6b: {  	[sflag:s12] =	ssyncadd.s32 @p1 $0xFFFFEC00;
	s11 =	sshrl.u32 @p1 s7, $0x3;
	s7 =	rddreg [dreg:$0xe]  }
0x6c: {  	[spmem:s11], [sflag:s9] =	dma.local @p1 [hbm:s7], $0x500  }
0x6d: {  	s7 =	stileid.u32  }
0x6e: {  	s15 =	simm.s32 @!p1 $0x9;
	_ =	swait.ge @p1 [sflag:s12], $0x500;
	s9 =	sshll.u32 @!p1 s7, $0x6  }
0x6f: {  	[sflag:s12] =	ssyncset.done @p1 $0x0;
	s9 =	sor.u32 @!p1 $0x1C09, s9;
	s7 =	rddreg [dreg:$0x7]  }
0x70: {  	[sflag:s12] =	ssyncadd.s32 @p1 $0xFFFFFB00;
	s12 =	sshrl.u32 @!p1 s7, $0x3;
	s7 =	rddreg [dreg:$0x8]  }
0x71: {  	[spmem:s12], [sflag:s9] =	dma.local @!p1 [hbm:s7], $0x1380  }
0x72: {  	_ =	swait.ge @!p1 [sflag:s15], $0x1380  }
0x73: {  	[sflag:s15] =	ssyncset.done @!p1 $0x0;
	s7 =	rddreg [dreg:$0x9]  }
0x74: {  	[sflag:s15] =	ssyncadd.s32 @!p1 $0xFFFFEC80;
	s13 =	sshrl.u32 @!p1 s7, $0x3;
	s7 =	rddreg [dreg:$0xa]  }
0x75: {  	[spmem:s13], [sflag:s9] =	dma.local @!p1 [hbm:s7], $0x4E0  }
0x76: {  	_ =	swait.ge @!p1 [sflag:s15], $0x4E0  }
0x77: {  	s22 =	simm.s32 $0x0;
	[sflag:s15] =	ssyncset.done @!p1 $0x0  }
0x78: {  	s25 =	simm.s32 $0x9;
	s23 =	rddreg [dreg:$0x6];
	[sflag:s15] =	ssyncadd.s32 @!p1 $0xFFFFFB20  }
0x79: {  	[tilespmem:s24], [sflag:$0x9] =	stream.linear.gather [hbm4b:s23+s22], $0x800, $0x38;
	[tilespmem:$0x1E850] =	vst v63  }
0x7a: {  	_ =	swait.ge [sflag:s25], $0x800  }
0x7b: {  	[sflag:s25] =	ssyncset.done $0x0  }
0x7c: {  	[sflag:s25] =	ssyncadd.s32 $0xFFFFF800  }
0x7d: {  	[bflag:$0x0] =	sbarrier.arrive $0xFFFF  }
0x7e: {  	s18 =	simm.s32 @p0 $0x9;
	s15 =	simm.s32 @p0 $0x0;
	s16 =	rddreg [dreg:$0xf]  }
0x7f: {  	[tilespmem:s15], [sflag:$0x9] =	stream.linear.gather @p0 [hbm4b:s16+s15], $0x4E00, $0x38;
	[tilespmem:$0x1E850] =	vst v63  }
0x80: {  	_ =	swait.ge @p0 [sflag:s18], $0x4E00  }
0x81: {  	[sflag:s18] =	ssyncset.done @p0 $0x0  }
0x82: {  	s20 =	simm.s32 @p0 $0x4E80;
	s17 =	rddreg [dreg:$0x10];
	[sflag:s18] =	ssyncadd.s32 @p0 $0xFFFFB200  }
0x83: {  	[tilespmem:s20], [sflag:$0x9] =	stream.linear.gather @p0 [hbm4b:s17+s15], $0x4E00, $0x38;
	[tilespmem:$0x1E850] =	vst v63  }
0x84: {  	_ =	swait.ge @p0 [sflag:s18], $0x4E00  }
0x85: {  	[sflag:s18] =	ssyncset.done @p0 $0x0  }
0x86: {  	s15 =	simm.s32 @!p0 $0x0;
	[sflag:s18] =	ssyncadd.s32 @p0 $0xFFFFB200;
	s18 =	simm.s32 @!p0 $0x9  }
0x87: {  	[tilespmem:s15], [sflag:$0x9] =	stream.linear.gather @!p0 [hbm4b:s16+s15], $0x4E80, $0x38;
	[tilespmem:$0x1E850] =	vst v63  }
0x88: {  	_ =	swait.ge @!p0 [sflag:s18], $0x4E80  }
0x89: {  	[sflag:s18] =	ssyncset.done @!p0 $0x0  }
0x8a: {  	s20 =	simm.s32 @!p0 $0x4E80;
	[sflag:s18] =	ssyncadd.s32 @!p0 $0xFFFFB180  }
0x8b: {  	[tilespmem:s20], [sflag:$0x9] =	stream.linear.gather @!p0 [hbm4b:s17+s15], $0x4E80, $0x38;
	[tilespmem:$0x1E850] =	vst v63  }
0x8c: {  	_ =	swait.ge @!p0 [sflag:s18], $0x4E80  }
0x8d: {  	s15 =	smov.u32 s19;
	[sflag:s18] =	ssyncset.done @!p0 $0x0  }
.Ltmp2:
0x8e: {  	s15 =	smov.u32 @p2 s1;
	[sflag:s18] =	ssyncadd.s32 @!p0 $0xFFFFB180;
	(pc) =	sbr.rel .LBB2_2-.Ltmp2, $4  }
0x8f: {  	[tilespmem:s28], [sflag:$0x1] =	stream.indirect.gather [hbm4b:s15+s26], $0x40, s22, s26, $0xb8;
	[tilespmem:$0x1E850] =	vst v63  }
0x90: {  	_ = 	snop  }
0x91: {  	[tilespmem:s29], [sflag:$0x2] =	stream.indirect.gather [hbm4b:s15+s26], $0x40, s26, s26, $0xb8;
	[tilespmem:$0x1E850] =	vst v63  }
0x92: {  	s20 =	simm.s32 $0x0;
	s18 =	simm.s32 $0x0;
	s15 =	simm.s32 $0x5  }
.LBB2_8:
0x93: {  	[tilespmem:s28], [sflag:$0x1] =	stream.indirect.gather [hbm4b:s19+s26], $0x40, s22, s26, $0xb8;
	[tilespmem:$0x1E850] =	vst v63  }
.LBB2_9:
0x94: {  	_ =	swait.ge [sflag:s2], $0x2000  }
0x95: {  	[sflag:s2] =	ssyncset.done $0x0  }
0x96: {  	s7 =	sadd.s32 $0x4F80, s21;
	p6 =	slt.u32 s15, s14;
	[sflag:s2] =	ssyncadd.s32 $0xFFFFE000  }
0x97: {  	[spmem:s3] =	stream.indirect.scatter.add.f32 [tilespmem:s5], [sflag:$0x7], $0x40, s7, s26, $0xb8;
	[tilespmem:$0x1E850] =	vst v63  }
0x98: {  	s25 =	sadd.s32 $0x5000, s21;
	s7 =	simm.s32 @p6 $0x6  }
0x99: {  	[spmem:s4] =	stream.indirect.scatter.add.f32 [tilespmem:s24], [sflag:$0x7], $0x10, s25, s26, $0xb8;
	[tilespmem:$0x1E850] =	vst v63  }
0x9a: {  	_ =	swait.ge @p6 [sflag:s7], $0x2000  }
0x9b: {  	[sflag:s7] =	ssyncset.done @p6 $0x0  }
0x9c: {  	[sflag:s7] =	ssyncadd.s32 @p6 $0xFFFFE000;
	s7 =	sshra.s32 @p6 s18, $0x2  }
0x9d: {  	s16 =	simm.s32 @p6 $0x80;
	s17 =	simm.s32 @p6 $0xBD00;
	s7 =	sadd.s32 @p6 $0x280, s7  }
0x9e: {  	[tilespmem:s17], [sflag:$0x2] =	stream.indirect.gather @p6 [hbm4b:s19+s16], $0x40, s7, s16, $0xb8;
	[tilespmem:$0x1E850] =	vst v63  }
0x9f: {  	_ =	swait.ge [sflag:s6], $0x2000  }
0xa0: {  	[sflag:s6] =	ssyncset.done $0x0  }
0xa1: {  	[sflag:s6] =	ssyncadd.s32 $0xFFFFE000  }
.LBB2_10:
0xa2: {  	s18 =	sadd.s32 $0x800, s18  }
0xa3: {  	p6 =	sne.s32 s18, $0x13800  }
.Ltmp3:
0xa4: {  	_ = 	snop;
	(pc) =	sbr.rel @!p6 .LBB2_11-.Ltmp3, $3  }
0xa5: {  	_ =	sdelay $0x1  }
0xa6: {  	s7 =	sadd.s32 $0x5000, s21;
	s20 =	sadd.s32 $0x1, s20;
	s15 =	sadd.s32 $0x4, s15  }
0xa7: {  	[spmem:s3] =	stream.indirect.scatter.add.f32 [tilespmem:s30], [sflag:$0x8], $0x40, s7, s26, $0xb8;
	[tilespmem:$0x1E850] =	vst v63  }
.LBB2_2:
0xa8: {  	p6 =	seq.s32 s18, $0x0  }
0xa9: {  	s21 =	simm.s32 @!p6 $0x7  }
0xaa: {  	_ =	swait.ge @!p6 [sflag:s21], $0x2000  }
0xab: {  	[sflag:s21] =	ssyncset.done @!p6 $0x0  }
0xac: {  	[sflag:s21] =	ssyncadd.s32 @!p6 $0xFFFFE000  }
0xad: {  	_ =	swait.ge @!p6 [sflag:s21], $0x800  }
0xae: {  	[sflag:s21] =	ssyncset.done @!p6 $0x0  }
0xaf: {  	[sflag:s21] =	ssyncadd.s32 @!p6 $0xFFFFF800;
	s21 =	sshra.s32 s18, $0x2  }
0xb0: {  	s23 =	simm.s32 @p3 $0x80;
	s25 =	simm.s32 @p3 $0xDD00;
	s22 =	sadd.s32 $0x100, s21  }
0xb1: {  	[tilespmem:s25], [sflag:$0x3] =	stream.indirect.gather @p3 [hbm4b:s19+s23], $0x40, s22, s23, $0xb8;
	[tilespmem:$0x1E850] =	vst v63  }
0xb2: {  	s25 =	simm.s32 @p3 $0x1  }
0xb3: {  	_ =	swait.ge @p3 [sflag:s25], $0x2000  }
0xb4: {  	s7 =	sshra.s32 @p3 s18, $0x2;
	[sflag:s25] =	ssyncset.done @p3 $0x0  }
0xb5: {  	s17 =	simm.s32 @p3 $0x9D00;
	[sflag:s25] =	ssyncadd.s32 @p3 $0xFFFFE000;
	s25 =	sadd.s32 @p3 $0x4E80, s7  }
0xb6: {  	[spmem:s3] =	stream.indirect.scatter.add.f32 @p3 [tilespmem:s17], [sflag:$0x5], $0x40, s25, s23, $0xb8;
	[tilespmem:$0x1E850] =	vst v63  }
0xb7: {  	s17 =	simm.s32 @!p3 $0x80;
	s23 =	simm.s32 @!p3 $0xDD00  }
0xb8: {  	[tilespmem:s23], [sflag:$0x3] =	stream.indirect.gather @!p3 [hbm4b:s1+s17], $0x40, s22, s17, $0xb8;
	[tilespmem:$0x1E850] =	vst v63  }
0xb9: {  	s22 =	simm.s32 @!p3 $0x1  }
0xba: {  	_ =	swait.ge @!p3 [sflag:s22], $0x2000  }
0xbb: {  	s23 =	sshll.u32 @!p3 s20, $0x9;
	[sflag:s22] =	ssyncset.done @!p3 $0x0  }
0xbc: {  	[sflag:s22] =	ssyncadd.s32 @!p3 $0xFFFFE000;
	s22 =	sand.u32 @!p3 $0x3FFFFE00, s23;
	s23 =	sshra.s32 @!p3 s18, $0x2  }
0xbd: {  	s16 =	simm.s32 @!p3 $0x9D00;
	s22 =	sadd.s32 @!p3 $0x4E80, s22;
	s23 =	sadd.s32 @!p3 $0x4E80, s23  }
0xbe: {  	[spmem:s3] =	stream.indirect.scatter.add.f32 @!p3 [tilespmem:s16], [sflag:$0x5], $0x40, s23, s17, $0xb8;
	[tilespmem:$0x1E850] =	vst v63  }
0xbf: {  	s7 =	sadd.s32 @p3 $0x4F00, s7;
	s16 =	smov.u32 s22  }
.Ltmp4:
0xc0: {  	s16 =	smov.u32 @p3 s7;
	s7 =	simm.s32 @!p6 $0x8;
	(pc) =	sbr.rel @p3 .LBB2_4-.Ltmp4, $4  }
0xc1: {  	[spmem:s4] =	stream.indirect.scatter.add.f32 [tilespmem:s24], [sflag:$0x5], $0x10, s16, s26, $0xb8;
	[tilespmem:$0x1E850] =	vst v63  }
0xc2: {  	_ =	swait.ge @!p6 [sflag:s7], $0x2000  }
0xc3: {  	[sflag:s7] =	ssyncset.done @!p6 $0x0  }
0xc4: {  	s22 =	smov.u32 @p3 s25;
	s23 =	sadd.s32 $0x180, s21;
	[sflag:s7] =	ssyncadd.s32 @!p6 $0xFFFFE000  }
0xc5: {  	[tilespmem:s30], [sflag:$0x4] =	stream.indirect.gather [hbm4b:s1+s26], $0x40, s23, s26, $0xb8;
	[tilespmem:$0x1E850] =	vst v63  }
0xc6: {  	s25 =	sadd.s32 $0xFFFFFFFF, s15  }
0xc7: {  	p6 =	slt.u32 s25, s14  }
.Ltmp5:
0xc8: {  	_ = 	snop;
	(pc) =	sbr.rel @p6 .LBB2_5-.Ltmp5, $4  }
.Ltmp6:
0xc9: {  	_ =	swait.ge [sflag:s31], $0x2000;
	(pc) =	sbr.rel @!p6 .LBB2_7-.Ltmp6, $4  }
0xca: {  	[sflag:s31] =	ssyncset.done $0x0  }
0xcb: {  	s7 =	sadd.s32 $0x80, s22;
	[sflag:s31] =	ssyncadd.s32 $0xFFFFE000  }
0xcc: {  	[spmem:s3] =	stream.indirect.scatter.add.f32 [tilespmem:s29], [sflag:$0x6], $0x40, s7, s26, $0xb8;
	[tilespmem:$0x1E850] =	vst v63  }
0xcd: {  	_ = 	snop  }
.LBB2_4:
0xce: {  	[tilespmem:s30], [sflag:$0x4] =	stream.indirect.gather [hbm4b:s19+s26], $0x40, s23, s26, $0xb8;
	[tilespmem:$0x1E850] =	vst v63  }
0xcf: {  	s25 =	sadd.s32 $0xFFFFFFFF, s15  }
0xd0: {  	p6 =	sge.u32 s25, s14  }
.Ltmp7:
0xd1: {  	_ = 	snop;
	(pc) =	sbr.rel @p6 .LBB2_9-.Ltmp7, $4  }
0xd2: {  	_ =	swait.ge [sflag:s31], $0x2000  }
0xd3: {  	[sflag:s31] =	ssyncset.done $0x0  }
0xd4: {  	s7 =	sadd.s32 $0x80, s22;
	[sflag:s31] =	ssyncadd.s32 $0xFFFFE000  }
0xd5: {  	[spmem:s3] =	stream.indirect.scatter.add.f32 [tilespmem:s29], [sflag:$0x6], $0x40, s7, s26, $0xb8;
	[tilespmem:$0x1E850] =	vst v63  }
.LBB2_5:
0xd6: {  	_ =	swait.ge [sflag:s0], $0x2000  }
.Ltmp8:
0xd7: {  	[sflag:s0] =	ssyncset.done $0x0;
	(pc) =	sbr.rel @p3 .LBB2_8-.Ltmp8, $4  }
0xd8: {  	[sflag:s0] =	ssyncadd.s32 $0xFFFFE000  }
0xd9: {  	_ =	swait.ge [sflag:s0], $0x800  }
0xda: {  	[sflag:s0] =	ssyncset.done $0x0  }
0xdb: {  	s22 =	sadd.s32 $0x200, s21;
	[sflag:s0] =	ssyncadd.s32 $0xFFFFF800  }
0xdc: {  	[tilespmem:s28], [sflag:$0x1] =	stream.indirect.gather [hbm4b:s1+s26], $0x40, s22, s26, $0xb8;
	[tilespmem:$0x1E850] =	vst v63  }
.LBB2_7:
0xdd: {  	_ =	swait.ge [sflag:s2], $0x2000  }
0xde: {  	[sflag:s2] =	ssyncset.done $0x0  }
0xdf: {  	s7 =	sadd.s32 $0x4F80, s21;
	[sflag:s2] =	ssyncadd.s32 $0xFFFFE000  }
0xe0: {  	[spmem:s3] =	stream.indirect.scatter.add.f32 [tilespmem:s5], [sflag:$0x7], $0x40, s7, s26, $0xb8;
	[tilespmem:$0x1E850] =	vst v63  }
0xe1: {  	p6 =	slt.u32 s15, s14  }
0xe2: {  	[spmem:s4] =	stream.indirect.scatter.add.f32 [tilespmem:s24], [sflag:$0x7], $0x10, s7, s26, $0xb8;
	[tilespmem:$0x1E850] =	vst v63  }
0xe3: {  	s7 =	simm.s32 @p6 $0x6  }
0xe4: {  	_ =	swait.ge @p6 [sflag:s7], $0x2000  }
0xe5: {  	[sflag:s7] =	ssyncset.done @p6 $0x0  }
0xe6: {  	s16 =	simm.s32 @p6 $0x80;
	[sflag:s7] =	ssyncadd.s32 @p6 $0xFFFFE000;
	s7 =	sshra.s32 @p6 s18, $0x2  }
.Ltmp9:
0xe7: {  	s17 =	simm.s32 @p6 $0xBD00;
	s7 =	sadd.s32 @p6 $0x280, s7;
	(pc) =	sbr.rel .LBB2_10-.Ltmp9, $4  }
0xe8: {  	[tilespmem:s17], [sflag:$0x2] =	stream.indirect.gather @p6 [hbm4b:s1+s16], $0x40, s7, s16, $0xb8;
	[tilespmem:$0x1E850] =	vst v63  }
0xe9: {  	_ =	swait.ge [sflag:s6], $0x2000  }
0xea: {  	[sflag:s6] =	ssyncset.done $0x0  }
0xeb: {  	[sflag:s6] =	ssyncadd.s32 $0xFFFFE000  }
.LBB2_12:
0xec: {  	_ =	sfence.sel $0x180000  }
0xed: {  	[bflag:$0x0] =	sbarrier.arrive $0xFFFF  }
0xee: {  	_ =	strace $0x90000047  }
0xef: {  	s0 =	stileid.u32;
	[bflag:$0x2] =	sbarrier.arrive $0xFFFF  }
0xf0: {  	p0 =	sne.s32 s0, $0x0;
	s0 =	rddreg [dreg:$0x5]  }
0xf1: {  	s0 =	sadd.s32 @!p0 $0x100000, s0  }
0xf2: {  	[sflag:s0] =	ssyncadd.tile.s32 @!p0 $0x1;
	_ =	shalt  }
.Lfunc_end2:
_tile_overlayer_lowered:
.L_overlay_start_2:
0xf3: {  	(tag) =	ssettag $0x2  }
0xf4: {  	s0 =	rddreg [dreg:$0x0];
	s2 =	stileid.u32  }
0xf5: {  	s1 =	rddreg [dreg:$0x1];
	p0 =	sne.s32 s2, $0x0  }
0xf6: {  	s3 =	rddreg [dreg:$0x2];
	[bflag:$0x3] =	sbarrier.arrive $0xFFFF;
	s2 =	simm.s32 @!p0 $0x1C09  }
0xf7: {  	[timem:s3], [sflag:s2] =	dma.local @!p0 [hbm:s0], s1  }
0xf8: {  	s0 =	simm.s32 @!p0 $0x9  }
0xf9: {  	_ =	swait.ge @!p0 [sflag:s0], s1  }
0xfa: {  	s1 =	ssub.s32 @!p0 $0x0, s1;
	[sflag:s0] =	ssyncset.done @!p0 $0x0  }
0xfb: {  	[sflag:s0] =	ssyncadd.s32 @!p0 s1  }
0xfc: {  	[bflag:$0x3] =	sbarrier.arrive $0xFFFF  }
0xfd: {  	_ =	shalt  }

</sc_bundles>
